<compile_context>
chip_gen: v7x
topology: tpu7x:2x2x1
jax: 0.10.2.dev20260603
libtpu: 0.0.44.dev20260713+nightly
codegen_flags: <defaults>
</compile_context>

<pallas_src>
import functools
import math

import jax
import jax.numpy as jnp
from jax import lax
from jax.experimental import pallas as pl
from jax.experimental.pallas import tpu as pltpu
from jax.experimental.pallas import tpu_sc as plsc

VOCAB = 100000
D = 1024
S = 8192
B = 4

NC = 2
NS = 16
NW = NC * NS
S_PER_W = S // NW
C = 16
NCH = S_PER_W // C
NT = NCH * B
NR = 4

NH = S // 64
NL = 64

_LN10000 = math.log(10000.0)




_HPB = 32
_PBS = _HPB * NL


def _inv_denom_cols(shape, dim):
    col = lax.broadcasted_iota(jnp.int32, shape, dim)
    i_val = ((col >> 1) << 1).astype(jnp.float32)
    return jnp.exp(i_val * (_LN10000 / float(D)))


def _pos_body(out_ref, sinl_ref, cosl_ref, a_ref, b_ref):
    g = pl.program_id(0)

    @pl.when(g == 0)
    def _():
        al = lax.broadcasted_iota(jnp.int32, (NL, D), 0).astype(
            jnp.float32
        ) / _inv_denom_cols((NL, D), 1)
        sinl_ref[...] = jnp.sin(al)
        cosl_ref[...] = jnp.cos(al)
        ah = (
            lax.broadcasted_iota(jnp.int32, (NH, D), 0) * 64
        ).astype(jnp.float32) / _inv_denom_cols((NH, D), 1)
        sh = jnp.sin(ah)
        ch_ = jnp.cos(ah)
        col = lax.broadcasted_iota(jnp.int32, (NH, D), 1)
        even = (col & 1) == 0
        a_ref[...] = jnp.where(even, sh, ch_)
        b_ref[...] = jnp.where(even, ch_, -sh)

    hs = pl.ds(g * _HPB, _HPB)
    a = a_ref[hs, :][:, None, :]
    b = b_ref[hs, :][:, None, :]
    sl = sinl_ref[...][None, :, :]
    cl = cosl_ref[...][None, :, :]
    res = a * cl + b * sl
    out_ref[...] = res.reshape(_PBS, D)


def _make_pos():
    return pl.pallas_call(
        _pos_body,
        out_shape=jax.ShapeDtypeStruct((S, D), jnp.float32),
        grid=(S // _PBS,),
        out_specs=pl.BlockSpec((_PBS, D), lambda g: (g, 0)),
        scratch_shapes=[
            pltpu.VMEM((NL, D), jnp.float32),
            pltpu.VMEM((NL, D), jnp.float32),
            pltpu.VMEM((NH, D), jnp.float32),
            pltpu.VMEM((NH, D), jnp.float32),
        ],
    )()




def _add_pos(rows_v, pos_v):
    def add_slice(t, _):
        r = t >> 6
        off = (t & 63) * 16
        rows_v[r, pl.ds(off, 16)] = (
            rows_v[r, pl.ds(off, 16)] + pos_v[r, pl.ds(off, 16)]
        )
        return 0

    lax.fori_loop(0, C * (D // 16), add_slice, 0, unroll=8)


def _sc_body(pos_hbm, x_hbm, tab_hbm, out_hbm, *scr):
    cid = lax.axis_index("c")
    sid = lax.axis_index("s")
    wid = sid * NC + cid
    w0 = wid * S_PER_W

    idx_v = scr[0]
    pos = scr[1:3]
    rows = scr[3 : 3 + NR]
    gsem = scr[3 + NR : 3 + 2 * NR]
    ssem = scr[3 + 2 * NR : 3 + 3 * NR]
    psem = scr[3 + 3 * NR : 3 + 3 * NR + 2]

    def gather_start(ch, b, buf):
        idx = idx_v.at[b, pl.ds(pl.multiple_of(ch * C, C), C)]
        pltpu.make_async_copy(tab_hbm.at[idx], rows[buf], gsem[buf]).start()

    def gather_wait(buf):
        idx = idx_v.at[0, pl.ds(0, C)]
        pltpu.make_async_copy(tab_hbm.at[idx], rows[buf], gsem[buf]).wait()

    def store_start(ch, b, buf):
        base = pl.multiple_of(b * S + w0 + ch * C, C)
        pltpu.make_async_copy(
            rows[buf], out_hbm.at[pl.ds(base, C), :], ssem[buf]
        ).start()

    def store_wait(buf):
        pltpu.make_async_copy(
            rows[buf], out_hbm.at[pl.ds(w0, C), :], ssem[buf]
        ).wait()

    def pos_start(ch, pbuf):
        src = pos_hbm.at[pl.ds(pl.multiple_of(w0 + ch * C, C), C), :]
        pltpu.make_async_copy(src, pos[pbuf], psem[pbuf]).start()

    def pos_wait(pbuf):
        src = pos_hbm.at[pl.ds(pl.multiple_of(w0, C), C), :]
        pltpu.make_async_copy(src, pos[pbuf], psem[pbuf]).wait()

    pos_start(0, 0)
    pos_start(1, 1)
    pltpu.sync_copy(
        x_hbm.at[:, pl.ds(pl.multiple_of(w0, C), S_PER_W)], idx_v
    )
    gather_start(0, 0, 0)

    def body(i, _):
        for half in range(2):
            cc = i * 2 + half
            pbuf = half
            for k in range(B):
                buf = (half * B + k) % NR
                if half * B + k >= NR - 1:
                    store_wait((buf + 1) % NR)
                else:

                    @pl.when(i > 0)
                    def _():
                        store_wait((buf + 1) % NR)

                if k < B - 1:
                    gather_start(cc, k + 1, buf + 1)
                elif half == 0:
                    gather_start(cc + 1, 0, (buf + 1) % NR)
                else:

                    @pl.when(cc < NCH - 1)
                    def _():
                        gather_start(cc + 1, 0, (buf + 1) % NR)

                if k == 0:
                    pos_wait(pbuf)
                gather_wait(buf)
                _add_pos(rows[buf], pos[pbuf])
                store_start(cc, k, buf)
                if k == B - 1:

                    @pl.when(cc + 2 < NCH)
                    def _():
                        pos_start(cc + 2, pbuf)

        return 0

    lax.fori_loop(0, NCH // 2, body, 0)
    for b in range(1, NR):
        store_wait(b)


def _make_sc():
    mesh = plsc.VectorSubcoreMesh(core_axis_name="c", subcore_axis_name="s")
    f32 = jnp.float32
    return functools.partial(
        pl.kernel,
        mesh=mesh,
        out_type=jax.ShapeDtypeStruct((B * S, D), f32),
        scratch_types=[pltpu.VMEM((B, S_PER_W), jnp.int32)]
        + [pltpu.VMEM((C, D), f32)] * (2 + NR)
        + [pltpu.SemaphoreType.DMA] * (2 * NR + 2),
    )(_sc_body)




@jax.jit
def kernel(x, tok_table):
    pos = _make_pos()
    out = _make_sc()(pos, x, tok_table)
    return out.reshape(B, S, D)

# --- scband reference (transcript-rebuilt; emitter-appended) ---
"""Pipeline reference for scband-transformer-embedding-25194278158599 (READ-ONLY COPY).

The authoritative reference and input builder live on the scoring server;
editing this copy changes nothing except your own understanding.
"""

import jax, jax.numpy as jnp
import numpy as np

VOCAB = 100000
D_MODEL = 1024
MAX_LEN = 8192
BATCH = 4
SEQ_LEN = 8192


def _pos_encoding(seq_len, d_model):
    # standard sinusoidal positional encoding (positionalEncoding module)
    pos = jnp.arange(seq_len, dtype=jnp.float32)[:, None]
    i = jnp.arange(0, d_model, 2, dtype=jnp.float32)[None, :]
    angle = pos / jnp.power(10000.0, i / float(d_model))
    pe = jnp.zeros((seq_len, d_model), dtype=jnp.float32)
    pe = pe.at[:, 0::2].set(jnp.sin(angle))
    pe = pe.at[:, 1::2].set(jnp.cos(angle))
    return pe


def setup_inputs(seed: int = 0) -> dict:
    key = jax.random.key(seed)
    k1, k2 = jax.random.split(key)
    x = jax.random.randint(k1, (BATCH, SEQ_LEN), 0, VOCAB, dtype=jnp.int32)
    tok_table = jax.random.normal(k2, (VOCAB, D_MODEL), dtype=jnp.float32)
    return {"x": x, "tok_table": tok_table}


def reference(x, tok_table):
    # tokenEmbedding: gather rows of the learned table (SparseCore gather)
    tok_emb = jnp.take(tok_table, x, axis=0)  # [B, S, D]
    # positionalEncoding: fixed sinusoidal table sliced to seq_len
    pos_emb = _pos_encoding(x.shape[1], D_MODEL)  # [S, D]
    out = tok_emb + pos_emb[None, :, :]
    # nn.Dropout is identity in eval/inference mode
    return out

if __name__ == "__main__":
    import jax
    _d = setup_inputs()
    print(jax.jit(kernel)(*tuple(_d.values())))

</pallas_src>

<mosaic_0001>
#map = affine_map<(d0, d1) -> (0, 0)>
module attributes {stable_mosaic.version = 14 : i64} {
  func.func @_sc_body(%arg0: i32, %arg1: i32, %arg2: memref<8192x1024xf32, #tpu.memory_space<hbm>>, %arg3: memref<4x8192xi32, #tpu.memory_space<hbm>>, %arg4: memref<100000x1024xf32, #tpu.memory_space<hbm>>, %arg5: memref<32768x1024xf32, #tpu.memory_space<hbm>>, %arg6: memref<4x256xi32, #tpu.memory_space<vmem>>, %arg7: memref<16x1024xf32, #tpu.memory_space<vmem>>, %arg8: memref<16x1024xf32, #tpu.memory_space<vmem>>, %arg9: memref<16x1024xf32, #tpu.memory_space<vmem>>, %arg10: memref<16x1024xf32, #tpu.memory_space<vmem>>, %arg11: memref<16x1024xf32, #tpu.memory_space<vmem>>, %arg12: memref<16x1024xf32, #tpu.memory_space<vmem>>, %arg13: memref<!tpu.dma_semaphore, #tpu.memory_space<semaphore_mem>>, %arg14: memref<!tpu.dma_semaphore, #tpu.memory_space<semaphore_mem>>, %arg15: memref<!tpu.dma_semaphore, #tpu.memory_space<semaphore_mem>>, %arg16: memref<!tpu.dma_semaphore, #tpu.memory_space<semaphore_mem>>, %arg17: memref<!tpu.dma_semaphore, #tpu.memory_space<semaphore_mem>>, %arg18: memref<!tpu.dma_semaphore, #tpu.memory_space<semaphore_mem>>, %arg19: memref<!tpu.dma_semaphore, #tpu.memory_space<semaphore_mem>>, %arg20: memref<!tpu.dma_semaphore, #tpu.memory_space<semaphore_mem>>, %arg21: memref<!tpu.dma_semaphore, #tpu.memory_space<semaphore_mem>>, %arg22: memref<!tpu.dma_semaphore, #tpu.memory_space<semaphore_mem>>) attributes {dimension_semantics = [#tpu.dimension_semantics<core_parallel>, #tpu.dimension_semantics<subcore_parallel>], iteration_bounds = array<i64: 2, 16>, scalar_prefetch = 0 : i64, scratch_operands = 17 : i64, tpu.core_type = #tpu.core_type<sc_vector_subcore>, window_params = [{transform_indices = #map}, {transform_indices = #map}, {transform_indices = #map}, {transform_indices = #map}]} {
    %mul3A = arith.constant 2 : i32
    %mul3A_0 = arith.muli %arg1, %mul3A : i32
    %add3A = arith.addi %mul3A_0, %arg0 : i32
    %mul3A_1 = arith.constant 256 : i32
    %mul3A_2 = arith.muli %add3A, %mul3A_1 : i32
    %add3A_3 = arith.constant 0 : i32
    %add3A_4 = arith.addi %mul3A_2, %add3A_3 : i32
    %multiple_of3A = tpu.assume_multiple %add3A_4, 16 : i32
    %dma_start3A = arith.constant 0 : i32
    %dma_start3A_5 = tpu.memref_slice %arg2[%multiple_of3A, %dma_start3A] : memref<8192x1024xf32, #tpu.memory_space<hbm>> -> memref<16x1024xf32, #tpu.memory_space<hbm>>
    %dma_start3A_6 = arith.constant 0 : i32
    %dma_start3A_7 = tpu.memref_slice %arg2[%multiple_of3A, %dma_start3A_6] : memref<8192x1024xf32, #tpu.memory_space<hbm>> -> memref<16x1024xf32, #tpu.memory_space<hbm>>
    tpu.enqueue_dma source(%dma_start3A_7 : memref<16x1024xf32, #tpu.memory_space<hbm>>) target(%arg7 : memref<16x1024xf32, #tpu.memory_space<vmem>>) target_semaphore(%arg21 : memref<!tpu.dma_semaphore, #tpu.memory_space<semaphore_mem>>)
    %add3A_8 = arith.constant 16 : i32
    %add3A_9 = arith.addi %mul3A_2, %add3A_8 : i32
    %multiple_of3A_10 = tpu.assume_multiple %add3A_9, 16 : i32
    %dma_start3A_11 = arith.constant 0 : i32
    %dma_start3A_12 = tpu.memref_slice %arg2[%multiple_of3A_10, %dma_start3A_11] : memref<8192x1024xf32, #tpu.memory_space<hbm>> -> memref<16x1024xf32, #tpu.memory_space<hbm>>
    %dma_start3A_13 = arith.constant 0 : i32
    %dma_start3A_14 = tpu.memref_slice %arg2[%multiple_of3A_10, %dma_start3A_13] : memref<8192x1024xf32, #tpu.memory_space<hbm>> -> memref<16x1024xf32, #tpu.memory_space<hbm>>
    tpu.enqueue_dma source(%dma_start3A_14 : memref<16x1024xf32, #tpu.memory_space<hbm>>) target(%arg8 : memref<16x1024xf32, #tpu.memory_space<vmem>>) target_semaphore(%arg22 : memref<!tpu.dma_semaphore, #tpu.memory_space<semaphore_mem>>)
    %multiple_of3A_15 = tpu.assume_multiple %mul3A_2, 16 : i32
    "tpu.region"() ({
      %run_scoped3A = tpu.sem_alloc : memref<!tpu.dma_semaphore, #tpu.memory_space<semaphore_mem>>
      %dma_start3A_41 = arith.constant 0 : i32
      %dma_start3A_42 = tpu.memref_slice %arg3[%dma_start3A_41, %multiple_of3A_15] : memref<4x8192xi32, #tpu.memory_space<hbm>> -> memref<4x256xi32, #tpu.memory_space<hbm>>
      %dma_start3A_43 = arith.constant 0 : i32
      %dma_start3A_44 = tpu.memref_slice %arg3[%dma_start3A_43, %multiple_of3A_15] : memref<4x8192xi32, #tpu.memory_space<hbm>> -> memref<4x256xi32, #tpu.memory_space<hbm>>
      tpu.enqueue_dma source(%dma_start3A_44 : memref<4x256xi32, #tpu.memory_space<hbm>>) target(%arg6 : memref<4x256xi32, #tpu.memory_space<vmem>>) target_semaphore(%run_scoped3A : memref<!tpu.dma_semaphore, #tpu.memory_space<semaphore_mem>>)
      %dma_wait3A_45 = arith.constant 0 : i32
      %dma_wait3A_46 = tpu.memref_slice %arg3[%dma_wait3A_45, %multiple_of3A_15] : memref<4x8192xi32, #tpu.memory_space<hbm>> -> memref<4x256xi32, #tpu.memory_space<hbm>>
      %dma_wait3A_47 = arith.constant 0 : i32
      %dma_wait3A_48 = tpu.memref_slice %arg3[%dma_wait3A_47, %multiple_of3A_15] : memref<4x8192xi32, #tpu.memory_space<hbm>> -> memref<4x256xi32, #tpu.memory_space<hbm>>
      tpu.wait_dma2 semaphore(%run_scoped3A : memref<!tpu.dma_semaphore, #tpu.memory_space<semaphore_mem>>) src(%dma_wait3A_48 : memref<4x256xi32, #tpu.memory_space<hbm>>) dst(%arg6 : memref<4x256xi32, #tpu.memory_space<vmem>>)
      tpu.yield
    }) : () -> ()
    %multiple_of3A_16 = arith.constant 0 : i32
    %multiple_of3A_17 = tpu.assume_multiple %multiple_of3A_16, 16 : i32
    %dma_start3A_18 = arith.constant 0 : i32
    %dma_start3A_19 = tpu.memref_slice %arg6[%dma_start3A_18, %multiple_of3A_17] : memref<4x256xi32, #tpu.memory_space<vmem>> -> memref<1x16xi32, #tpu.memory_space<vmem>>
    %dma_start3A_20 = tpu.memref_squeeze %dma_start3A_19 : memref<1x16xi32, #tpu.memory_space<vmem>> -> memref<16xi32, #tpu.memory_space<vmem>>
    %dma_start3A_21 = arith.constant 0 : i32
    %dma_start3A_22 = arith.constant 0 : i32
    %dma_start3A_23 = tpu.memref_slice %arg4[%dma_start3A_21, %dma_start3A_22] : memref<100000x1024xf32, #tpu.memory_space<hbm>> -> memref<100000x1024xf32, #tpu.memory_space<hbm>>
    tpu.enqueue_indirect_dma source(%dma_start3A_23 : memref<100000x1024xf32, #tpu.memory_space<hbm>>) target(%arg9 : memref<16x1024xf32, #tpu.memory_space<vmem>>) offsets(%dma_start3A_20 : memref<16xi32, #tpu.memory_space<vmem>>) semaphore(%arg13 : memref<!tpu.dma_semaphore, #tpu.memory_space<semaphore_mem>>)
    %scan3A = arith.constant 0 : i32
    %scan3A_24 = arith.constant 0 : i32
    %scan3A_25 = arith.constant 8 : i32
    %scan3A_26 = arith.addi %scan3A_24, %scan3A_25 : i32
    %scan3A_27 = arith.constant 1 : i32
    %scan3A_28 = scf.for %scan3A_41 = %scan3A_24 to %scan3A_26 step %scan3A_27 iter_args(%scan3A_42 = %scan3A) -> (i32)  : i32 {
      %mul3A_43 = arith.constant 2 : i32
      %mul3A_44 = arith.muli %scan3A_41, %mul3A_43 : i32
      %add3A_45 = arith.constant 0 : i32
      %add3A_46 = arith.addi %mul3A_44, %add3A_45 : i32
      %gt3A = arith.constant 0 : i32
      %gt3A_47 = arith.cmpi sgt, %scan3A_41, %gt3A : i32
      %convert_element_type3A = arith.extui %gt3A_47 : i1 to i32
      %cond3A = arith.constant 0 : i32
      %cond3A_48 = arith.cmpi ne, %convert_element_type3A, %cond3A : i32
      scf.if %cond3A_48 {
        %dma_wait3A_369 = arith.constant 0 : i32
        %dma_wait3A_370 = tpu.memref_slice %arg5[%mul3A_2, %dma_wait3A_369] : memref<32768x1024xf32, #tpu.memory_space<hbm>> -> memref<16x1024xf32, #tpu.memory_space<hbm>>
        %dma_wait3A_371 = arith.constant 0 : i32
        %dma_wait3A_372 = tpu.memref_slice %arg5[%mul3A_2, %dma_wait3A_371] : memref<32768x1024xf32, #tpu.memory_space<hbm>> -> memref<16x1024xf32, #tpu.memory_space<hbm>>
        tpu.wait_dma2 semaphore(%arg18 : memref<!tpu.dma_semaphore, #tpu.memory_space<semaphore_mem>>) src(%arg10 : memref<16x1024xf32, #tpu.memory_space<vmem>>) dst(%dma_wait3A_372 : memref<16x1024xf32, #tpu.memory_space<hbm>>)
      } else {
      }
      %mul3A_49 = arith.constant 16 : i32
      %mul3A_50 = arith.muli %add3A_46, %mul3A_49 : i32
      %multiple_of3A_51 = tpu.assume_multiple %mul3A_50, 16 : i32
      %dma_start3A_52 = arith.constant 1 : i32
      %dma_start3A_53 = tpu.memref_slice %arg6[%dma_start3A_52, %multiple_of3A_51] : memref<4x256xi32, #tpu.memory_space<vmem>> -> memref<1x16xi32, #tpu.memory_space<vmem>>
      %dma_start3A_54 = tpu.memref_squeeze %dma_start3A_53 : memref<1x16xi32, #tpu.memory_space<vmem>> -> memref<16xi32, #tpu.memory_space<vmem>>
      %dma_start3A_55 = arith.constant 0 : i32
      %dma_start3A_56 = arith.constant 0 : i32
      %dma_start3A_57 = tpu.memref_slice %arg4[%dma_start3A_55, %dma_start3A_56] : memref<100000x1024xf32, #tpu.memory_space<hbm>> -> memref<100000x1024xf32, #tpu.memory_space<hbm>>
      tpu.enqueue_indirect_dma source(%dma_start3A_57 : memref<100000x1024xf32, #tpu.memory_space<hbm>>) target(%arg10 : memref<16x1024xf32, #tpu.memory_space<vmem>>) offsets(%dma_start3A_54 : memref<16xi32, #tpu.memory_space<vmem>>) semaphore(%arg14 : memref<!tpu.dma_semaphore, #tpu.memory_space<semaphore_mem>>)
      %multiple_of3A_58 = tpu.assume_multiple %mul3A_2, 16 : i32
      %dma_wait3A_59 = arith.constant 0 : i32
      %dma_wait3A_60 = tpu.memref_slice %arg2[%multiple_of3A_58, %dma_wait3A_59] : memref<8192x1024xf32, #tpu.memory_space<hbm>> -> memref<16x1024xf32, #tpu.memory_space<hbm>>
      %dma_wait3A_61 = arith.constant 0 : i32
      %dma_wait3A_62 = tpu.memref_slice %arg2[%multiple_of3A_58, %dma_wait3A_61] : memref<8192x1024xf32, #tpu.memory_space<hbm>> -> memref<16x1024xf32, #tpu.memory_space<hbm>>
      tpu.wait_dma2 semaphore(%arg21 : memref<!tpu.dma_semaphore, #tpu.memory_space<semaphore_mem>>) src(%dma_wait3A_62 : memref<16x1024xf32, #tpu.memory_space<hbm>>) dst(%arg7 : memref<16x1024xf32, #tpu.memory_space<vmem>>)
      %dma_wait3A_63 = arith.constant 0 : i32
      %dma_wait3A_64 = arith.constant 0 : i32
      %dma_wait3A_65 = tpu.memref_slice %arg6[%dma_wait3A_63, %dma_wait3A_64] : memref<4x256xi32, #tpu.memory_space<vmem>> -> memref<1x16xi32, #tpu.memory_space<vmem>>
      %dma_wait3A_66 = tpu.memref_squeeze %dma_wait3A_65 : memref<1x16xi32, #tpu.memory_space<vmem>> -> memref<16xi32, #tpu.memory_space<vmem>>
      %dma_wait3A_67 = arith.constant 0 : i32
      %dma_wait3A_68 = arith.constant 0 : i32
      %dma_wait3A_69 = tpu.memref_slice %arg4[%dma_wait3A_67, %dma_wait3A_68] : memref<100000x1024xf32, #tpu.memory_space<hbm>> -> memref<100000x1024xf32, #tpu.memory_space<hbm>>
      tpu.wait_indirect_dma semaphore(%arg13 : memref<!tpu.dma_semaphore, #tpu.memory_space<semaphore_mem>>) src(%dma_wait3A_69 : memref<100000x1024xf32, #tpu.memory_space<hbm>>) dst(%arg9 : memref<16x1024xf32, #tpu.memory_space<vmem>>)
      %scan3A_70 = arith.constant 0 : i32
      %scan3A_71 = arith.constant 0 : i32
      %scan3A_72 = arith.constant 1024 : i32
      %scan3A_73 = arith.addi %scan3A_71, %scan3A_72 : i32
      %scan3A_74 = arith.constant 8 : i32
      %scan3A_75 = scf.for %scan3A_369 = %scan3A_71 to %scan3A_73 step %scan3A_74 iter_args(%scan3A_370 = %scan3A_70) -> (i32)  : i32 {
        %shift_right_arithmetic3A = arith.constant 6 : i32
        %shift_right_arithmetic3A_371 = arith.shrsi %scan3A_369, %shift_right_arithmetic3A : i32
        %and3A = arith.constant 63 : i32
        %and3A_372 = arith.andi %scan3A_369, %and3A : i32
        %mul3A_373 = arith.constant 16 : i32
        %mul3A_374 = arith.muli %and3A_372, %mul3A_373 : i32
        %get3A = arith.index_cast %shift_right_arithmetic3A_371 : i32 to index
        %get3A_375 = arith.index_cast %mul3A_374 : i32 to index
        %get3A_376 = tpu.vector_load %arg9[%get3A, %get3A_375] {strides = array<i32>} : memref<16x1024xf32, #tpu.memory_space<vmem>>, vector<1x16xf32>,
        %get3A_377 = vector.shape_cast %get3A_376 : vector<1x16xf32> to vector<16xf32>
        %get3A_378 = arith.index_cast %shift_right_arithmetic3A_371 : i32 to index
        %get3A_379 = arith.index_cast %mul3A_374 : i32 to index
        %get3A_380 = tpu.vector_load %arg7[%get3A_378, %get3A_379] {strides = array<i32>} : memref<16x1024xf32, #tpu.memory_space<vmem>>, vector<1x16xf32>,
        %get3A_381 = vector.shape_cast %get3A_380 : vector<1x16xf32> to vector<16xf32>
        %add3A_382 = arith.addf %get3A_377, %get3A_381 : vector<16xf32>
        %swap3A = arith.index_cast %shift_right_arithmetic3A_371 : i32 to index
        %swap3A_383 = arith.index_cast %mul3A_374 : i32 to index
        %swap3A_384 = tpu.vector_load %arg9[%swap3A, %swap3A_383] {strides = array<i32>} : memref<16x1024xf32, #tpu.memory_space<vmem>>, vector<1x16xf32>,
        %swap3A_385 = vector.shape_cast %swap3A_384 : vector<1x16xf32> to vector<16xf32>
        %swap3A_386 = vector.shape_cast %add3A_382 : vector<16xf32> to vector<1x16xf32>
        tpu.vector_store %arg9[%swap3A, %swap3A_383], %swap3A_386 {strides = array<i32>} : memref<16x1024xf32, #tpu.memory_space<vmem>>, vector<1x16xf32>,
        %scan3A_387 = arith.constant 0 : i32
        %scan3A_388 = arith.constant 1 : i32
        %scan3A_389 = arith.addi %scan3A_369, %scan3A_388 : i32
        %shift_right_arithmetic3A_390 = arith.constant 6 : i32
        %shift_right_arithmetic3A_391 = arith.shrsi %scan3A_389, %shift_right_arithmetic3A_390 : i32
        %and3A_392 = arith.constant 63 : i32
        %and3A_393 = arith.andi %scan3A_389, %and3A_392 : i32
        %mul3A_394 = arith.constant 16 : i32
        %mul3A_395 = arith.muli %and3A_393, %mul3A_394 : i32
        %get3A_396 = arith.index_cast %shift_right_arithmetic3A_391 : i32 to index
        %get3A_397 = arith.index_cast %mul3A_395 : i32 to index
        %get3A_398 = tpu.vector_load %arg9[%get3A_396, %get3A_397] {strides = array<i32>} : memref<16x1024xf32, #tpu.memory_space<vmem>>, vector<1x16xf32>,
        %get3A_399 = vector.shape_cast %get3A_398 : vector<1x16xf32> to vector<16xf32>
        %get3A_400 = arith.index_cast %shift_right_arithmetic3A_391 : i32 to index
        %get3A_401 = arith.index_cast %mul3A_395 : i32 to index
        %get3A_402 = tpu.vector_load %arg7[%get3A_400, %get3A_401] {strides = array<i32>} : memref<16x1024xf32, #tpu.memory_space<vmem>>, vector<1x16xf32>,
        %get3A_403 = vector.shape_cast %get3A_402 : vector<1x16xf32> to vector<16xf32>
        %add3A_404 = arith.addf %get3A_399, %get3A_403 : vector<16xf32>
        %swap3A_405 = arith.index_cast %shift_right_arithmetic3A_391 : i32 to index
        %swap3A_406 = arith.index_cast %mul3A_395 : i32 to index
        %swap3A_407 = tpu.vector_load %arg9[%swap3A_405, %swap3A_406] {strides = array<i32>} : memref<16x1024xf32, #tpu.memory_space<vmem>>, vector<1x16xf32>,
        %swap3A_408 = vector.shape_cast %swap3A_407 : vector<1x16xf32> to vector<16xf32>
        %swap3A_409 = vector.shape_cast %add3A_404 : vector<16xf32> to vector<1x16xf32>
        tpu.vector_store %arg9[%swap3A_405, %swap3A_406], %swap3A_409 {strides = array<i32>} : memref<16x1024xf32, #tpu.memory_space<vmem>>, vector<1x16xf32>,
        %scan3A_410 = arith.constant 0 : i32
        %scan3A_411 = arith.constant 2 : i32
        %scan3A_412 = arith.addi %scan3A_369, %scan3A_411 : i32
        %shift_right_arithmetic3A_413 = arith.constant 6 : i32
        %shift_right_arithmetic3A_414 = arith.shrsi %scan3A_412, %shift_right_arithmetic3A_413 : i32
        %and3A_415 = arith.constant 63 : i32
        %and3A_416 = arith.andi %scan3A_412, %and3A_415 : i32
        %mul3A_417 = arith.constant 16 : i32
        %mul3A_418 = arith.muli %and3A_416, %mul3A_417 : i32
        %get3A_419 = arith.index_cast %shift_right_arithmetic3A_414 : i32 to index
        %get3A_420 = arith.index_cast %mul3A_418 : i32 to index
        %get3A_421 = tpu.vector_load %arg9[%get3A_419, %get3A_420] {strides = array<i32>} : memref<16x1024xf32, #tpu.memory_space<vmem>>, vector<1x16xf32>,
        %get3A_422 = vector.shape_cast %get3A_421 : vector<1x16xf32> to vector<16xf32>
        %get3A_423 = arith.index_cast %shift_right_arithmetic3A_414 : i32 to index
        %get3A_424 = arith.index_cast %mul3A_418 : i32 to index
        %get3A_425 = tpu.vector_load %arg7[%get3A_423, %get3A_424] {strides = array<i32>} : memref<16x1024xf32, #tpu.memory_space<vmem>>, vector<1x16xf32>,
        %get3A_426 = vector.shape_cast %get3A_425 : vector<1x16xf32> to vector<16xf32>
        %add3A_427 = arith.addf %get3A_422, %get3A_426 : vector<16xf32>
        %swap3A_428 = arith.index_cast %shift_right_arithmetic3A_414 : i32 to index
        %swap3A_429 = arith.index_cast %mul3A_418 : i32 to index
        %swap3A_430 = tpu.vector_load %arg9[%swap3A_428, %swap3A_429] {strides = array<i32>} : memref<16x1024xf32, #tpu.memory_space<vmem>>, vector<1x16xf32>,
        %swap3A_431 = vector.shape_cast %swap3A_430 : vector<1x16xf32> to vector<16xf32>
        %swap3A_432 = vector.shape_cast %add3A_427 : vector<16xf32> to vector<1x16xf32>
        tpu.vector_store %arg9[%swap3A_428, %swap3A_429], %swap3A_432 {strides = array<i32>} : memref<16x1024xf32, #tpu.memory_space<vmem>>, vector<1x16xf32>,
        %scan3A_433 = arith.constant 0 : i32
        %scan3A_434 = arith.constant 3 : i32
        %scan3A_435 = arith.addi %scan3A_369, %scan3A_434 : i32
        %shift_right_arithmetic3A_436 = arith.constant 6 : i32
        %shift_right_arithmetic3A_437 = arith.shrsi %scan3A_435, %shift_right_arithmetic3A_436 : i32
        %and3A_438 = arith.constant 63 : i32
        %and3A_439 = arith.andi %scan3A_435, %and3A_438 : i32
        %mul3A_440 = arith.constant 16 : i32
        %mul3A_441 = arith.muli %and3A_439, %mul3A_440 : i32
        %get3A_442 = arith.index_cast %shift_right_arithmetic3A_437 : i32 to index
        %get3A_443 = arith.index_cast %mul3A_441 : i32 to index
        %get3A_444 = tpu.vector_load %arg9[%get3A_442, %get3A_443] {strides = array<i32>} : memref<16x1024xf32, #tpu.memory_space<vmem>>, vector<1x16xf32>,
        %get3A_445 = vector.shape_cast %get3A_444 : vector<1x16xf32> to vector<16xf32>
        %get3A_446 = arith.index_cast %shift_right_arithmetic3A_437 : i32 to index
        %get3A_447 = arith.index_cast %mul3A_441 : i32 to index
        %get3A_448 = tpu.vector_load %arg7[%get3A_446, %get3A_447] {strides = array<i32>} : memref<16x1024xf32, #tpu.memory_space<vmem>>, vector<1x16xf32>,
        %get3A_449 = vector.shape_cast %get3A_448 : vector<1x16xf32> to vector<16xf32>
        %add3A_450 = arith.addf %get3A_445, %get3A_449 : vector<16xf32>
        %swap3A_451 = arith.index_cast %shift_right_arithmetic3A_437 : i32 to index
        %swap3A_452 = arith.index_cast %mul3A_441 : i32 to index
        %swap3A_453 = tpu.vector_load %arg9[%swap3A_451, %swap3A_452] {strides = array<i32>} : memref<16x1024xf32, #tpu.memory_space<vmem>>, vector<1x16xf32>,
        %swap3A_454 = vector.shape_cast %swap3A_453 : vector<1x16xf32> to vector<16xf32>
        %swap3A_455 = vector.shape_cast %add3A_450 : vector<16xf32> to vector<1x16xf32>
        tpu.vector_store %arg9[%swap3A_451, %swap3A_452], %swap3A_455 {strides = array<i32>} : memref<16x1024xf32, #tpu.memory_space<vmem>>, vector<1x16xf32>,
        %scan3A_456 = arith.constant 0 : i32
        %scan3A_457 = arith.constant 4 : i32
        %scan3A_458 = arith.addi %scan3A_369, %scan3A_457 : i32
        %shift_right_arithmetic3A_459 = arith.constant 6 : i32
        %shift_right_arithmetic3A_460 = arith.shrsi %scan3A_458, %shift_right_arithmetic3A_459 : i32
        %and3A_461 = arith.constant 63 : i32
        %and3A_462 = arith.andi %scan3A_458, %and3A_461 : i32
        %mul3A_463 = arith.constant 16 : i32
        %mul3A_464 = arith.muli %and3A_462, %mul3A_463 : i32
        %get3A_465 = arith.index_cast %shift_right_arithmetic3A_460 : i32 to index
        %get3A_466 = arith.index_cast %mul3A_464 : i32 to index
        %get3A_467 = tpu.vector_load %arg9[%get3A_465, %get3A_466] {strides = array<i32>} : memref<16x1024xf32, #tpu.memory_space<vmem>>, vector<1x16xf32>,
        %get3A_468 = vector.shape_cast %get3A_467 : vector<1x16xf32> to vector<16xf32>
        %get3A_469 = arith.index_cast %shift_right_arithmetic3A_460 : i32 to index
        %get3A_470 = arith.index_cast %mul3A_464 : i32 to index
        %get3A_471 = tpu.vector_load %arg7[%get3A_469, %get3A_470] {strides = array<i32>} : memref<16x1024xf32, #tpu.memory_space<vmem>>, vector<1x16xf32>,
        %get3A_472 = vector.shape_cast %get3A_471 : vector<1x16xf32> to vector<16xf32>
        %add3A_473 = arith.addf %get3A_468, %get3A_472 : vector<16xf32>
        %swap3A_474 = arith.index_cast %shift_right_arithmetic3A_460 : i32 to index
        %swap3A_475 = arith.index_cast %mul3A_464 : i32 to index
        %swap3A_476 = tpu.vector_load %arg9[%swap3A_474, %swap3A_475] {strides = array<i32>} : memref<16x1024xf32, #tpu.memory_space<vmem>>, vector<1x16xf32>,
        %swap3A_477 = vector.shape_cast %swap3A_476 : vector<1x16xf32> to vector<16xf32>
        %swap3A_478 = vector.shape_cast %add3A_473 : vector<16xf32> to vector<1x16xf32>
        tpu.vector_store %arg9[%swap3A_474, %swap3A_475], %swap3A_478 {strides = array<i32>} : memref<16x1024xf32, #tpu.memory_space<vmem>>, vector<1x16xf32>,
        %scan3A_479 = arith.constant 0 : i32
        %scan3A_480 = arith.constant 5 : i32
        %scan3A_481 = arith.addi %scan3A_369, %scan3A_480 : i32
        %shift_right_arithmetic3A_482 = arith.constant 6 : i32
        %shift_right_arithmetic3A_483 = arith.shrsi %scan3A_481, %shift_right_arithmetic3A_482 : i32
        %and3A_484 = arith.constant 63 : i32
        %and3A_485 = arith.andi %scan3A_481, %and3A_484 : i32
        %mul3A_486 = arith.constant 16 : i32
        %mul3A_487 = arith.muli %and3A_485, %mul3A_486 : i32
        %get3A_488 = arith.index_cast %shift_right_arithmetic3A_483 : i32 to index
        %get3A_489 = arith.index_cast %mul3A_487 : i32 to index
        %get3A_490 = tpu.vector_load %arg9[%get3A_488, %get3A_489] {strides = array<i32>} : memref<16x1024xf32, #tpu.memory_space<vmem>>, vector<1x16xf32>,
        %get3A_491 = vector.shape_cast %get3A_490 : vector<1x16xf32> to vector<16xf32>
        %get3A_492 = arith.index_cast %shift_right_arithmetic3A_483 : i32 to index
        %get3A_493 = arith.index_cast %mul3A_487 : i32 to index
        %get3A_494 = tpu.vector_load %arg7[%get3A_492, %get3A_493] {strides = array<i32>} : memref<16x1024xf32, #tpu.memory_space<vmem>>, vector<1x16xf32>,
        %get3A_495 = vector.shape_cast %get3A_494 : vector<1x16xf32> to vector<16xf32>
        %add3A_496 = arith.addf %get3A_491, %get3A_495 : vector<16xf32>
        %swap3A_497 = arith.index_cast %shift_right_arithmetic3A_483 : i32 to index
        %swap3A_498 = arith.index_cast %mul3A_487 : i32 to index
        %swap3A_499 = tpu.vector_load %arg9[%swap3A_497, %swap3A_498] {strides = array<i32>} : memref<16x1024xf32, #tpu.memory_space<vmem>>, vector<1x16xf32>,
        %swap3A_500 = vector.shape_cast %swap3A_499 : vector<1x16xf32> to vector<16xf32>
        %swap3A_501 = vector.shape_cast %add3A_496 : vector<16xf32> to vector<1x16xf32>
        tpu.vector_store %arg9[%swap3A_497, %swap3A_498], %swap3A_501 {strides = array<i32>} : memref<16x1024xf32, #tpu.memory_space<vmem>>, vector<1x16xf32>,
        %scan3A_502 = arith.constant 0 : i32
        %scan3A_503 = arith.constant 6 : i32
        %scan3A_504 = arith.addi %scan3A_369, %scan3A_503 : i32
        %shift_right_arithmetic3A_505 = arith.constant 6 : i32
        %shift_right_arithmetic3A_506 = arith.shrsi %scan3A_504, %shift_right_arithmetic3A_505 : i32
        %and3A_507 = arith.constant 63 : i32
        %and3A_508 = arith.andi %scan3A_504, %and3A_507 : i32
        %mul3A_509 = arith.constant 16 : i32
        %mul3A_510 = arith.muli %and3A_508, %mul3A_509 : i32
        %get3A_511 = arith.index_cast %shift_right_arithmetic3A_506 : i32 to index
        %get3A_512 = arith.index_cast %mul3A_510 : i32 to index
        %get3A_513 = tpu.vector_load %arg9[%get3A_511, %get3A_512] {strides = array<i32>} : memref<16x1024xf32, #tpu.memory_space<vmem>>, vector<1x16xf32>,
        %get3A_514 = vector.shape_cast %get3A_513 : vector<1x16xf32> to vector<16xf32>
        %get3A_515 = arith.index_cast %shift_right_arithmetic3A_506 : i32 to index
        %get3A_516 = arith.index_cast %mul3A_510 : i32 to index
        %get3A_517 = tpu.vector_load %arg7[%get3A_515, %get3A_516] {strides = array<i32>} : memref<16x1024xf32, #tpu.memory_space<vmem>>, vector<1x16xf32>,
        %get3A_518 = vector.shape_cast %get3A_517 : vector<1x16xf32> to vector<16xf32>
        %add3A_519 = arith.addf %get3A_514, %get3A_518 : vector<16xf32>
        %swap3A_520 = arith.index_cast %shift_right_arithmetic3A_506 : i32 to index
        %swap3A_521 = arith.index_cast %mul3A_510 : i32 to index
        %swap3A_522 = tpu.vector_load %arg9[%swap3A_520, %swap3A_521] {strides = array<i32>} : memref<16x1024xf32, #tpu.memory_space<vmem>>, vector<1x16xf32>,
        %swap3A_523 = vector.shape_cast %swap3A_522 : vector<1x16xf32> to vector<16xf32>
        %swap3A_524 = vector.shape_cast %add3A_519 : vector<16xf32> to vector<1x16xf32>
        tpu.vector_store %arg9[%swap3A_520, %swap3A_521], %swap3A_524 {strides = array<i32>} : memref<16x1024xf32, #tpu.memory_space<vmem>>, vector<1x16xf32>,
        %scan3A_525 = arith.constant 0 : i32
        %scan3A_526 = arith.constant 7 : i32
        %scan3A_527 = arith.addi %scan3A_369, %scan3A_526 : i32
        %shift_right_arithmetic3A_528 = arith.constant 6 : i32
        %shift_right_arithmetic3A_529 = arith.shrsi %scan3A_527, %shift_right_arithmetic3A_528 : i32
        %and3A_530 = arith.constant 63 : i32
        %and3A_531 = arith.andi %scan3A_527, %and3A_530 : i32
        %mul3A_532 = arith.constant 16 : i32
        %mul3A_533 = arith.muli %and3A_531, %mul3A_532 : i32
        %get3A_534 = arith.index_cast %shift_right_arithmetic3A_529 : i32 to index
        %get3A_535 = arith.index_cast %mul3A_533 : i32 to index
        %get3A_536 = tpu.vector_load %arg9[%get3A_534, %get3A_535] {strides = array<i32>} : memref<16x1024xf32, #tpu.memory_space<vmem>>, vector<1x16xf32>,
        %get3A_537 = vector.shape_cast %get3A_536 : vector<1x16xf32> to vector<16xf32>
        %get3A_538 = arith.index_cast %shift_right_arithmetic3A_529 : i32 to index
        %get3A_539 = arith.index_cast %mul3A_533 : i32 to index
        %get3A_540 = tpu.vector_load %arg7[%get3A_538, %get3A_539] {strides = array<i32>} : memref<16x1024xf32, #tpu.memory_space<vmem>>, vector<1x16xf32>,
        %get3A_541 = vector.shape_cast %get3A_540 : vector<1x16xf32> to vector<16xf32>
        %add3A_542 = arith.addf %get3A_537, %get3A_541 : vector<16xf32>
        %swap3A_543 = arith.index_cast %shift_right_arithmetic3A_529 : i32 to index
        %swap3A_544 = arith.index_cast %mul3A_533 : i32 to index
        %swap3A_545 = tpu.vector_load %arg9[%swap3A_543, %swap3A_544] {strides = array<i32>} : memref<16x1024xf32, #tpu.memory_space<vmem>>, vector<1x16xf32>,
        %swap3A_546 = vector.shape_cast %swap3A_545 : vector<1x16xf32> to vector<16xf32>
        %swap3A_547 = vector.shape_cast %add3A_542 : vector<16xf32> to vector<1x16xf32>
        tpu.vector_store %arg9[%swap3A_543, %swap3A_544], %swap3A_547 {strides = array<i32>} : memref<16x1024xf32, #tpu.memory_space<vmem>>, vector<1x16xf32>,
        %scan3A_548 = arith.constant 0 : i32
        scf.yield %scan3A_548 : i32
      }
      %scan3A_76 = arith.constant 1024 : i32
      %add3A_77 = arith.constant 0 : i32
      %add3A_78 = arith.addi %add3A_77, %mul3A_2 : i32
      %mul3A_79 = arith.constant 16 : i32
      %mul3A_80 = arith.muli %add3A_46, %mul3A_79 : i32
      %add3A_81 = arith.addi %add3A_78, %mul3A_80 : i32
      %multiple_of3A_82 = tpu.assume_multiple %add3A_81, 16 : i32
      %dma_start3A_83 = arith.constant 0 : i32
      %dma_start3A_84 = tpu.memref_slice %arg5[%multiple_of3A_82, %dma_start3A_83] : memref<32768x1024xf32, #tpu.memory_space<hbm>> -> memref<16x1024xf32, #tpu.memory_space<hbm>>
      %dma_start3A_85 = arith.constant 0 : i32
      %dma_start3A_86 = tpu.memref_slice %arg5[%multiple_of3A_82, %dma_start3A_85] : memref<32768x1024xf32, #tpu.memory_space<hbm>> -> memref<16x1024xf32, #tpu.memory_space<hbm>>
      tpu.enqueue_dma source(%arg9 : memref<16x1024xf32, #tpu.memory_space<vmem>>) target(%dma_start3A_86 : memref<16x1024xf32, #tpu.memory_space<hbm>>) target_semaphore(%arg17 : memref<!tpu.dma_semaphore, #tpu.memory_space<semaphore_mem>>)
      %gt3A_87 = arith.constant 0 : i32
      %gt3A_88 = arith.cmpi sgt, %scan3A_41, %gt3A_87 : i32
      %convert_element_type3A_89 = arith.extui %gt3A_88 : i1 to i32
      %cond3A_90 = arith.constant 0 : i32
      %cond3A_91 = arith.cmpi ne, %convert_element_type3A_89, %cond3A_90 : i32
      scf.if %cond3A_91 {
        %dma_wait3A_369 = arith.constant 0 : i32
        %dma_wait3A_370 = tpu.memref_slice %arg5[%mul3A_2, %dma_wait3A_369] : memref<32768x1024xf32, #tpu.memory_space<hbm>> -> memref<16x1024xf32, #tpu.memory_space<hbm>>
        %dma_wait3A_371 = arith.constant 0 : i32
        %dma_wait3A_372 = tpu.memref_slice %arg5[%mul3A_2, %dma_wait3A_371] : memref<32768x1024xf32, #tpu.memory_space<hbm>> -> memref<16x1024xf32, #tpu.memory_space<hbm>>
        tpu.wait_dma2 semaphore(%arg19 : memref<!tpu.dma_semaphore, #tpu.memory_space<semaphore_mem>>) src(%arg11 : memref<16x1024xf32, #tpu.memory_space<vmem>>) dst(%dma_wait3A_372 : memref<16x1024xf32, #tpu.memory_space<hbm>>)
      } else {
      }
      %mul3A_92 = arith.constant 16 : i32
      %mul3A_93 = arith.muli %add3A_46, %mul3A_92 : i32
      %multiple_of3A_94 = tpu.assume_multiple %mul3A_93, 16 : i32
      %dma_start3A_95 = arith.constant 2 : i32
      %dma_start3A_96 = tpu.memref_slice %arg6[%dma_start3A_95, %multiple_of3A_94] : memref<4x256xi32, #tpu.memory_space<vmem>> -> memref<1x16xi32, #tpu.memory_space<vmem>>
      %dma_start3A_97 = tpu.memref_squeeze %dma_start3A_96 : memref<1x16xi32, #tpu.memory_space<vmem>> -> memref<16xi32, #tpu.memory_space<vmem>>
      %dma_start3A_98 = arith.constant 0 : i32
      %dma_start3A_99 = arith.constant 0 : i32
      %dma_start3A_100 = tpu.memref_slice %arg4[%dma_start3A_98, %dma_start3A_99] : memref<100000x1024xf32, #tpu.memory_space<hbm>> -> memref<100000x1024xf32, #tpu.memory_space<hbm>>
      tpu.enqueue_indirect_dma source(%dma_start3A_100 : memref<100000x1024xf32, #tpu.memory_space<hbm>>) target(%arg11 : memref<16x1024xf32, #tpu.memory_space<vmem>>) offsets(%dma_start3A_97 : memref<16xi32, #tpu.memory_space<vmem>>) semaphore(%arg15 : memref<!tpu.dma_semaphore, #tpu.memory_space<semaphore_mem>>)
      %dma_wait3A_101 = arith.constant 0 : i32
      %dma_wait3A_102 = arith.constant 0 : i32
      %dma_wait3A_103 = tpu.memref_slice %arg6[%dma_wait3A_101, %dma_wait3A_102] : memref<4x256xi32, #tpu.memory_space<vmem>> -> memref<1x16xi32, #tpu.memory_space<vmem>>
      %dma_wait3A_104 = tpu.memref_squeeze %dma_wait3A_103 : memref<1x16xi32, #tpu.memory_space<vmem>> -> memref<16xi32, #tpu.memory_space<vmem>>
      %dma_wait3A_105 = arith.constant 0 : i32
      %dma_wait3A_106 = arith.constant 0 : i32
      %dma_wait3A_107 = tpu.memref_slice %arg4[%dma_wait3A_105, %dma_wait3A_106] : memref<100000x1024xf32, #tpu.memory_space<hbm>> -> memref<100000x1024xf32, #tpu.memory_space<hbm>>
      tpu.wait_indirect_dma semaphore(%arg14 : memref<!tpu.dma_semaphore, #tpu.memory_space<semaphore_mem>>) src(%dma_wait3A_107 : memref<100000x1024xf32, #tpu.memory_space<hbm>>) dst(%arg10 : memref<16x1024xf32, #tpu.memory_space<vmem>>)
      %scan3A_108 = arith.constant 0 : i32
      %scan3A_109 = arith.constant 0 : i32
      %scan3A_110 = arith.constant 1024 : i32
      %scan3A_111 = arith.addi %scan3A_109, %scan3A_110 : i32
      %scan3A_112 = arith.constant 8 : i32
      %scan3A_113 = scf.for %scan3A_369 = %scan3A_109 to %scan3A_111 step %scan3A_112 iter_args(%scan3A_370 = %scan3A_108) -> (i32)  : i32 {
        %shift_right_arithmetic3A = arith.constant 6 : i32
        %shift_right_arithmetic3A_371 = arith.shrsi %scan3A_369, %shift_right_arithmetic3A : i32
        %and3A = arith.constant 63 : i32
        %and3A_372 = arith.andi %scan3A_369, %and3A : i32
        %mul3A_373 = arith.constant 16 : i32
        %mul3A_374 = arith.muli %and3A_372, %mul3A_373 : i32
        %get3A = arith.index_cast %shift_right_arithmetic3A_371 : i32 to index
        %get3A_375 = arith.index_cast %mul3A_374 : i32 to index
        %get3A_376 = tpu.vector_load %arg10[%get3A, %get3A_375] {strides = array<i32>} : memref<16x1024xf32, #tpu.memory_space<vmem>>, vector<1x16xf32>,
        %get3A_377 = vector.shape_cast %get3A_376 : vector<1x16xf32> to vector<16xf32>
        %get3A_378 = arith.index_cast %shift_right_arithmetic3A_371 : i32 to index
        %get3A_379 = arith.index_cast %mul3A_374 : i32 to index
        %get3A_380 = tpu.vector_load %arg7[%get3A_378, %get3A_379] {strides = array<i32>} : memref<16x1024xf32, #tpu.memory_space<vmem>>, vector<1x16xf32>,
        %get3A_381 = vector.shape_cast %get3A_380 : vector<1x16xf32> to vector<16xf32>
        %add3A_382 = arith.addf %get3A_377, %get3A_381 : vector<16xf32>
        %swap3A = arith.index_cast %shift_right_arithmetic3A_371 : i32 to index
        %swap3A_383 = arith.index_cast %mul3A_374 : i32 to index
        %swap3A_384 = tpu.vector_load %arg10[%swap3A, %swap3A_383] {strides = array<i32>} : memref<16x1024xf32, #tpu.memory_space<vmem>>, vector<1x16xf32>,
        %swap3A_385 = vector.shape_cast %swap3A_384 : vector<1x16xf32> to vector<16xf32>
        %swap3A_386 = vector.shape_cast %add3A_382 : vector<16xf32> to vector<1x16xf32>
        tpu.vector_store %arg10[%swap3A, %swap3A_383], %swap3A_386 {strides = array<i32>} : memref<16x1024xf32, #tpu.memory_space<vmem>>, vector<1x16xf32>,
        %scan3A_387 = arith.constant 0 : i32
        %scan3A_388 = arith.constant 1 : i32
        %scan3A_389 = arith.addi %scan3A_369, %scan3A_388 : i32
        %shift_right_arithmetic3A_390 = arith.constant 6 : i32
        %shift_right_arithmetic3A_391 = arith.shrsi %scan3A_389, %shift_right_arithmetic3A_390 : i32
        %and3A_392 = arith.constant 63 : i32
        %and3A_393 = arith.andi %scan3A_389, %and3A_392 : i32
        %mul3A_394 = arith.constant 16 : i32
        %mul3A_395 = arith.muli %and3A_393, %mul3A_394 : i32
        %get3A_396 = arith.index_cast %shift_right_arithmetic3A_391 : i32 to index
        %get3A_397 = arith.index_cast %mul3A_395 : i32 to index
        %get3A_398 = tpu.vector_load %arg10[%get3A_396, %get3A_397] {strides = array<i32>} : memref<16x1024xf32, #tpu.memory_space<vmem>>, vector<1x16xf32>,
        %get3A_399 = vector.shape_cast %get3A_398 : vector<1x16xf32> to vector<16xf32>
        %get3A_400 = arith.index_cast %shift_right_arithmetic3A_391 : i32 to index
        %get3A_401 = arith.index_cast %mul3A_395 : i32 to index
        %get3A_402 = tpu.vector_load %arg7[%get3A_400, %get3A_401] {strides = array<i32>} : memref<16x1024xf32, #tpu.memory_space<vmem>>, vector<1x16xf32>,
        %get3A_403 = vector.shape_cast %get3A_402 : vector<1x16xf32> to vector<16xf32>
        %add3A_404 = arith.addf %get3A_399, %get3A_403 : vector<16xf32>
        %swap3A_405 = arith.index_cast %shift_right_arithmetic3A_391 : i32 to index
        %swap3A_406 = arith.index_cast %mul3A_395 : i32 to index
        %swap3A_407 = tpu.vector_load %arg10[%swap3A_405, %swap3A_406] {strides = array<i32>} : memref<16x1024xf32, #tpu.memory_space<vmem>>, vector<1x16xf32>,
        %swap3A_408 = vector.shape_cast %swap3A_407 : vector<1x16xf32> to vector<16xf32>
        %swap3A_409 = vector.shape_cast %add3A_404 : vector<16xf32> to vector<1x16xf32>
        tpu.vector_store %arg10[%swap3A_405, %swap3A_406], %swap3A_409 {strides = array<i32>} : memref<16x1024xf32, #tpu.memory_space<vmem>>, vector<1x16xf32>,
        %scan3A_410 = arith.constant 0 : i32
        %scan3A_411 = arith.constant 2 : i32
        %scan3A_412 = arith.addi %scan3A_369, %scan3A_411 : i32
        %shift_right_arithmetic3A_413 = arith.constant 6 : i32
        %shift_right_arithmetic3A_414 = arith.shrsi %scan3A_412, %shift_right_arithmetic3A_413 : i32
        %and3A_415 = arith.constant 63 : i32
        %and3A_416 = arith.andi %scan3A_412, %and3A_415 : i32
        %mul3A_417 = arith.constant 16 : i32
        %mul3A_418 = arith.muli %and3A_416, %mul3A_417 : i32
        %get3A_419 = arith.index_cast %shift_right_arithmetic3A_414 : i32 to index
        %get3A_420 = arith.index_cast %mul3A_418 : i32 to index
        %get3A_421 = tpu.vector_load %arg10[%get3A_419, %get3A_420] {strides = array<i32>} : memref<16x1024xf32, #tpu.memory_space<vmem>>, vector<1x16xf32>,
        %get3A_422 = vector.shape_cast %get3A_421 : vector<1x16xf32> to vector<16xf32>
        %get3A_423 = arith.index_cast %shift_right_arithmetic3A_414 : i32 to index
        %get3A_424 = arith.index_cast %mul3A_418 : i32 to index
        %get3A_425 = tpu.vector_load %arg7[%get3A_423, %get3A_424] {strides = array<i32>} : memref<16x1024xf32, #tpu.memory_space<vmem>>, vector<1x16xf32>,
        %get3A_426 = vector.shape_cast %get3A_425 : vector<1x16xf32> to vector<16xf32>
        %add3A_427 = arith.addf %get3A_422, %get3A_426 : vector<16xf32>
        %swap3A_428 = arith.index_cast %shift_right_arithmetic3A_414 : i32 to index
        %swap3A_429 = arith.index_cast %mul3A_418 : i32 to index
        %swap3A_430 = tpu.vector_load %arg10[%swap3A_428, %swap3A_429] {strides = array<i32>} : memref<16x1024xf32, #tpu.memory_space<vmem>>, vector<1x16xf32>,
        %swap3A_431 = vector.shape_cast %swap3A_430 : vector<1x16xf32> to vector<16xf32>
        %swap3A_432 = vector.shape_cast %add3A_427 : vector<16xf32> to vector<1x16xf32>
        tpu.vector_store %arg10[%swap3A_428, %swap3A_429], %swap3A_432 {strides = array<i32>} : memref<16x1024xf32, #tpu.memory_space<vmem>>, vector<1x16xf32>,
        %scan3A_433 = arith.constant 0 : i32
        %scan3A_434 = arith.constant 3 : i32
        %scan3A_435 = arith.addi %scan3A_369, %scan3A_434 : i32
        %shift_right_arithmetic3A_436 = arith.constant 6 : i32
        %shift_right_arithmetic3A_437 = arith.shrsi %scan3A_435, %shift_right_arithmetic3A_436 : i32
        %and3A_438 = arith.constant 63 : i32
        %and3A_439 = arith.andi %scan3A_435, %and3A_438 : i32
        %mul3A_440 = arith.constant 16 : i32
        %mul3A_441 = arith.muli %and3A_439, %mul3A_440 : i32
        %get3A_442 = arith.index_cast %shift_right_arithmetic3A_437 : i32 to index
        %get3A_443 = arith.index_cast %mul3A_441 : i32 to index
        %get3A_444 = tpu.vector_load %arg10[%get3A_442, %get3A_443] {strides = array<i32>} : memref<16x1024xf32, #tpu.memory_space<vmem>>, vector<1x16xf32>,
        %get3A_445 = vector.shape_cast %get3A_444 : vector<1x16xf32> to vector<16xf32>
        %get3A_446 = arith.index_cast %shift_right_arithmetic3A_437 : i32 to index
        %get3A_447 = arith.index_cast %mul3A_441 : i32 to index
        %get3A_448 = tpu.vector_load %arg7[%get3A_446, %get3A_447] {strides = array<i32>} : memref<16x1024xf32, #tpu.memory_space<vmem>>, vector<1x16xf32>,
        %get3A_449 = vector.shape_cast %get3A_448 : vector<1x16xf32> to vector<16xf32>
        %add3A_450 = arith.addf %get3A_445, %get3A_449 : vector<16xf32>
        %swap3A_451 = arith.index_cast %shift_right_arithmetic3A_437 : i32 to index
        %swap3A_452 = arith.index_cast %mul3A_441 : i32 to index
        %swap3A_453 = tpu.vector_load %arg10[%swap3A_451, %swap3A_452] {strides = array<i32>} : memref<16x1024xf32, #tpu.memory_space<vmem>>, vector<1x16xf32>,
        %swap3A_454 = vector.shape_cast %swap3A_453 : vector<1x16xf32> to vector<16xf32>
        %swap3A_455 = vector.shape_cast %add3A_450 : vector<16xf32> to vector<1x16xf32>
        tpu.vector_store %arg10[%swap3A_451, %swap3A_452], %swap3A_455 {strides = array<i32>} : memref<16x1024xf32, #tpu.memory_space<vmem>>, vector<1x16xf32>,
        %scan3A_456 = arith.constant 0 : i32
        %scan3A_457 = arith.constant 4 : i32
        %scan3A_458 = arith.addi %scan3A_369, %scan3A_457 : i32
        %shift_right_arithmetic3A_459 = arith.constant 6 : i32
        %shift_right_arithmetic3A_460 = arith.shrsi %scan3A_458, %shift_right_arithmetic3A_459 : i32
        %and3A_461 = arith.constant 63 : i32
        %and3A_462 = arith.andi %scan3A_458, %and3A_461 : i32
        %mul3A_463 = arith.constant 16 : i32
        %mul3A_464 = arith.muli %and3A_462, %mul3A_463 : i32
        %get3A_465 = arith.index_cast %shift_right_arithmetic3A_460 : i32 to index
        %get3A_466 = arith.index_cast %mul3A_464 : i32 to index
        %get3A_467 = tpu.vector_load %arg10[%get3A_465, %get3A_466] {strides = array<i32>} : memref<16x1024xf32, #tpu.memory_space<vmem>>, vector<1x16xf32>,
        %get3A_468 = vector.shape_cast %get3A_467 : vector<1x16xf32> to vector<16xf32>
        %get3A_469 = arith.index_cast %shift_right_arithmetic3A_460 : i32 to index
        %get3A_470 = arith.index_cast %mul3A_464 : i32 to index
        %get3A_471 = tpu.vector_load %arg7[%get3A_469, %get3A_470] {strides = array<i32>} : memref<16x1024xf32, #tpu.memory_space<vmem>>, vector<1x16xf32>,
        %get3A_472 = vector.shape_cast %get3A_471 : vector<1x16xf32> to vector<16xf32>
        %add3A_473 = arith.addf %get3A_468, %get3A_472 : vector<16xf32>
        %swap3A_474 = arith.index_cast %shift_right_arithmetic3A_460 : i32 to index
        %swap3A_475 = arith.index_cast %mul3A_464 : i32 to index
        %swap3A_476 = tpu.vector_load %arg10[%swap3A_474, %swap3A_475] {strides = array<i32>} : memref<16x1024xf32, #tpu.memory_space<vmem>>, vector<1x16xf32>,
        %swap3A_477 = vector.shape_cast %swap3A_476 : vector<1x16xf32> to vector<16xf32>
        %swap3A_478 = vector.shape_cast %add3A_473 : vector<16xf32> to vector<1x16xf32>
        tpu.vector_store %arg10[%swap3A_474, %swap3A_475], %swap3A_478 {strides = array<i32>} : memref<16x1024xf32, #tpu.memory_space<vmem>>, vector<1x16xf32>,
        %scan3A_479 = arith.constant 0 : i32
        %scan3A_480 = arith.constant 5 : i32
        %scan3A_481 = arith.addi %scan3A_369, %scan3A_480 : i32
        %shift_right_arithmetic3A_482 = arith.constant 6 : i32
        %shift_right_arithmetic3A_483 = arith.shrsi %scan3A_481, %shift_right_arithmetic3A_482 : i32
        %and3A_484 = arith.constant 63 : i32
        %and3A_485 = arith.andi %scan3A_481, %and3A_484 : i32
        %mul3A_486 = arith.constant 16 : i32
        %mul3A_487 = arith.muli %and3A_485, %mul3A_486 : i32
        %get3A_488 = arith.index_cast %shift_right_arithmetic3A_483 : i32 to index
        %get3A_489 = arith.index_cast %mul3A_487 : i32 to index
        %get3A_490 = tpu.vector_load %arg10[%get3A_488, %get3A_489] {strides = array<i32>} : memref<16x1024xf32, #tpu.memory_space<vmem>>, vector<1x16xf32>,
        %get3A_491 = vector.shape_cast %get3A_490 : vector<1x16xf32> to vector<16xf32>
        %get3A_492 = arith.index_cast %shift_right_arithmetic3A_483 : i32 to index
        %get3A_493 = arith.index_cast %mul3A_487 : i32 to index
        %get3A_494 = tpu.vector_load %arg7[%get3A_492, %get3A_493] {strides = array<i32>} : memref<16x1024xf32, #tpu.memory_space<vmem>>, vector<1x16xf32>,
        %get3A_495 = vector.shape_cast %get3A_494 : vector<1x16xf32> to vector<16xf32>
        %add3A_496 = arith.addf %get3A_491, %get3A_495 : vector<16xf32>
        %swap3A_497 = arith.index_cast %shift_right_arithmetic3A_483 : i32 to index
        %swap3A_498 = arith.index_cast %mul3A_487 : i32 to index
        %swap3A_499 = tpu.vector_load %arg10[%swap3A_497, %swap3A_498] {strides = array<i32>} : memref<16x1024xf32, #tpu.memory_space<vmem>>, vector<1x16xf32>,
        %swap3A_500 = vector.shape_cast %swap3A_499 : vector<1x16xf32> to vector<16xf32>
        %swap3A_501 = vector.shape_cast %add3A_496 : vector<16xf32> to vector<1x16xf32>
        tpu.vector_store %arg10[%swap3A_497, %swap3A_498], %swap3A_501 {strides = array<i32>} : memref<16x1024xf32, #tpu.memory_space<vmem>>, vector<1x16xf32>,
        %scan3A_502 = arith.constant 0 : i32
        %scan3A_503 = arith.constant 6 : i32
        %scan3A_504 = arith.addi %scan3A_369, %scan3A_503 : i32
        %shift_right_arithmetic3A_505 = arith.constant 6 : i32
        %shift_right_arithmetic3A_506 = arith.shrsi %scan3A_504, %shift_right_arithmetic3A_505 : i32
        %and3A_507 = arith.constant 63 : i32
        %and3A_508 = arith.andi %scan3A_504, %and3A_507 : i32
        %mul3A_509 = arith.constant 16 : i32
        %mul3A_510 = arith.muli %and3A_508, %mul3A_509 : i32
        %get3A_511 = arith.index_cast %shift_right_arithmetic3A_506 : i32 to index
        %get3A_512 = arith.index_cast %mul3A_510 : i32 to index
        %get3A_513 = tpu.vector_load %arg10[%get3A_511, %get3A_512] {strides = array<i32>} : memref<16x1024xf32, #tpu.memory_space<vmem>>, vector<1x16xf32>,
        %get3A_514 = vector.shape_cast %get3A_513 : vector<1x16xf32> to vector<16xf32>
        %get3A_515 = arith.index_cast %shift_right_arithmetic3A_506 : i32 to index
        %get3A_516 = arith.index_cast %mul3A_510 : i32 to index
        %get3A_517 = tpu.vector_load %arg7[%get3A_515, %get3A_516] {strides = array<i32>} : memref<16x1024xf32, #tpu.memory_space<vmem>>, vector<1x16xf32>,
        %get3A_518 = vector.shape_cast %get3A_517 : vector<1x16xf32> to vector<16xf32>
        %add3A_519 = arith.addf %get3A_514, %get3A_518 : vector<16xf32>
        %swap3A_520 = arith.index_cast %shift_right_arithmetic3A_506 : i32 to index
        %swap3A_521 = arith.index_cast %mul3A_510 : i32 to index
        %swap3A_522 = tpu.vector_load %arg10[%swap3A_520, %swap3A_521] {strides = array<i32>} : memref<16x1024xf32, #tpu.memory_space<vmem>>, vector<1x16xf32>,
        %swap3A_523 = vector.shape_cast %swap3A_522 : vector<1x16xf32> to vector<16xf32>
        %swap3A_524 = vector.shape_cast %add3A_519 : vector<16xf32> to vector<1x16xf32>
        tpu.vector_store %arg10[%swap3A_520, %swap3A_521], %swap3A_524 {strides = array<i32>} : memref<16x1024xf32, #tpu.memory_space<vmem>>, vector<1x16xf32>,
        %scan3A_525 = arith.constant 0 : i32
        %scan3A_526 = arith.constant 7 : i32
        %scan3A_527 = arith.addi %scan3A_369, %scan3A_526 : i32
        %shift_right_arithmetic3A_528 = arith.constant 6 : i32
        %shift_right_arithmetic3A_529 = arith.shrsi %scan3A_527, %shift_right_arithmetic3A_528 : i32
        %and3A_530 = arith.constant 63 : i32
        %and3A_531 = arith.andi %scan3A_527, %and3A_530 : i32
        %mul3A_532 = arith.constant 16 : i32
        %mul3A_533 = arith.muli %and3A_531, %mul3A_532 : i32
        %get3A_534 = arith.index_cast %shift_right_arithmetic3A_529 : i32 to index
        %get3A_535 = arith.index_cast %mul3A_533 : i32 to index
        %get3A_536 = tpu.vector_load %arg10[%get3A_534, %get3A_535] {strides = array<i32>} : memref<16x1024xf32, #tpu.memory_space<vmem>>, vector<1x16xf32>,
        %get3A_537 = vector.shape_cast %get3A_536 : vector<1x16xf32> to vector<16xf32>
        %get3A_538 = arith.index_cast %shift_right_arithmetic3A_529 : i32 to index
        %get3A_539 = arith.index_cast %mul3A_533 : i32 to index
        %get3A_540 = tpu.vector_load %arg7[%get3A_538, %get3A_539] {strides = array<i32>} : memref<16x1024xf32, #tpu.memory_space<vmem>>, vector<1x16xf32>,
        %get3A_541 = vector.shape_cast %get3A_540 : vector<1x16xf32> to vector<16xf32>
        %add3A_542 = arith.addf %get3A_537, %get3A_541 : vector<16xf32>
        %swap3A_543 = arith.index_cast %shift_right_arithmetic3A_529 : i32 to index
        %swap3A_544 = arith.index_cast %mul3A_533 : i32 to index
        %swap3A_545 = tpu.vector_load %arg10[%swap3A_543, %swap3A_544] {strides = array<i32>} : memref<16x1024xf32, #tpu.memory_space<vmem>>, vector<1x16xf32>,
        %swap3A_546 = vector.shape_cast %swap3A_545 : vector<1x16xf32> to vector<16xf32>
        %swap3A_547 = vector.shape_cast %add3A_542 : vector<16xf32> to vector<1x16xf32>
        tpu.vector_store %arg10[%swap3A_543, %swap3A_544], %swap3A_547 {strides = array<i32>} : memref<16x1024xf32, #tpu.memory_space<vmem>>, vector<1x16xf32>,
        %scan3A_548 = arith.constant 0 : i32
        scf.yield %scan3A_548 : i32
      }
      %scan3A_114 = arith.constant 1024 : i32
      %add3A_115 = arith.constant 8192 : i32
      %add3A_116 = arith.addi %add3A_115, %mul3A_2 : i32
      %mul3A_117 = arith.constant 16 : i32
      %mul3A_118 = arith.muli %add3A_46, %mul3A_117 : i32
      %add3A_119 = arith.addi %add3A_116, %mul3A_118 : i32
      %multiple_of3A_120 = tpu.assume_multiple %add3A_119, 16 : i32
      %dma_start3A_121 = arith.constant 0 : i32
      %dma_start3A_122 = tpu.memref_slice %arg5[%multiple_of3A_120, %dma_start3A_121] : memref<32768x1024xf32, #tpu.memory_space<hbm>> -> memref<16x1024xf32, #tpu.memory_space<hbm>>
      %dma_start3A_123 = arith.constant 0 : i32
      %dma_start3A_124 = tpu.memref_slice %arg5[%multiple_of3A_120, %dma_start3A_123] : memref<32768x1024xf32, #tpu.memory_space<hbm>> -> memref<16x1024xf32, #tpu.memory_space<hbm>>
      tpu.enqueue_dma source(%arg10 : memref<16x1024xf32, #tpu.memory_space<vmem>>) target(%dma_start3A_124 : memref<16x1024xf32, #tpu.memory_space<hbm>>) target_semaphore(%arg18 : memref<!tpu.dma_semaphore, #tpu.memory_space<semaphore_mem>>)
      %gt3A_125 = arith.constant 0 : i32
      %gt3A_126 = arith.cmpi sgt, %scan3A_41, %gt3A_125 : i32
      %convert_element_type3A_127 = arith.extui %gt3A_126 : i1 to i32
      %cond3A_128 = arith.constant 0 : i32
      %cond3A_129 = arith.cmpi ne, %convert_element_type3A_127, %cond3A_128 : i32
      scf.if %cond3A_129 {
        %dma_wait3A_369 = arith.constant 0 : i32
        %dma_wait3A_370 = tpu.memref_slice %arg5[%mul3A_2, %dma_wait3A_369] : memref<32768x1024xf32, #tpu.memory_space<hbm>> -> memref<16x1024xf32, #tpu.memory_space<hbm>>
        %dma_wait3A_371 = arith.constant 0 : i32
        %dma_wait3A_372 = tpu.memref_slice %arg5[%mul3A_2, %dma_wait3A_371] : memref<32768x1024xf32, #tpu.memory_space<hbm>> -> memref<16x1024xf32, #tpu.memory_space<hbm>>
        tpu.wait_dma2 semaphore(%arg20 : memref<!tpu.dma_semaphore, #tpu.memory_space<semaphore_mem>>) src(%arg12 : memref<16x1024xf32, #tpu.memory_space<vmem>>) dst(%dma_wait3A_372 : memref<16x1024xf32, #tpu.memory_space<hbm>>)
      } else {
      }
      %mul3A_130 = arith.constant 16 : i32
      %mul3A_131 = arith.muli %add3A_46, %mul3A_130 : i32
      %multiple_of3A_132 = tpu.assume_multiple %mul3A_131, 16 : i32
      %dma_start3A_133 = arith.constant 3 : i32
      %dma_start3A_134 = tpu.memref_slice %arg6[%dma_start3A_133, %multiple_of3A_132] : memref<4x256xi32, #tpu.memory_space<vmem>> -> memref<1x16xi32, #tpu.memory_space<vmem>>
      %dma_start3A_135 = tpu.memref_squeeze %dma_start3A_134 : memref<1x16xi32, #tpu.memory_space<vmem>> -> memref<16xi32, #tpu.memory_space<vmem>>
      %dma_start3A_136 = arith.constant 0 : i32
      %dma_start3A_137 = arith.constant 0 : i32
      %dma_start3A_138 = tpu.memref_slice %arg4[%dma_start3A_136, %dma_start3A_137] : memref<100000x1024xf32, #tpu.memory_space<hbm>> -> memref<100000x1024xf32, #tpu.memory_space<hbm>>
      tpu.enqueue_indirect_dma source(%dma_start3A_138 : memref<100000x1024xf32, #tpu.memory_space<hbm>>) target(%arg12 : memref<16x1024xf32, #tpu.memory_space<vmem>>) offsets(%dma_start3A_135 : memref<16xi32, #tpu.memory_space<vmem>>) semaphore(%arg16 : memref<!tpu.dma_semaphore, #tpu.memory_space<semaphore_mem>>)
      %dma_wait3A_139 = arith.constant 0 : i32
      %dma_wait3A_140 = arith.constant 0 : i32
      %dma_wait3A_141 = tpu.memref_slice %arg6[%dma_wait3A_139, %dma_wait3A_140] : memref<4x256xi32, #tpu.memory_space<vmem>> -> memref<1x16xi32, #tpu.memory_space<vmem>>
      %dma_wait3A_142 = tpu.memref_squeeze %dma_wait3A_141 : memref<1x16xi32, #tpu.memory_space<vmem>> -> memref<16xi32, #tpu.memory_space<vmem>>
      %dma_wait3A_143 = arith.constant 0 : i32
      %dma_wait3A_144 = arith.constant 0 : i32
      %dma_wait3A_145 = tpu.memref_slice %arg4[%dma_wait3A_143, %dma_wait3A_144] : memref<100000x1024xf32, #tpu.memory_space<hbm>> -> memref<100000x1024xf32, #tpu.memory_space<hbm>>
      tpu.wait_indirect_dma semaphore(%arg15 : memref<!tpu.dma_semaphore, #tpu.memory_space<semaphore_mem>>) src(%dma_wait3A_145 : memref<100000x1024xf32, #tpu.memory_space<hbm>>) dst(%arg11 : memref<16x1024xf32, #tpu.memory_space<vmem>>)
      %scan3A_146 = arith.constant 0 : i32
      %scan3A_147 = arith.constant 0 : i32
      %scan3A_148 = arith.constant 1024 : i32
      %scan3A_149 = arith.addi %scan3A_147, %scan3A_148 : i32
      %scan3A_150 = arith.constant 8 : i32
      %scan3A_151 = scf.for %scan3A_369 = %scan3A_147 to %scan3A_149 step %scan3A_150 iter_args(%scan3A_370 = %scan3A_146) -> (i32)  : i32 {
        %shift_right_arithmetic3A = arith.constant 6 : i32
        %shift_right_arithmetic3A_371 = arith.shrsi %scan3A_369, %shift_right_arithmetic3A : i32
        %and3A = arith.constant 63 : i32
        %and3A_372 = arith.andi %scan3A_369, %and3A : i32
        %mul3A_373 = arith.constant 16 : i32
        %mul3A_374 = arith.muli %and3A_372, %mul3A_373 : i32
        %get3A = arith.index_cast %shift_right_arithmetic3A_371 : i32 to index
        %get3A_375 = arith.index_cast %mul3A_374 : i32 to index
        %get3A_376 = tpu.vector_load %arg11[%get3A, %get3A_375] {strides = array<i32>} : memref<16x1024xf32, #tpu.memory_space<vmem>>, vector<1x16xf32>,
        %get3A_377 = vector.shape_cast %get3A_376 : vector<1x16xf32> to vector<16xf32>
        %get3A_378 = arith.index_cast %shift_right_arithmetic3A_371 : i32 to index
        %get3A_379 = arith.index_cast %mul3A_374 : i32 to index
        %get3A_380 = tpu.vector_load %arg7[%get3A_378, %get3A_379] {strides = array<i32>} : memref<16x1024xf32, #tpu.memory_space<vmem>>, vector<1x16xf32>,
        %get3A_381 = vector.shape_cast %get3A_380 : vector<1x16xf32> to vector<16xf32>
        %add3A_382 = arith.addf %get3A_377, %get3A_381 : vector<16xf32>
        %swap3A = arith.index_cast %shift_right_arithmetic3A_371 : i32 to index
        %swap3A_383 = arith.index_cast %mul3A_374 : i32 to index
        %swap3A_384 = tpu.vector_load %arg11[%swap3A, %swap3A_383] {strides = array<i32>} : memref<16x1024xf32, #tpu.memory_space<vmem>>, vector<1x16xf32>,
        %swap3A_385 = vector.shape_cast %swap3A_384 : vector<1x16xf32> to vector<16xf32>
        %swap3A_386 = vector.shape_cast %add3A_382 : vector<16xf32> to vector<1x16xf32>
        tpu.vector_store %arg11[%swap3A, %swap3A_383], %swap3A_386 {strides = array<i32>} : memref<16x1024xf32, #tpu.memory_space<vmem>>, vector<1x16xf32>,
        %scan3A_387 = arith.constant 0 : i32
        %scan3A_388 = arith.constant 1 : i32
        %scan3A_389 = arith.addi %scan3A_369, %scan3A_388 : i32
        %shift_right_arithmetic3A_390 = arith.constant 6 : i32
        %shift_right_arithmetic3A_391 = arith.shrsi %scan3A_389, %shift_right_arithmetic3A_390 : i32
        %and3A_392 = arith.constant 63 : i32
        %and3A_393 = arith.andi %scan3A_389, %and3A_392 : i32
        %mul3A_394 = arith.constant 16 : i32
        %mul3A_395 = arith.muli %and3A_393, %mul3A_394 : i32
        %get3A_396 = arith.index_cast %shift_right_arithmetic3A_391 : i32 to index
        %get3A_397 = arith.index_cast %mul3A_395 : i32 to index
        %get3A_398 = tpu.vector_load %arg11[%get3A_396, %get3A_397] {strides = array<i32>} : memref<16x1024xf32, #tpu.memory_space<vmem>>, vector<1x16xf32>,
        %get3A_399 = vector.shape_cast %get3A_398 : vector<1x16xf32> to vector<16xf32>
        %get3A_400 = arith.index_cast %shift_right_arithmetic3A_391 : i32 to index
        %get3A_401 = arith.index_cast %mul3A_395 : i32 to index
        %get3A_402 = tpu.vector_load %arg7[%get3A_400, %get3A_401] {strides = array<i32>} : memref<16x1024xf32, #tpu.memory_space<vmem>>, vector<1x16xf32>,
        %get3A_403 = vector.shape_cast %get3A_402 : vector<1x16xf32> to vector<16xf32>
        %add3A_404 = arith.addf %get3A_399, %get3A_403 : vector<16xf32>
        %swap3A_405 = arith.index_cast %shift_right_arithmetic3A_391 : i32 to index
        %swap3A_406 = arith.index_cast %mul3A_395 : i32 to index
        %swap3A_407 = tpu.vector_load %arg11[%swap3A_405, %swap3A_406] {strides = array<i32>} : memref<16x1024xf32, #tpu.memory_space<vmem>>, vector<1x16xf32>,
        %swap3A_408 = vector.shape_cast %swap3A_407 : vector<1x16xf32> to vector<16xf32>
        %swap3A_409 = vector.shape_cast %add3A_404 : vector<16xf32> to vector<1x16xf32>
        tpu.vector_store %arg11[%swap3A_405, %swap3A_406], %swap3A_409 {strides = array<i32>} : memref<16x1024xf32, #tpu.memory_space<vmem>>, vector<1x16xf32>,
        %scan3A_410 = arith.constant 0 : i32
        %scan3A_411 = arith.constant 2 : i32
        %scan3A_412 = arith.addi %scan3A_369, %scan3A_411 : i32
        %shift_right_arithmetic3A_413 = arith.constant 6 : i32
        %shift_right_arithmetic3A_414 = arith.shrsi %scan3A_412, %shift_right_arithmetic3A_413 : i32
        %and3A_415 = arith.constant 63 : i32
        %and3A_416 = arith.andi %scan3A_412, %and3A_415 : i32
        %mul3A_417 = arith.constant 16 : i32
        %mul3A_418 = arith.muli %and3A_416, %mul3A_417 : i32
        %get3A_419 = arith.index_cast %shift_right_arithmetic3A_414 : i32 to index
        %get3A_420 = arith.index_cast %mul3A_418 : i32 to index
        %get3A_421 = tpu.vector_load %arg11[%get3A_419, %get3A_420] {strides = array<i32>} : memref<16x1024xf32, #tpu.memory_space<vmem>>, vector<1x16xf32>,
        %get3A_422 = vector.shape_cast %get3A_421 : vector<1x16xf32> to vector<16xf32>
        %get3A_423 = arith.index_cast %shift_right_arithmetic3A_414 : i32 to index
        %get3A_424 = arith.index_cast %mul3A_418 : i32 to index
        %get3A_425 = tpu.vector_load %arg7[%get3A_423, %get3A_424] {strides = array<i32>} : memref<16x1024xf32, #tpu.memory_space<vmem>>, vector<1x16xf32>,
        %get3A_426 = vector.shape_cast %get3A_425 : vector<1x16xf32> to vector<16xf32>
        %add3A_427 = arith.addf %get3A_422, %get3A_426 : vector<16xf32>
        %swap3A_428 = arith.index_cast %shift_right_arithmetic3A_414 : i32 to index
        %swap3A_429 = arith.index_cast %mul3A_418 : i32 to index
        %swap3A_430 = tpu.vector_load %arg11[%swap3A_428, %swap3A_429] {strides = array<i32>} : memref<16x1024xf32, #tpu.memory_space<vmem>>, vector<1x16xf32>,
        %swap3A_431 = vector.shape_cast %swap3A_430 : vector<1x16xf32> to vector<16xf32>
        %swap3A_432 = vector.shape_cast %add3A_427 : vector<16xf32> to vector<1x16xf32>
        tpu.vector_store %arg11[%swap3A_428, %swap3A_429], %swap3A_432 {strides = array<i32>} : memref<16x1024xf32, #tpu.memory_space<vmem>>, vector<1x16xf32>,
        %scan3A_433 = arith.constant 0 : i32
        %scan3A_434 = arith.constant 3 : i32
        %scan3A_435 = arith.addi %scan3A_369, %scan3A_434 : i32
        %shift_right_arithmetic3A_436 = arith.constant 6 : i32
        %shift_right_arithmetic3A_437 = arith.shrsi %scan3A_435, %shift_right_arithmetic3A_436 : i32
        %and3A_438 = arith.constant 63 : i32
        %and3A_439 = arith.andi %scan3A_435, %and3A_438 : i32
        %mul3A_440 = arith.constant 16 : i32
        %mul3A_441 = arith.muli %and3A_439, %mul3A_440 : i32
        %get3A_442 = arith.index_cast %shift_right_arithmetic3A_437 : i32 to index
        %get3A_443 = arith.index_cast %mul3A_441 : i32 to index
        %get3A_444 = tpu.vector_load %arg11[%get3A_442, %get3A_443] {strides = array<i32>} : memref<16x1024xf32, #tpu.memory_space<vmem>>, vector<1x16xf32>,
        %get3A_445 = vector.shape_cast %get3A_444 : vector<1x16xf32> to vector<16xf32>
        %get3A_446 = arith.index_cast %shift_right_arithmetic3A_437 : i32 to index
        %get3A_447 = arith.index_cast %mul3A_441 : i32 to index
        %get3A_448 = tpu.vector_load %arg7[%get3A_446, %get3A_447] {strides = array<i32>} : memref<16x1024xf32, #tpu.memory_space<vmem>>, vector<1x16xf32>,
        %get3A_449 = vector.shape_cast %get3A_448 : vector<1x16xf32> to vector<16xf32>
        %add3A_450 = arith.addf %get3A_445, %get3A_449 : vector<16xf32>
        %swap3A_451 = arith.index_cast %shift_right_arithmetic3A_437 : i32 to index
        %swap3A_452 = arith.index_cast %mul3A_441 : i32 to index
        %swap3A_453 = tpu.vector_load %arg11[%swap3A_451, %swap3A_452] {strides = array<i32>} : memref<16x1024xf32, #tpu.memory_space<vmem>>, vector<1x16xf32>,
        %swap3A_454 = vector.shape_cast %swap3A_453 : vector<1x16xf32> to vector<16xf32>
        %swap3A_455 = vector.shape_cast %add3A_450 : vector<16xf32> to vector<1x16xf32>
        tpu.vector_store %arg11[%swap3A_451, %swap3A_452], %swap3A_455 {strides = array<i32>} : memref<16x1024xf32, #tpu.memory_space<vmem>>, vector<1x16xf32>,
        %scan3A_456 = arith.constant 0 : i32
        %scan3A_457 = arith.constant 4 : i32
        %scan3A_458 = arith.addi %scan3A_369, %scan3A_457 : i32
        %shift_right_arithmetic3A_459 = arith.constant 6 : i32
        %shift_right_arithmetic3A_460 = arith.shrsi %scan3A_458, %shift_right_arithmetic3A_459 : i32
        %and3A_461 = arith.constant 63 : i32
        %and3A_462 = arith.andi %scan3A_458, %and3A_461 : i32
        %mul3A_463 = arith.constant 16 : i32
        %mul3A_464 = arith.muli %and3A_462, %mul3A_463 : i32
        %get3A_465 = arith.index_cast %shift_right_arithmetic3A_460 : i32 to index
        %get3A_466 = arith.index_cast %mul3A_464 : i32 to index
        %get3A_467 = tpu.vector_load %arg11[%get3A_465, %get3A_466] {strides = array<i32>} : memref<16x1024xf32, #tpu.memory_space<vmem>>, vector<1x16xf32>,
        %get3A_468 = vector.shape_cast %get3A_467 : vector<1x16xf32> to vector<16xf32>
        %get3A_469 = arith.index_cast %shift_right_arithmetic3A_460 : i32 to index
        %get3A_470 = arith.index_cast %mul3A_464 : i32 to index
        %get3A_471 = tpu.vector_load %arg7[%get3A_469, %get3A_470] {strides = array<i32>} : memref<16x1024xf32, #tpu.memory_space<vmem>>, vector<1x16xf32>,
        %get3A_472 = vector.shape_cast %get3A_471 : vector<1x16xf32> to vector<16xf32>
        %add3A_473 = arith.addf %get3A_468, %get3A_472 : vector<16xf32>
        %swap3A_474 = arith.index_cast %shift_right_arithmetic3A_460 : i32 to index
        %swap3A_475 = arith.index_cast %mul3A_464 : i32 to index
        %swap3A_476 = tpu.vector_load %arg11[%swap3A_474, %swap3A_475] {strides = array<i32>} : memref<16x1024xf32, #tpu.memory_space<vmem>>, vector<1x16xf32>,
        %swap3A_477 = vector.shape_cast %swap3A_476 : vector<1x16xf32> to vector<16xf32>
        %swap3A_478 = vector.shape_cast %add3A_473 : vector<16xf32> to vector<1x16xf32>
        tpu.vector_store %arg11[%swap3A_474, %swap3A_475], %swap3A_478 {strides = array<i32>} : memref<16x1024xf32, #tpu.memory_space<vmem>>, vector<1x16xf32>,
        %scan3A_479 = arith.constant 0 : i32
        %scan3A_480 = arith.constant 5 : i32
        %scan3A_481 = arith.addi %scan3A_369, %scan3A_480 : i32
        %shift_right_arithmetic3A_482 = arith.constant 6 : i32
        %shift_right_arithmetic3A_483 = arith.shrsi %scan3A_481, %shift_right_arithmetic3A_482 : i32
        %and3A_484 = arith.constant 63 : i32
        %and3A_485 = arith.andi %scan3A_481, %and3A_484 : i32
        %mul3A_486 = arith.constant 16 : i32
        %mul3A_487 = arith.muli %and3A_485, %mul3A_486 : i32
        %get3A_488 = arith.index_cast %shift_right_arithmetic3A_483 : i32 to index
        %get3A_489 = arith.index_cast %mul3A_487 : i32 to index
        %get3A_490 = tpu.vector_load %arg11[%get3A_488, %get3A_489] {strides = array<i32>} : memref<16x1024xf32, #tpu.memory_space<vmem>>, vector<1x16xf32>,
        %get3A_491 = vector.shape_cast %get3A_490 : vector<1x16xf32> to vector<16xf32>
        %get3A_492 = arith.index_cast %shift_right_arithmetic3A_483 : i32 to index
        %get3A_493 = arith.index_cast %mul3A_487 : i32 to index
        %get3A_494 = tpu.vector_load %arg7[%get3A_492, %get3A_493] {strides = array<i32>} : memref<16x1024xf32, #tpu.memory_space<vmem>>, vector<1x16xf32>,
        %get3A_495 = vector.shape_cast %get3A_494 : vector<1x16xf32> to vector<16xf32>
        %add3A_496 = arith.addf %get3A_491, %get3A_495 : vector<16xf32>
        %swap3A_497 = arith.index_cast %shift_right_arithmetic3A_483 : i32 to index
        %swap3A_498 = arith.index_cast %mul3A_487 : i32 to index
        %swap3A_499 = tpu.vector_load %arg11[%swap3A_497, %swap3A_498] {strides = array<i32>} : memref<16x1024xf32, #tpu.memory_space<vmem>>, vector<1x16xf32>,
        %swap3A_500 = vector.shape_cast %swap3A_499 : vector<1x16xf32> to vector<16xf32>
        %swap3A_501 = vector.shape_cast %add3A_496 : vector<16xf32> to vector<1x16xf32>
        tpu.vector_store %arg11[%swap3A_497, %swap3A_498], %swap3A_501 {strides = array<i32>} : memref<16x1024xf32, #tpu.memory_space<vmem>>, vector<1x16xf32>,
        %scan3A_502 = arith.constant 0 : i32
        %scan3A_503 = arith.constant 6 : i32
        %scan3A_504 = arith.addi %scan3A_369, %scan3A_503 : i32
        %shift_right_arithmetic3A_505 = arith.constant 6 : i32
        %shift_right_arithmetic3A_506 = arith.shrsi %scan3A_504, %shift_right_arithmetic3A_505 : i32
        %and3A_507 = arith.constant 63 : i32
        %and3A_508 = arith.andi %scan3A_504, %and3A_507 : i32
        %mul3A_509 = arith.constant 16 : i32
        %mul3A_510 = arith.muli %and3A_508, %mul3A_509 : i32
        %get3A_511 = arith.index_cast %shift_right_arithmetic3A_506 : i32 to index
        %get3A_512 = arith.index_cast %mul3A_510 : i32 to index
        %get3A_513 = tpu.vector_load %arg11[%get3A_511, %get3A_512] {strides = array<i32>} : memref<16x1024xf32, #tpu.memory_space<vmem>>, vector<1x16xf32>,
        %get3A_514 = vector.shape_cast %get3A_513 : vector<1x16xf32> to vector<16xf32>
        %get3A_515 = arith.index_cast %shift_right_arithmetic3A_506 : i32 to index
        %get3A_516 = arith.index_cast %mul3A_510 : i32 to index
        %get3A_517 = tpu.vector_load %arg7[%get3A_515, %get3A_516] {strides = array<i32>} : memref<16x1024xf32, #tpu.memory_space<vmem>>, vector<1x16xf32>,
        %get3A_518 = vector.shape_cast %get3A_517 : vector<1x16xf32> to vector<16xf32>
        %add3A_519 = arith.addf %get3A_514, %get3A_518 : vector<16xf32>
        %swap3A_520 = arith.index_cast %shift_right_arithmetic3A_506 : i32 to index
        %swap3A_521 = arith.index_cast %mul3A_510 : i32 to index
        %swap3A_522 = tpu.vector_load %arg11[%swap3A_520, %swap3A_521] {strides = array<i32>} : memref<16x1024xf32, #tpu.memory_space<vmem>>, vector<1x16xf32>,
        %swap3A_523 = vector.shape_cast %swap3A_522 : vector<1x16xf32> to vector<16xf32>
        %swap3A_524 = vector.shape_cast %add3A_519 : vector<16xf32> to vector<1x16xf32>
        tpu.vector_store %arg11[%swap3A_520, %swap3A_521], %swap3A_524 {strides = array<i32>} : memref<16x1024xf32, #tpu.memory_space<vmem>>, vector<1x16xf32>,
        %scan3A_525 = arith.constant 0 : i32
        %scan3A_526 = arith.constant 7 : i32
        %scan3A_527 = arith.addi %scan3A_369, %scan3A_526 : i32
        %shift_right_arithmetic3A_528 = arith.constant 6 : i32
        %shift_right_arithmetic3A_529 = arith.shrsi %scan3A_527, %shift_right_arithmetic3A_528 : i32
        %and3A_530 = arith.constant 63 : i32
        %and3A_531 = arith.andi %scan3A_527, %and3A_530 : i32
        %mul3A_532 = arith.constant 16 : i32
        %mul3A_533 = arith.muli %and3A_531, %mul3A_532 : i32
        %get3A_534 = arith.index_cast %shift_right_arithmetic3A_529 : i32 to index
        %get3A_535 = arith.index_cast %mul3A_533 : i32 to index
        %get3A_536 = tpu.vector_load %arg11[%get3A_534, %get3A_535] {strides = array<i32>} : memref<16x1024xf32, #tpu.memory_space<vmem>>, vector<1x16xf32>,
        %get3A_537 = vector.shape_cast %get3A_536 : vector<1x16xf32> to vector<16xf32>
        %get3A_538 = arith.index_cast %shift_right_arithmetic3A_529 : i32 to index
        %get3A_539 = arith.index_cast %mul3A_533 : i32 to index
        %get3A_540 = tpu.vector_load %arg7[%get3A_538, %get3A_539] {strides = array<i32>} : memref<16x1024xf32, #tpu.memory_space<vmem>>, vector<1x16xf32>,
        %get3A_541 = vector.shape_cast %get3A_540 : vector<1x16xf32> to vector<16xf32>
        %add3A_542 = arith.addf %get3A_537, %get3A_541 : vector<16xf32>
        %swap3A_543 = arith.index_cast %shift_right_arithmetic3A_529 : i32 to index
        %swap3A_544 = arith.index_cast %mul3A_533 : i32 to index
        %swap3A_545 = tpu.vector_load %arg11[%swap3A_543, %swap3A_544] {strides = array<i32>} : memref<16x1024xf32, #tpu.memory_space<vmem>>, vector<1x16xf32>,
        %swap3A_546 = vector.shape_cast %swap3A_545 : vector<1x16xf32> to vector<16xf32>
        %swap3A_547 = vector.shape_cast %add3A_542 : vector<16xf32> to vector<1x16xf32>
        tpu.vector_store %arg11[%swap3A_543, %swap3A_544], %swap3A_547 {strides = array<i32>} : memref<16x1024xf32, #tpu.memory_space<vmem>>, vector<1x16xf32>,
        %scan3A_548 = arith.constant 0 : i32
        scf.yield %scan3A_548 : i32
      }
      %scan3A_152 = arith.constant 1024 : i32
      %add3A_153 = arith.constant 16384 : i32
      %add3A_154 = arith.addi %add3A_153, %mul3A_2 : i32
      %mul3A_155 = arith.constant 16 : i32
      %mul3A_156 = arith.muli %add3A_46, %mul3A_155 : i32
      %add3A_157 = arith.addi %add3A_154, %mul3A_156 : i32
      %multiple_of3A_158 = tpu.assume_multiple %add3A_157, 16 : i32
      %dma_start3A_159 = arith.constant 0 : i32
      %dma_start3A_160 = tpu.memref_slice %arg5[%multiple_of3A_158, %dma_start3A_159] : memref<32768x1024xf32, #tpu.memory_space<hbm>> -> memref<16x1024xf32, #tpu.memory_space<hbm>>
      %dma_start3A_161 = arith.constant 0 : i32
      %dma_start3A_162 = tpu.memref_slice %arg5[%multiple_of3A_158, %dma_start3A_161] : memref<32768x1024xf32, #tpu.memory_space<hbm>> -> memref<16x1024xf32, #tpu.memory_space<hbm>>
      tpu.enqueue_dma source(%arg11 : memref<16x1024xf32, #tpu.memory_space<vmem>>) target(%dma_start3A_162 : memref<16x1024xf32, #tpu.memory_space<hbm>>) target_semaphore(%arg19 : memref<!tpu.dma_semaphore, #tpu.memory_space<semaphore_mem>>)
      %dma_wait3A_163 = arith.constant 0 : i32
      %dma_wait3A_164 = tpu.memref_slice %arg5[%mul3A_2, %dma_wait3A_163] : memref<32768x1024xf32, #tpu.memory_space<hbm>> -> memref<16x1024xf32, #tpu.memory_space<hbm>>
      %dma_wait3A_165 = arith.constant 0 : i32
      %dma_wait3A_166 = tpu.memref_slice %arg5[%mul3A_2, %dma_wait3A_165] : memref<32768x1024xf32, #tpu.memory_space<hbm>> -> memref<16x1024xf32, #tpu.memory_space<hbm>>
      tpu.wait_dma2 semaphore(%arg17 : memref<!tpu.dma_semaphore, #tpu.memory_space<semaphore_mem>>) src(%arg9 : memref<16x1024xf32, #tpu.memory_space<vmem>>) dst(%dma_wait3A_166 : memref<16x1024xf32, #tpu.memory_space<hbm>>)
      %add3A_167 = arith.constant 1 : i32
      %add3A_168 = arith.addi %add3A_46, %add3A_167 : i32
      %mul3A_169 = arith.constant 16 : i32
      %mul3A_170 = arith.muli %add3A_168, %mul3A_169 : i32
      %multiple_of3A_171 = tpu.assume_multiple %mul3A_170, 16 : i32
      %dma_start3A_172 = arith.constant 0 : i32
      %dma_start3A_173 = tpu.memref_slice %arg6[%dma_start3A_172, %multiple_of3A_171] : memref<4x256xi32, #tpu.memory_space<vmem>> -> memref<1x16xi32, #tpu.memory_space<vmem>>
      %dma_start3A_174 = tpu.memref_squeeze %dma_start3A_173 : memref<1x16xi32, #tpu.memory_space<vmem>> -> memref<16xi32, #tpu.memory_space<vmem>>
      %dma_start3A_175 = arith.constant 0 : i32
      %dma_start3A_176 = arith.constant 0 : i32
      %dma_start3A_177 = tpu.memref_slice %arg4[%dma_start3A_175, %dma_start3A_176] : memref<100000x1024xf32, #tpu.memory_space<hbm>> -> memref<100000x1024xf32, #tpu.memory_space<hbm>>
      tpu.enqueue_indirect_dma source(%dma_start3A_177 : memref<100000x1024xf32, #tpu.memory_space<hbm>>) target(%arg9 : memref<16x1024xf32, #tpu.memory_space<vmem>>) offsets(%dma_start3A_174 : memref<16xi32, #tpu.memory_space<vmem>>) semaphore(%arg13 : memref<!tpu.dma_semaphore, #tpu.memory_space<semaphore_mem>>)
      %dma_wait3A_178 = arith.constant 0 : i32
      %dma_wait3A_179 = arith.constant 0 : i32
      %dma_wait3A_180 = tpu.memref_slice %arg6[%dma_wait3A_178, %dma_wait3A_179] : memref<4x256xi32, #tpu.memory_space<vmem>> -> memref<1x16xi32, #tpu.memory_space<vmem>>
      %dma_wait3A_181 = tpu.memref_squeeze %dma_wait3A_180 : memref<1x16xi32, #tpu.memory_space<vmem>> -> memref<16xi32, #tpu.memory_space<vmem>>
      %dma_wait3A_182 = arith.constant 0 : i32
      %dma_wait3A_183 = arith.constant 0 : i32
      %dma_wait3A_184 = tpu.memref_slice %arg4[%dma_wait3A_182, %dma_wait3A_183] : memref<100000x1024xf32, #tpu.memory_space<hbm>> -> memref<100000x1024xf32, #tpu.memory_space<hbm>>
      tpu.wait_indirect_dma semaphore(%arg16 : memref<!tpu.dma_semaphore, #tpu.memory_space<semaphore_mem>>) src(%dma_wait3A_184 : memref<100000x1024xf32, #tpu.memory_space<hbm>>) dst(%arg12 : memref<16x1024xf32, #tpu.memory_space<vmem>>)
      %scan3A_185 = arith.constant 0 : i32
      %scan3A_186 = arith.constant 0 : i32
      %scan3A_187 = arith.constant 1024 : i32
      %scan3A_188 = arith.addi %scan3A_186, %scan3A_187 : i32
      %scan3A_189 = arith.constant 8 : i32
      %scan3A_190 = scf.for %scan3A_369 = %scan3A_186 to %scan3A_188 step %scan3A_189 iter_args(%scan3A_370 = %scan3A_185) -> (i32)  : i32 {
        %shift_right_arithmetic3A = arith.constant 6 : i32
        %shift_right_arithmetic3A_371 = arith.shrsi %scan3A_369, %shift_right_arithmetic3A : i32
        %and3A = arith.constant 63 : i32
        %and3A_372 = arith.andi %scan3A_369, %and3A : i32
        %mul3A_373 = arith.constant 16 : i32
        %mul3A_374 = arith.muli %and3A_372, %mul3A_373 : i32
        %get3A = arith.index_cast %shift_right_arithmetic3A_371 : i32 to index
        %get3A_375 = arith.index_cast %mul3A_374 : i32 to index
        %get3A_376 = tpu.vector_load %arg12[%get3A, %get3A_375] {strides = array<i32>} : memref<16x1024xf32, #tpu.memory_space<vmem>>, vector<1x16xf32>,
        %get3A_377 = vector.shape_cast %get3A_376 : vector<1x16xf32> to vector<16xf32>
        %get3A_378 = arith.index_cast %shift_right_arithmetic3A_371 : i32 to index
        %get3A_379 = arith.index_cast %mul3A_374 : i32 to index
        %get3A_380 = tpu.vector_load %arg7[%get3A_378, %get3A_379] {strides = array<i32>} : memref<16x1024xf32, #tpu.memory_space<vmem>>, vector<1x16xf32>,
        %get3A_381 = vector.shape_cast %get3A_380 : vector<1x16xf32> to vector<16xf32>
        %add3A_382 = arith.addf %get3A_377, %get3A_381 : vector<16xf32>
        %swap3A = arith.index_cast %shift_right_arithmetic3A_371 : i32 to index
        %swap3A_383 = arith.index_cast %mul3A_374 : i32 to index
        %swap3A_384 = tpu.vector_load %arg12[%swap3A, %swap3A_383] {strides = array<i32>} : memref<16x1024xf32, #tpu.memory_space<vmem>>, vector<1x16xf32>,
        %swap3A_385 = vector.shape_cast %swap3A_384 : vector<1x16xf32> to vector<16xf32>
        %swap3A_386 = vector.shape_cast %add3A_382 : vector<16xf32> to vector<1x16xf32>
        tpu.vector_store %arg12[%swap3A, %swap3A_383], %swap3A_386 {strides = array<i32>} : memref<16x1024xf32, #tpu.memory_space<vmem>>, vector<1x16xf32>,
        %scan3A_387 = arith.constant 0 : i32
        %scan3A_388 = arith.constant 1 : i32
        %scan3A_389 = arith.addi %scan3A_369, %scan3A_388 : i32
        %shift_right_arithmetic3A_390 = arith.constant 6 : i32
        %shift_right_arithmetic3A_391 = arith.shrsi %scan3A_389, %shift_right_arithmetic3A_390 : i32
        %and3A_392 = arith.constant 63 : i32
        %and3A_393 = arith.andi %scan3A_389, %and3A_392 : i32
        %mul3A_394 = arith.constant 16 : i32
        %mul3A_395 = arith.muli %and3A_393, %mul3A_394 : i32
        %get3A_396 = arith.index_cast %shift_right_arithmetic3A_391 : i32 to index
        %get3A_397 = arith.index_cast %mul3A_395 : i32 to index
        %get3A_398 = tpu.vector_load %arg12[%get3A_396, %get3A_397] {strides = array<i32>} : memref<16x1024xf32, #tpu.memory_space<vmem>>, vector<1x16xf32>,
        %get3A_399 = vector.shape_cast %get3A_398 : vector<1x16xf32> to vector<16xf32>
        %get3A_400 = arith.index_cast %shift_right_arithmetic3A_391 : i32 to index
        %get3A_401 = arith.index_cast %mul3A_395 : i32 to index
        %get3A_402 = tpu.vector_load %arg7[%get3A_400, %get3A_401] {strides = array<i32>} : memref<16x1024xf32, #tpu.memory_space<vmem>>, vector<1x16xf32>,
        %get3A_403 = vector.shape_cast %get3A_402 : vector<1x16xf32> to vector<16xf32>
        %add3A_404 = arith.addf %get3A_399, %get3A_403 : vector<16xf32>
        %swap3A_405 = arith.index_cast %shift_right_arithmetic3A_391 : i32 to index
        %swap3A_406 = arith.index_cast %mul3A_395 : i32 to index
        %swap3A_407 = tpu.vector_load %arg12[%swap3A_405, %swap3A_406] {strides = array<i32>} : memref<16x1024xf32, #tpu.memory_space<vmem>>, vector<1x16xf32>,
        %swap3A_408 = vector.shape_cast %swap3A_407 : vector<1x16xf32> to vector<16xf32>
        %swap3A_409 = vector.shape_cast %add3A_404 : vector<16xf32> to vector<1x16xf32>
        tpu.vector_store %arg12[%swap3A_405, %swap3A_406], %swap3A_409 {strides = array<i32>} : memref<16x1024xf32, #tpu.memory_space<vmem>>, vector<1x16xf32>,
        %scan3A_410 = arith.constant 0 : i32
        %scan3A_411 = arith.constant 2 : i32
        %scan3A_412 = arith.addi %scan3A_369, %scan3A_411 : i32
        %shift_right_arithmetic3A_413 = arith.constant 6 : i32
        %shift_right_arithmetic3A_414 = arith.shrsi %scan3A_412, %shift_right_arithmetic3A_413 : i32
        %and3A_415 = arith.constant 63 : i32
        %and3A_416 = arith.andi %scan3A_412, %and3A_415 : i32
        %mul3A_417 = arith.constant 16 : i32
        %mul3A_418 = arith.muli %and3A_416, %mul3A_417 : i32
        %get3A_419 = arith.index_cast %shift_right_arithmetic3A_414 : i32 to index
        %get3A_420 = arith.index_cast %mul3A_418 : i32 to index
        %get3A_421 = tpu.vector_load %arg12[%get3A_419, %get3A_420] {strides = array<i32>} : memref<16x1024xf32, #tpu.memory_space<vmem>>, vector<1x16xf32>,
        %get3A_422 = vector.shape_cast %get3A_421 : vector<1x16xf32> to vector<16xf32>
        %get3A_423 = arith.index_cast %shift_right_arithmetic3A_414 : i32 to index
        %get3A_424 = arith.index_cast %mul3A_418 : i32 to index
        %get3A_425 = tpu.vector_load %arg7[%get3A_423, %get3A_424] {strides = array<i32>} : memref<16x1024xf32, #tpu.memory_space<vmem>>, vector<1x16xf32>,
        %get3A_426 = vector.shape_cast %get3A_425 : vector<1x16xf32> to vector<16xf32>
        %add3A_427 = arith.addf %get3A_422, %get3A_426 : vector<16xf32>
        %swap3A_428 = arith.index_cast %shift_right_arithmetic3A_414 : i32 to index
        %swap3A_429 = arith.index_cast %mul3A_418 : i32 to index
        %swap3A_430 = tpu.vector_load %arg12[%swap3A_428, %swap3A_429] {strides = array<i32>} : memref<16x1024xf32, #tpu.memory_space<vmem>>, vector<1x16xf32>,
        %swap3A_431 = vector.shape_cast %swap3A_430 : vector<1x16xf32> to vector<16xf32>
        %swap3A_432 = vector.shape_cast %add3A_427 : vector<16xf32> to vector<1x16xf32>
        tpu.vector_store %arg12[%swap3A_428, %swap3A_429], %swap3A_432 {strides = array<i32>} : memref<16x1024xf32, #tpu.memory_space<vmem>>, vector<1x16xf32>,
        %scan3A_433 = arith.constant 0 : i32
        %scan3A_434 = arith.constant 3 : i32
        %scan3A_435 = arith.addi %scan3A_369, %scan3A_434 : i32
        %shift_right_arithmetic3A_436 = arith.constant 6 : i32
        %shift_right_arithmetic3A_437 = arith.shrsi %scan3A_435, %shift_right_arithmetic3A_436 : i32
        %and3A_438 = arith.constant 63 : i32
        %and3A_439 = arith.andi %scan3A_435, %and3A_438 : i32
        %mul3A_440 = arith.constant 16 : i32
        %mul3A_441 = arith.muli %and3A_439, %mul3A_440 : i32
        %get3A_442 = arith.index_cast %shift_right_arithmetic3A_437 : i32 to index
        %get3A_443 = arith.index_cast %mul3A_441 : i32 to index
        %get3A_444 = tpu.vector_load %arg12[%get3A_442, %get3A_443] {strides = array<i32>} : memref<16x1024xf32, #tpu.memory_space<vmem>>, vector<1x16xf32>,
        %get3A_445 = vector.shape_cast %get3A_444 : vector<1x16xf32> to vector<16xf32>
        %get3A_446 = arith.index_cast %shift_right_arithmetic3A_437 : i32 to index
        %get3A_447 = arith.index_cast %mul3A_441 : i32 to index
        %get3A_448 = tpu.vector_load %arg7[%get3A_446, %get3A_447] {strides = array<i32>} : memref<16x1024xf32, #tpu.memory_space<vmem>>, vector<1x16xf32>,
        %get3A_449 = vector.shape_cast %get3A_448 : vector<1x16xf32> to vector<16xf32>
        %add3A_450 = arith.addf %get3A_445, %get3A_449 : vector<16xf32>
        %swap3A_451 = arith.index_cast %shift_right_arithmetic3A_437 : i32 to index
        %swap3A_452 = arith.index_cast %mul3A_441 : i32 to index
        %swap3A_453 = tpu.vector_load %arg12[%swap3A_451, %swap3A_452] {strides = array<i32>} : memref<16x1024xf32, #tpu.memory_space<vmem>>, vector<1x16xf32>,
        %swap3A_454 = vector.shape_cast %swap3A_453 : vector<1x16xf32> to vector<16xf32>
        %swap3A_455 = vector.shape_cast %add3A_450 : vector<16xf32> to vector<1x16xf32>
        tpu.vector_store %arg12[%swap3A_451, %swap3A_452], %swap3A_455 {strides = array<i32>} : memref<16x1024xf32, #tpu.memory_space<vmem>>, vector<1x16xf32>,
        %scan3A_456 = arith.constant 0 : i32
        %scan3A_457 = arith.constant 4 : i32
        %scan3A_458 = arith.addi %scan3A_369, %scan3A_457 : i32
        %shift_right_arithmetic3A_459 = arith.constant 6 : i32
        %shift_right_arithmetic3A_460 = arith.shrsi %scan3A_458, %shift_right_arithmetic3A_459 : i32
        %and3A_461 = arith.constant 63 : i32
        %and3A_462 = arith.andi %scan3A_458, %and3A_461 : i32
        %mul3A_463 = arith.constant 16 : i32
        %mul3A_464 = arith.muli %and3A_462, %mul3A_463 : i32
        %get3A_465 = arith.index_cast %shift_right_arithmetic3A_460 : i32 to index
        %get3A_466 = arith.index_cast %mul3A_464 : i32 to index
        %get3A_467 = tpu.vector_load %arg12[%get3A_465, %get3A_466] {strides = array<i32>} : memref<16x1024xf32, #tpu.memory_space<vmem>>, vector<1x16xf32>,
        %get3A_468 = vector.shape_cast %get3A_467 : vector<1x16xf32> to vector<16xf32>
        %get3A_469 = arith.index_cast %shift_right_arithmetic3A_460 : i32 to index
        %get3A_470 = arith.index_cast %mul3A_464 : i32 to index
        %get3A_471 = tpu.vector_load %arg7[%get3A_469, %get3A_470] {strides = array<i32>} : memref<16x1024xf32, #tpu.memory_space<vmem>>, vector<1x16xf32>,
        %get3A_472 = vector.shape_cast %get3A_471 : vector<1x16xf32> to vector<16xf32>
        %add3A_473 = arith.addf %get3A_468, %get3A_472 : vector<16xf32>
        %swap3A_474 = arith.index_cast %shift_right_arithmetic3A_460 : i32 to index
        %swap3A_475 = arith.index_cast %mul3A_464 : i32 to index
        %swap3A_476 = tpu.vector_load %arg12[%swap3A_474, %swap3A_475] {strides = array<i32>} : memref<16x1024xf32, #tpu.memory_space<vmem>>, vector<1x16xf32>,
        %swap3A_477 = vector.shape_cast %swap3A_476 : vector<1x16xf32> to vector<16xf32>
        %swap3A_478 = vector.shape_cast %add3A_473 : vector<16xf32> to vector<1x16xf32>
        tpu.vector_store %arg12[%swap3A_474, %swap3A_475], %swap3A_478 {strides = array<i32>} : memref<16x1024xf32, #tpu.memory_space<vmem>>, vector<1x16xf32>,
        %scan3A_479 = arith.constant 0 : i32
        %scan3A_480 = arith.constant 5 : i32
        %scan3A_481 = arith.addi %scan3A_369, %scan3A_480 : i32
        %shift_right_arithmetic3A_482 = arith.constant 6 : i32
        %shift_right_arithmetic3A_483 = arith.shrsi %scan3A_481, %shift_right_arithmetic3A_482 : i32
        %and3A_484 = arith.constant 63 : i32
        %and3A_485 = arith.andi %scan3A_481, %and3A_484 : i32
        %mul3A_486 = arith.constant 16 : i32
        %mul3A_487 = arith.muli %and3A_485, %mul3A_486 : i32
        %get3A_488 = arith.index_cast %shift_right_arithmetic3A_483 : i32 to index
        %get3A_489 = arith.index_cast %mul3A_487 : i32 to index
        %get3A_490 = tpu.vector_load %arg12[%get3A_488, %get3A_489] {strides = array<i32>} : memref<16x1024xf32, #tpu.memory_space<vmem>>, vector<1x16xf32>,
        %get3A_491 = vector.shape_cast %get3A_490 : vector<1x16xf32> to vector<16xf32>
        %get3A_492 = arith.index_cast %shift_right_arithmetic3A_483 : i32 to index
        %get3A_493 = arith.index_cast %mul3A_487 : i32 to index
        %get3A_494 = tpu.vector_load %arg7[%get3A_492, %get3A_493] {strides = array<i32>} : memref<16x1024xf32, #tpu.memory_space<vmem>>, vector<1x16xf32>,
        %get3A_495 = vector.shape_cast %get3A_494 : vector<1x16xf32> to vector<16xf32>
        %add3A_496 = arith.addf %get3A_491, %get3A_495 : vector<16xf32>
        %swap3A_497 = arith.index_cast %shift_right_arithmetic3A_483 : i32 to index
        %swap3A_498 = arith.index_cast %mul3A_487 : i32 to index
        %swap3A_499 = tpu.vector_load %arg12[%swap3A_497, %swap3A_498] {strides = array<i32>} : memref<16x1024xf32, #tpu.memory_space<vmem>>, vector<1x16xf32>,
        %swap3A_500 = vector.shape_cast %swap3A_499 : vector<1x16xf32> to vector<16xf32>
        %swap3A_501 = vector.shape_cast %add3A_496 : vector<16xf32> to vector<1x16xf32>
        tpu.vector_store %arg12[%swap3A_497, %swap3A_498], %swap3A_501 {strides = array<i32>} : memref<16x1024xf32, #tpu.memory_space<vmem>>, vector<1x16xf32>,
        %scan3A_502 = arith.constant 0 : i32
        %scan3A_503 = arith.constant 6 : i32
        %scan3A_504 = arith.addi %scan3A_369, %scan3A_503 : i32
        %shift_right_arithmetic3A_505 = arith.constant 6 : i32
        %shift_right_arithmetic3A_506 = arith.shrsi %scan3A_504, %shift_right_arithmetic3A_505 : i32
        %and3A_507 = arith.constant 63 : i32
        %and3A_508 = arith.andi %scan3A_504, %and3A_507 : i32
        %mul3A_509 = arith.constant 16 : i32
        %mul3A_510 = arith.muli %and3A_508, %mul3A_509 : i32
        %get3A_511 = arith.index_cast %shift_right_arithmetic3A_506 : i32 to index
        %get3A_512 = arith.index_cast %mul3A_510 : i32 to index
        %get3A_513 = tpu.vector_load %arg12[%get3A_511, %get3A_512] {strides = array<i32>} : memref<16x1024xf32, #tpu.memory_space<vmem>>, vector<1x16xf32>,
        %get3A_514 = vector.shape_cast %get3A_513 : vector<1x16xf32> to vector<16xf32>
        %get3A_515 = arith.index_cast %shift_right_arithmetic3A_506 : i32 to index
        %get3A_516 = arith.index_cast %mul3A_510 : i32 to index
        %get3A_517 = tpu.vector_load %arg7[%get3A_515, %get3A_516] {strides = array<i32>} : memref<16x1024xf32, #tpu.memory_space<vmem>>, vector<1x16xf32>,
        %get3A_518 = vector.shape_cast %get3A_517 : vector<1x16xf32> to vector<16xf32>
        %add3A_519 = arith.addf %get3A_514, %get3A_518 : vector<16xf32>
        %swap3A_520 = arith.index_cast %shift_right_arithmetic3A_506 : i32 to index
        %swap3A_521 = arith.index_cast %mul3A_510 : i32 to index
        %swap3A_522 = tpu.vector_load %arg12[%swap3A_520, %swap3A_521] {strides = array<i32>} : memref<16x1024xf32, #tpu.memory_space<vmem>>, vector<1x16xf32>,
        %swap3A_523 = vector.shape_cast %swap3A_522 : vector<1x16xf32> to vector<16xf32>
        %swap3A_524 = vector.shape_cast %add3A_519 : vector<16xf32> to vector<1x16xf32>
        tpu.vector_store %arg12[%swap3A_520, %swap3A_521], %swap3A_524 {strides = array<i32>} : memref<16x1024xf32, #tpu.memory_space<vmem>>, vector<1x16xf32>,
        %scan3A_525 = arith.constant 0 : i32
        %scan3A_526 = arith.constant 7 : i32
        %scan3A_527 = arith.addi %scan3A_369, %scan3A_526 : i32
        %shift_right_arithmetic3A_528 = arith.constant 6 : i32
        %shift_right_arithmetic3A_529 = arith.shrsi %scan3A_527, %shift_right_arithmetic3A_528 : i32
        %and3A_530 = arith.constant 63 : i32
        %and3A_531 = arith.andi %scan3A_527, %and3A_530 : i32
        %mul3A_532 = arith.constant 16 : i32
        %mul3A_533 = arith.muli %and3A_531, %mul3A_532 : i32
        %get3A_534 = arith.index_cast %shift_right_arithmetic3A_529 : i32 to index
        %get3A_535 = arith.index_cast %mul3A_533 : i32 to index
        %get3A_536 = tpu.vector_load %arg12[%get3A_534, %get3A_535] {strides = array<i32>} : memref<16x1024xf32, #tpu.memory_space<vmem>>, vector<1x16xf32>,
        %get3A_537 = vector.shape_cast %get3A_536 : vector<1x16xf32> to vector<16xf32>
        %get3A_538 = arith.index_cast %shift_right_arithmetic3A_529 : i32 to index
        %get3A_539 = arith.index_cast %mul3A_533 : i32 to index
        %get3A_540 = tpu.vector_load %arg7[%get3A_538, %get3A_539] {strides = array<i32>} : memref<16x1024xf32, #tpu.memory_space<vmem>>, vector<1x16xf32>,
        %get3A_541 = vector.shape_cast %get3A_540 : vector<1x16xf32> to vector<16xf32>
        %add3A_542 = arith.addf %get3A_537, %get3A_541 : vector<16xf32>
        %swap3A_543 = arith.index_cast %shift_right_arithmetic3A_529 : i32 to index
        %swap3A_544 = arith.index_cast %mul3A_533 : i32 to index
        %swap3A_545 = tpu.vector_load %arg12[%swap3A_543, %swap3A_544] {strides = array<i32>} : memref<16x1024xf32, #tpu.memory_space<vmem>>, vector<1x16xf32>,
        %swap3A_546 = vector.shape_cast %swap3A_545 : vector<1x16xf32> to vector<16xf32>
        %swap3A_547 = vector.shape_cast %add3A_542 : vector<16xf32> to vector<1x16xf32>
        tpu.vector_store %arg12[%swap3A_543, %swap3A_544], %swap3A_547 {strides = array<i32>} : memref<16x1024xf32, #tpu.memory_space<vmem>>, vector<1x16xf32>,
        %scan3A_548 = arith.constant 0 : i32
        scf.yield %scan3A_548 : i32
      }
      %scan3A_191 = arith.constant 1024 : i32
      %add3A_192 = arith.constant 24576 : i32
      %add3A_193 = arith.addi %add3A_192, %mul3A_2 : i32
      %mul3A_194 = arith.constant 16 : i32
      %mul3A_195 = arith.muli %add3A_46, %mul3A_194 : i32
      %add3A_196 = arith.addi %add3A_193, %mul3A_195 : i32
      %multiple_of3A_197 = tpu.assume_multiple %add3A_196, 16 : i32
      %dma_start3A_198 = arith.constant 0 : i32
      %dma_start3A_199 = tpu.memref_slice %arg5[%multiple_of3A_197, %dma_start3A_198] : memref<32768x1024xf32, #tpu.memory_space<hbm>> -> memref<16x1024xf32, #tpu.memory_space<hbm>>
      %dma_start3A_200 = arith.constant 0 : i32
      %dma_start3A_201 = tpu.memref_slice %arg5[%multiple_of3A_197, %dma_start3A_200] : memref<32768x1024xf32, #tpu.memory_space<hbm>> -> memref<16x1024xf32, #tpu.memory_space<hbm>>
      tpu.enqueue_dma source(%arg12 : memref<16x1024xf32, #tpu.memory_space<vmem>>) target(%dma_start3A_201 : memref<16x1024xf32, #tpu.memory_space<hbm>>) target_semaphore(%arg20 : memref<!tpu.dma_semaphore, #tpu.memory_space<semaphore_mem>>)
      %add3A_202 = arith.constant 2 : i32
      %add3A_203 = arith.addi %add3A_46, %add3A_202 : i32
      %lt3A = arith.constant 16 : i32
      %lt3A_204 = arith.cmpi slt, %add3A_203, %lt3A : i32
      %convert_element_type3A_205 = arith.extui %lt3A_204 : i1 to i32
      %cond3A_206 = arith.constant 0 : i32
      %cond3A_207 = arith.cmpi ne, %convert_element_type3A_205, %cond3A_206 : i32
      scf.if %cond3A_207 {
        %add3A_369 = arith.constant 2 : i32
        %add3A_370 = arith.addi %add3A_46, %add3A_369 : i32
        %mul3A_371 = arith.constant 16 : i32
        %mul3A_372 = arith.muli %add3A_370, %mul3A_371 : i32
        %add3A_373 = arith.addi %mul3A_2, %mul3A_372 : i32
        %multiple_of3A_374 = tpu.assume_multiple %add3A_373, 16 : i32
        %dma_start3A_375 = arith.constant 0 : i32
        %dma_start3A_376 = tpu.memref_slice %arg2[%multiple_of3A_374, %dma_start3A_375] : memref<8192x1024xf32, #tpu.memory_space<hbm>> -> memref<16x1024xf32, #tpu.memory_space<hbm>>
        %dma_start3A_377 = arith.constant 0 : i32
        %dma_start3A_378 = tpu.memref_slice %arg2[%multiple_of3A_374, %dma_start3A_377] : memref<8192x1024xf32, #tpu.memory_space<hbm>> -> memref<16x1024xf32, #tpu.memory_space<hbm>>
        tpu.enqueue_dma source(%dma_start3A_378 : memref<16x1024xf32, #tpu.memory_space<hbm>>) target(%arg7 : memref<16x1024xf32, #tpu.memory_space<vmem>>) target_semaphore(%arg21 : memref<!tpu.dma_semaphore, #tpu.memory_space<semaphore_mem>>)
      } else {
      }
      %mul3A_208 = arith.constant 2 : i32
      %mul3A_209 = arith.muli %scan3A_41, %mul3A_208 : i32
      %add3A_210 = arith.constant 1 : i32
      %add3A_211 = arith.addi %mul3A_209, %add3A_210 : i32
      %dma_wait3A_212 = arith.constant 0 : i32
      %dma_wait3A_213 = tpu.memref_slice %arg5[%mul3A_2, %dma_wait3A_212] : memref<32768x1024xf32, #tpu.memory_space<hbm>> -> memref<16x1024xf32, #tpu.memory_space<hbm>>
      %dma_wait3A_214 = arith.constant 0 : i32
      %dma_wait3A_215 = tpu.memref_slice %arg5[%mul3A_2, %dma_wait3A_214] : memref<32768x1024xf32, #tpu.memory_space<hbm>> -> memref<16x1024xf32, #tpu.memory_space<hbm>>
      tpu.wait_dma2 semaphore(%arg18 : memref<!tpu.dma_semaphore, #tpu.memory_space<semaphore_mem>>) src(%arg10 : memref<16x1024xf32, #tpu.memory_space<vmem>>) dst(%dma_wait3A_215 : memref<16x1024xf32, #tpu.memory_space<hbm>>)
      %mul3A_216 = arith.constant 16 : i32
      %mul3A_217 = arith.muli %add3A_211, %mul3A_216 : i32
      %multiple_of3A_218 = tpu.assume_multiple %mul3A_217, 16 : i32
      %dma_start3A_219 = arith.constant 1 : i32
      %dma_start3A_220 = tpu.memref_slice %arg6[%dma_start3A_219, %multiple_of3A_218] : memref<4x256xi32, #tpu.memory_space<vmem>> -> memref<1x16xi32, #tpu.memory_space<vmem>>
      %dma_start3A_221 = tpu.memref_squeeze %dma_start3A_220 : memref<1x16xi32, #tpu.memory_space<vmem>> -> memref<16xi32, #tpu.memory_space<vmem>>
      %dma_start3A_222 = arith.constant 0 : i32
      %dma_start3A_223 = arith.constant 0 : i32
      %dma_start3A_224 = tpu.memref_slice %arg4[%dma_start3A_222, %dma_start3A_223] : memref<100000x1024xf32, #tpu.memory_space<hbm>> -> memref<100000x1024xf32, #tpu.memory_space<hbm>>
      tpu.enqueue_indirect_dma source(%dma_start3A_224 : memref<100000x1024xf32, #tpu.memory_space<hbm>>) target(%arg10 : memref<16x1024xf32, #tpu.memory_space<vmem>>) offsets(%dma_start3A_221 : memref<16xi32, #tpu.memory_space<vmem>>) semaphore(%arg14 : memref<!tpu.dma_semaphore, #tpu.memory_space<semaphore_mem>>)
      %multiple_of3A_225 = tpu.assume_multiple %mul3A_2, 16 : i32
      %dma_wait3A_226 = arith.constant 0 : i32
      %dma_wait3A_227 = tpu.memref_slice %arg2[%multiple_of3A_225, %dma_wait3A_226] : memref<8192x1024xf32, #tpu.memory_space<hbm>> -> memref<16x1024xf32, #tpu.memory_space<hbm>>
      %dma_wait3A_228 = arith.constant 0 : i32
      %dma_wait3A_229 = tpu.memref_slice %arg2[%multiple_of3A_225, %dma_wait3A_228] : memref<8192x1024xf32, #tpu.memory_space<hbm>> -> memref<16x1024xf32, #tpu.memory_space<hbm>>
      tpu.wait_dma2 semaphore(%arg22 : memref<!tpu.dma_semaphore, #tpu.memory_space<semaphore_mem>>) src(%dma_wait3A_229 : memref<16x1024xf32, #tpu.memory_space<hbm>>) dst(%arg8 : memref<16x1024xf32, #tpu.memory_space<vmem>>)
      %dma_wait3A_230 = arith.constant 0 : i32
      %dma_wait3A_231 = arith.constant 0 : i32
      %dma_wait3A_232 = tpu.memref_slice %arg6[%dma_wait3A_230, %dma_wait3A_231] : memref<4x256xi32, #tpu.memory_space<vmem>> -> memref<1x16xi32, #tpu.memory_space<vmem>>
      %dma_wait3A_233 = tpu.memref_squeeze %dma_wait3A_232 : memref<1x16xi32, #tpu.memory_space<vmem>> -> memref<16xi32, #tpu.memory_space<vmem>>
      %dma_wait3A_234 = arith.constant 0 : i32
      %dma_wait3A_235 = arith.constant 0 : i32
      %dma_wait3A_236 = tpu.memref_slice %arg4[%dma_wait3A_234, %dma_wait3A_235] : memref<100000x1024xf32, #tpu.memory_space<hbm>> -> memref<100000x1024xf32, #tpu.memory_space<hbm>>
      tpu.wait_indirect_dma semaphore(%arg13 : memref<!tpu.dma_semaphore, #tpu.memory_space<semaphore_mem>>) src(%dma_wait3A_236 : memref<100000x1024xf32, #tpu.memory_space<hbm>>) dst(%arg9 : memref<16x1024xf32, #tpu.memory_space<vmem>>)
      %scan3A_237 = arith.constant 0 : i32
      %scan3A_238 = arith.constant 0 : i32
      %scan3A_239 = arith.constant 1024 : i32
      %scan3A_240 = arith.addi %scan3A_238, %scan3A_239 : i32
      %scan3A_241 = arith.constant 8 : i32
      %scan3A_242 = scf.for %scan3A_369 = %scan3A_238 to %scan3A_240 step %scan3A_241 iter_args(%scan3A_370 = %scan3A_237) -> (i32)  : i32 {
        %shift_right_arithmetic3A = arith.constant 6 : i32
        %shift_right_arithmetic3A_371 = arith.shrsi %scan3A_369, %shift_right_arithmetic3A : i32
        %and3A = arith.constant 63 : i32
        %and3A_372 = arith.andi %scan3A_369, %and3A : i32
        %mul3A_373 = arith.constant 16 : i32
        %mul3A_374 = arith.muli %and3A_372, %mul3A_373 : i32
        %get3A = arith.index_cast %shift_right_arithmetic3A_371 : i32 to index
        %get3A_375 = arith.index_cast %mul3A_374 : i32 to index
        %get3A_376 = tpu.vector_load %arg9[%get3A, %get3A_375] {strides = array<i32>} : memref<16x1024xf32, #tpu.memory_space<vmem>>, vector<1x16xf32>,
        %get3A_377 = vector.shape_cast %get3A_376 : vector<1x16xf32> to vector<16xf32>
        %get3A_378 = arith.index_cast %shift_right_arithmetic3A_371 : i32 to index
        %get3A_379 = arith.index_cast %mul3A_374 : i32 to index
        %get3A_380 = tpu.vector_load %arg8[%get3A_378, %get3A_379] {strides = array<i32>} : memref<16x1024xf32, #tpu.memory_space<vmem>>, vector<1x16xf32>,
        %get3A_381 = vector.shape_cast %get3A_380 : vector<1x16xf32> to vector<16xf32>
        %add3A_382 = arith.addf %get3A_377, %get3A_381 : vector<16xf32>
        %swap3A = arith.index_cast %shift_right_arithmetic3A_371 : i32 to index
        %swap3A_383 = arith.index_cast %mul3A_374 : i32 to index
        %swap3A_384 = tpu.vector_load %arg9[%swap3A, %swap3A_383] {strides = array<i32>} : memref<16x1024xf32, #tpu.memory_space<vmem>>, vector<1x16xf32>,
        %swap3A_385 = vector.shape_cast %swap3A_384 : vector<1x16xf32> to vector<16xf32>
        %swap3A_386 = vector.shape_cast %add3A_382 : vector<16xf32> to vector<1x16xf32>
        tpu.vector_store %arg9[%swap3A, %swap3A_383], %swap3A_386 {strides = array<i32>} : memref<16x1024xf32, #tpu.memory_space<vmem>>, vector<1x16xf32>,
        %scan3A_387 = arith.constant 0 : i32
        %scan3A_388 = arith.constant 1 : i32
        %scan3A_389 = arith.addi %scan3A_369, %scan3A_388 : i32
        %shift_right_arithmetic3A_390 = arith.constant 6 : i32
        %shift_right_arithmetic3A_391 = arith.shrsi %scan3A_389, %shift_right_arithmetic3A_390 : i32
        %and3A_392 = arith.constant 63 : i32
        %and3A_393 = arith.andi %scan3A_389, %and3A_392 : i32
        %mul3A_394 = arith.constant 16 : i32
        %mul3A_395 = arith.muli %and3A_393, %mul3A_394 : i32
        %get3A_396 = arith.index_cast %shift_right_arithmetic3A_391 : i32 to index
        %get3A_397 = arith.index_cast %mul3A_395 : i32 to index
        %get3A_398 = tpu.vector_load %arg9[%get3A_396, %get3A_397] {strides = array<i32>} : memref<16x1024xf32, #tpu.memory_space<vmem>>, vector<1x16xf32>,
        %get3A_399 = vector.shape_cast %get3A_398 : vector<1x16xf32> to vector<16xf32>
        %get3A_400 = arith.index_cast %shift_right_arithmetic3A_391 : i32 to index
        %get3A_401 = arith.index_cast %mul3A_395 : i32 to index
        %get3A_402 = tpu.vector_load %arg8[%get3A_400, %get3A_401] {strides = array<i32>} : memref<16x1024xf32, #tpu.memory_space<vmem>>, vector<1x16xf32>,
        %get3A_403 = vector.shape_cast %get3A_402 : vector<1x16xf32> to vector<16xf32>
        %add3A_404 = arith.addf %get3A_399, %get3A_403 : vector<16xf32>
        %swap3A_405 = arith.index_cast %shift_right_arithmetic3A_391 : i32 to index
        %swap3A_406 = arith.index_cast %mul3A_395 : i32 to index
        %swap3A_407 = tpu.vector_load %arg9[%swap3A_405, %swap3A_406] {strides = array<i32>} : memref<16x1024xf32, #tpu.memory_space<vmem>>, vector<1x16xf32>,
        %swap3A_408 = vector.shape_cast %swap3A_407 : vector<1x16xf32> to vector<16xf32>
        %swap3A_409 = vector.shape_cast %add3A_404 : vector<16xf32> to vector<1x16xf32>
        tpu.vector_store %arg9[%swap3A_405, %swap3A_406], %swap3A_409 {strides = array<i32>} : memref<16x1024xf32, #tpu.memory_space<vmem>>, vector<1x16xf32>,
        %scan3A_410 = arith.constant 0 : i32
        %scan3A_411 = arith.constant 2 : i32
        %scan3A_412 = arith.addi %scan3A_369, %scan3A_411 : i32
        %shift_right_arithmetic3A_413 = arith.constant 6 : i32
        %shift_right_arithmetic3A_414 = arith.shrsi %scan3A_412, %shift_right_arithmetic3A_413 : i32
        %and3A_415 = arith.constant 63 : i32
        %and3A_416 = arith.andi %scan3A_412, %and3A_415 : i32
        %mul3A_417 = arith.constant 16 : i32
        %mul3A_418 = arith.muli %and3A_416, %mul3A_417 : i32
        %get3A_419 = arith.index_cast %shift_right_arithmetic3A_414 : i32 to index
        %get3A_420 = arith.index_cast %mul3A_418 : i32 to index
        %get3A_421 = tpu.vector_load %arg9[%get3A_419, %get3A_420] {strides = array<i32>} : memref<16x1024xf32, #tpu.memory_space<vmem>>, vector<1x16xf32>,
        %get3A_422 = vector.shape_cast %get3A_421 : vector<1x16xf32> to vector<16xf32>
        %get3A_423 = arith.index_cast %shift_right_arithmetic3A_414 : i32 to index
        %get3A_424 = arith.index_cast %mul3A_418 : i32 to index
        %get3A_425 = tpu.vector_load %arg8[%get3A_423, %get3A_424] {strides = array<i32>} : memref<16x1024xf32, #tpu.memory_space<vmem>>, vector<1x16xf32>,
        %get3A_426 = vector.shape_cast %get3A_425 : vector<1x16xf32> to vector<16xf32>
        %add3A_427 = arith.addf %get3A_422, %get3A_426 : vector<16xf32>
        %swap3A_428 = arith.index_cast %shift_right_arithmetic3A_414 : i32 to index
        %swap3A_429 = arith.index_cast %mul3A_418 : i32 to index
        %swap3A_430 = tpu.vector_load %arg9[%swap3A_428, %swap3A_429] {strides = array<i32>} : memref<16x1024xf32, #tpu.memory_space<vmem>>, vector<1x16xf32>,
        %swap3A_431 = vector.shape_cast %swap3A_430 : vector<1x16xf32> to vector<16xf32>
        %swap3A_432 = vector.shape_cast %add3A_427 : vector<16xf32> to vector<1x16xf32>
        tpu.vector_store %arg9[%swap3A_428, %swap3A_429], %swap3A_432 {strides = array<i32>} : memref<16x1024xf32, #tpu.memory_space<vmem>>, vector<1x16xf32>,
        %scan3A_433 = arith.constant 0 : i32
        %scan3A_434 = arith.constant 3 : i32
        %scan3A_435 = arith.addi %scan3A_369, %scan3A_434 : i32
        %shift_right_arithmetic3A_436 = arith.constant 6 : i32
        %shift_right_arithmetic3A_437 = arith.shrsi %scan3A_435, %shift_right_arithmetic3A_436 : i32
        %and3A_438 = arith.constant 63 : i32
        %and3A_439 = arith.andi %scan3A_435, %and3A_438 : i32
        %mul3A_440 = arith.constant 16 : i32
        %mul3A_441 = arith.muli %and3A_439, %mul3A_440 : i32
        %get3A_442 = arith.index_cast %shift_right_arithmetic3A_437 : i32 to index
        %get3A_443 = arith.index_cast %mul3A_441 : i32 to index
        %get3A_444 = tpu.vector_load %arg9[%get3A_442, %get3A_443] {strides = array<i32>} : memref<16x1024xf32, #tpu.memory_space<vmem>>, vector<1x16xf32>,
        %get3A_445 = vector.shape_cast %get3A_444 : vector<1x16xf32> to vector<16xf32>
        %get3A_446 = arith.index_cast %shift_right_arithmetic3A_437 : i32 to index
        %get3A_447 = arith.index_cast %mul3A_441 : i32 to index
        %get3A_448 = tpu.vector_load %arg8[%get3A_446, %get3A_447] {strides = array<i32>} : memref<16x1024xf32, #tpu.memory_space<vmem>>, vector<1x16xf32>,
        %get3A_449 = vector.shape_cast %get3A_448 : vector<1x16xf32> to vector<16xf32>
        %add3A_450 = arith.addf %get3A_445, %get3A_449 : vector<16xf32>
        %swap3A_451 = arith.index_cast %shift_right_arithmetic3A_437 : i32 to index
        %swap3A_452 = arith.index_cast %mul3A_441 : i32 to index
        %swap3A_453 = tpu.vector_load %arg9[%swap3A_451, %swap3A_452] {strides = array<i32>} : memref<16x1024xf32, #tpu.memory_space<vmem>>, vector<1x16xf32>,
        %swap3A_454 = vector.shape_cast %swap3A_453 : vector<1x16xf32> to vector<16xf32>
        %swap3A_455 = vector.shape_cast %add3A_450 : vector<16xf32> to vector<1x16xf32>
        tpu.vector_store %arg9[%swap3A_451, %swap3A_452], %swap3A_455 {strides = array<i32>} : memref<16x1024xf32, #tpu.memory_space<vmem>>, vector<1x16xf32>,
        %scan3A_456 = arith.constant 0 : i32
        %scan3A_457 = arith.constant 4 : i32
        %scan3A_458 = arith.addi %scan3A_369, %scan3A_457 : i32
        %shift_right_arithmetic3A_459 = arith.constant 6 : i32
        %shift_right_arithmetic3A_460 = arith.shrsi %scan3A_458, %shift_right_arithmetic3A_459 : i32
        %and3A_461 = arith.constant 63 : i32
        %and3A_462 = arith.andi %scan3A_458, %and3A_461 : i32
        %mul3A_463 = arith.constant 16 : i32
        %mul3A_464 = arith.muli %and3A_462, %mul3A_463 : i32
        %get3A_465 = arith.index_cast %shift_right_arithmetic3A_460 : i32 to index
        %get3A_466 = arith.index_cast %mul3A_464 : i32 to index
        %get3A_467 = tpu.vector_load %arg9[%get3A_465, %get3A_466] {strides = array<i32>} : memref<16x1024xf32, #tpu.memory_space<vmem>>, vector<1x16xf32>,
        %get3A_468 = vector.shape_cast %get3A_467 : vector<1x16xf32> to vector<16xf32>
        %get3A_469 = arith.index_cast %shift_right_arithmetic3A_460 : i32 to index
        %get3A_470 = arith.index_cast %mul3A_464 : i32 to index
        %get3A_471 = tpu.vector_load %arg8[%get3A_469, %get3A_470] {strides = array<i32>} : memref<16x1024xf32, #tpu.memory_space<vmem>>, vector<1x16xf32>,
        %get3A_472 = vector.shape_cast %get3A_471 : vector<1x16xf32> to vector<16xf32>
        %add3A_473 = arith.addf %get3A_468, %get3A_472 : vector<16xf32>
        %swap3A_474 = arith.index_cast %shift_right_arithmetic3A_460 : i32 to index
        %swap3A_475 = arith.index_cast %mul3A_464 : i32 to index
        %swap3A_476 = tpu.vector_load %arg9[%swap3A_474, %swap3A_475] {strides = array<i32>} : memref<16x1024xf32, #tpu.memory_space<vmem>>, vector<1x16xf32>,
        %swap3A_477 = vector.shape_cast %swap3A_476 : vector<1x16xf32> to vector<16xf32>
        %swap3A_478 = vector.shape_cast %add3A_473 : vector<16xf32> to vector<1x16xf32>
        tpu.vector_store %arg9[%swap3A_474, %swap3A_475], %swap3A_478 {strides = array<i32>} : memref<16x1024xf32, #tpu.memory_space<vmem>>, vector<1x16xf32>,
        %scan3A_479 = arith.constant 0 : i32
        %scan3A_480 = arith.constant 5 : i32
        %scan3A_481 = arith.addi %scan3A_369, %scan3A_480 : i32
        %shift_right_arithmetic3A_482 = arith.constant 6 : i32
        %shift_right_arithmetic3A_483 = arith.shrsi %scan3A_481, %shift_right_arithmetic3A_482 : i32
        %and3A_484 = arith.constant 63 : i32
        %and3A_485 = arith.andi %scan3A_481, %and3A_484 : i32
        %mul3A_486 = arith.constant 16 : i32
        %mul3A_487 = arith.muli %and3A_485, %mul3A_486 : i32
        %get3A_488 = arith.index_cast %shift_right_arithmetic3A_483 : i32 to index
        %get3A_489 = arith.index_cast %mul3A_487 : i32 to index
        %get3A_490 = tpu.vector_load %arg9[%get3A_488, %get3A_489] {strides = array<i32>} : memref<16x1024xf32, #tpu.memory_space<vmem>>, vector<1x16xf32>,
        %get3A_491 = vector.shape_cast %get3A_490 : vector<1x16xf32> to vector<16xf32>
        %get3A_492 = arith.index_cast %shift_right_arithmetic3A_483 : i32 to index
        %get3A_493 = arith.index_cast %mul3A_487 : i32 to index
        %get3A_494 = tpu.vector_load %arg8[%get3A_492, %get3A_493] {strides = array<i32>} : memref<16x1024xf32, #tpu.memory_space<vmem>>, vector<1x16xf32>,
        %get3A_495 = vector.shape_cast %get3A_494 : vector<1x16xf32> to vector<16xf32>
        %add3A_496 = arith.addf %get3A_491, %get3A_495 : vector<16xf32>
        %swap3A_497 = arith.index_cast %shift_right_arithmetic3A_483 : i32 to index
        %swap3A_498 = arith.index_cast %mul3A_487 : i32 to index
        %swap3A_499 = tpu.vector_load %arg9[%swap3A_497, %swap3A_498] {strides = array<i32>} : memref<16x1024xf32, #tpu.memory_space<vmem>>, vector<1x16xf32>,
        %swap3A_500 = vector.shape_cast %swap3A_499 : vector<1x16xf32> to vector<16xf32>
        %swap3A_501 = vector.shape_cast %add3A_496 : vector<16xf32> to vector<1x16xf32>
        tpu.vector_store %arg9[%swap3A_497, %swap3A_498], %swap3A_501 {strides = array<i32>} : memref<16x1024xf32, #tpu.memory_space<vmem>>, vector<1x16xf32>,
        %scan3A_502 = arith.constant 0 : i32
        %scan3A_503 = arith.constant 6 : i32
        %scan3A_504 = arith.addi %scan3A_369, %scan3A_503 : i32
        %shift_right_arithmetic3A_505 = arith.constant 6 : i32
        %shift_right_arithmetic3A_506 = arith.shrsi %scan3A_504, %shift_right_arithmetic3A_505 : i32
        %and3A_507 = arith.constant 63 : i32
        %and3A_508 = arith.andi %scan3A_504, %and3A_507 : i32
        %mul3A_509 = arith.constant 16 : i32
        %mul3A_510 = arith.muli %and3A_508, %mul3A_509 : i32
        %get3A_511 = arith.index_cast %shift_right_arithmetic3A_506 : i32 to index
        %get3A_512 = arith.index_cast %mul3A_510 : i32 to index
        %get3A_513 = tpu.vector_load %arg9[%get3A_511, %get3A_512] {strides = array<i32>} : memref<16x1024xf32, #tpu.memory_space<vmem>>, vector<1x16xf32>,
        %get3A_514 = vector.shape_cast %get3A_513 : vector<1x16xf32> to vector<16xf32>
        %get3A_515 = arith.index_cast %shift_right_arithmetic3A_506 : i32 to index
        %get3A_516 = arith.index_cast %mul3A_510 : i32 to index
        %get3A_517 = tpu.vector_load %arg8[%get3A_515, %get3A_516] {strides = array<i32>} : memref<16x1024xf32, #tpu.memory_space<vmem>>, vector<1x16xf32>,
        %get3A_518 = vector.shape_cast %get3A_517 : vector<1x16xf32> to vector<16xf32>
        %add3A_519 = arith.addf %get3A_514, %get3A_518 : vector<16xf32>
        %swap3A_520 = arith.index_cast %shift_right_arithmetic3A_506 : i32 to index
        %swap3A_521 = arith.index_cast %mul3A_510 : i32 to index
        %swap3A_522 = tpu.vector_load %arg9[%swap3A_520, %swap3A_521] {strides = array<i32>} : memref<16x1024xf32, #tpu.memory_space<vmem>>, vector<1x16xf32>,
        %swap3A_523 = vector.shape_cast %swap3A_522 : vector<1x16xf32> to vector<16xf32>
        %swap3A_524 = vector.shape_cast %add3A_519 : vector<16xf32> to vector<1x16xf32>
        tpu.vector_store %arg9[%swap3A_520, %swap3A_521], %swap3A_524 {strides = array<i32>} : memref<16x1024xf32, #tpu.memory_space<vmem>>, vector<1x16xf32>,
        %scan3A_525 = arith.constant 0 : i32
        %scan3A_526 = arith.constant 7 : i32
        %scan3A_527 = arith.addi %scan3A_369, %scan3A_526 : i32
        %shift_right_arithmetic3A_528 = arith.constant 6 : i32
        %shift_right_arithmetic3A_529 = arith.shrsi %scan3A_527, %shift_right_arithmetic3A_528 : i32
        %and3A_530 = arith.constant 63 : i32
        %and3A_531 = arith.andi %scan3A_527, %and3A_530 : i32
        %mul3A_532 = arith.constant 16 : i32
        %mul3A_533 = arith.muli %and3A_531, %mul3A_532 : i32
        %get3A_534 = arith.index_cast %shift_right_arithmetic3A_529 : i32 to index
        %get3A_535 = arith.index_cast %mul3A_533 : i32 to index
        %get3A_536 = tpu.vector_load %arg9[%get3A_534, %get3A_535] {strides = array<i32>} : memref<16x1024xf32, #tpu.memory_space<vmem>>, vector<1x16xf32>,
        %get3A_537 = vector.shape_cast %get3A_536 : vector<1x16xf32> to vector<16xf32>
        %get3A_538 = arith.index_cast %shift_right_arithmetic3A_529 : i32 to index
        %get3A_539 = arith.index_cast %mul3A_533 : i32 to index
        %get3A_540 = tpu.vector_load %arg8[%get3A_538, %get3A_539] {strides = array<i32>} : memref<16x1024xf32, #tpu.memory_space<vmem>>, vector<1x16xf32>,
        %get3A_541 = vector.shape_cast %get3A_540 : vector<1x16xf32> to vector<16xf32>
        %add3A_542 = arith.addf %get3A_537, %get3A_541 : vector<16xf32>
        %swap3A_543 = arith.index_cast %shift_right_arithmetic3A_529 : i32 to index
        %swap3A_544 = arith.index_cast %mul3A_533 : i32 to index
        %swap3A_545 = tpu.vector_load %arg9[%swap3A_543, %swap3A_544] {strides = array<i32>} : memref<16x1024xf32, #tpu.memory_space<vmem>>, vector<1x16xf32>,
        %swap3A_546 = vector.shape_cast %swap3A_545 : vector<1x16xf32> to vector<16xf32>
        %swap3A_547 = vector.shape_cast %add3A_542 : vector<16xf32> to vector<1x16xf32>
        tpu.vector_store %arg9[%swap3A_543, %swap3A_544], %swap3A_547 {strides = array<i32>} : memref<16x1024xf32, #tpu.memory_space<vmem>>, vector<1x16xf32>,
        %scan3A_548 = arith.constant 0 : i32
        scf.yield %scan3A_548 : i32
      }
      %scan3A_243 = arith.constant 1024 : i32
      %add3A_244 = arith.constant 0 : i32
      %add3A_245 = arith.addi %add3A_244, %mul3A_2 : i32
      %mul3A_246 = arith.constant 16 : i32
      %mul3A_247 = arith.muli %add3A_211, %mul3A_246 : i32
      %add3A_248 = arith.addi %add3A_245, %mul3A_247 : i32
      %multiple_of3A_249 = tpu.assume_multiple %add3A_248, 16 : i32
      %dma_start3A_250 = arith.constant 0 : i32
      %dma_start3A_251 = tpu.memref_slice %arg5[%multiple_of3A_249, %dma_start3A_250] : memref<32768x1024xf32, #tpu.memory_space<hbm>> -> memref<16x1024xf32, #tpu.memory_space<hbm>>
      %dma_start3A_252 = arith.constant 0 : i32
      %dma_start3A_253 = tpu.memref_slice %arg5[%multiple_of3A_249, %dma_start3A_252] : memref<32768x1024xf32, #tpu.memory_space<hbm>> -> memref<16x1024xf32, #tpu.memory_space<hbm>>
      tpu.enqueue_dma source(%arg9 : memref<16x1024xf32, #tpu.memory_space<vmem>>) target(%dma_start3A_253 : memref<16x1024xf32, #tpu.memory_space<hbm>>) target_semaphore(%arg17 : memref<!tpu.dma_semaphore, #tpu.memory_space<semaphore_mem>>)
      %dma_wait3A_254 = arith.constant 0 : i32
      %dma_wait3A_255 = tpu.memref_slice %arg5[%mul3A_2, %dma_wait3A_254] : memref<32768x1024xf32, #tpu.memory_space<hbm>> -> memref<16x1024xf32, #tpu.memory_space<hbm>>
      %dma_wait3A_256 = arith.constant 0 : i32
      %dma_wait3A_257 = tpu.memref_slice %arg5[%mul3A_2, %dma_wait3A_256] : memref<32768x1024xf32, #tpu.memory_space<hbm>> -> memref<16x1024xf32, #tpu.memory_space<hbm>>
      tpu.wait_dma2 semaphore(%arg19 : memref<!tpu.dma_semaphore, #tpu.memory_space<semaphore_mem>>) src(%arg11 : memref<16x1024xf32, #tpu.memory_space<vmem>>) dst(%dma_wait3A_257 : memref<16x1024xf32, #tpu.memory_space<hbm>>)
      %mul3A_258 = arith.constant 16 : i32
      %mul3A_259 = arith.muli %add3A_211, %mul3A_258 : i32
      %multiple_of3A_260 = tpu.assume_multiple %mul3A_259, 16 : i32
      %dma_start3A_261 = arith.constant 2 : i32
      %dma_start3A_262 = tpu.memref_slice %arg6[%dma_start3A_261, %multiple_of3A_260] : memref<4x256xi32, #tpu.memory_space<vmem>> -> memref<1x16xi32, #tpu.memory_space<vmem>>
      %dma_start3A_263 = tpu.memref_squeeze %dma_start3A_262 : memref<1x16xi32, #tpu.memory_space<vmem>> -> memref<16xi32, #tpu.memory_space<vmem>>
      %dma_start3A_264 = arith.constant 0 : i32
      %dma_start3A_265 = arith.constant 0 : i32
      %dma_start3A_266 = tpu.memref_slice %arg4[%dma_start3A_264, %dma_start3A_265] : memref<100000x1024xf32, #tpu.memory_space<hbm>> -> memref<100000x1024xf32, #tpu.memory_space<hbm>>
      tpu.enqueue_indirect_dma source(%dma_start3A_266 : memref<100000x1024xf32, #tpu.memory_space<hbm>>) target(%arg11 : memref<16x1024xf32, #tpu.memory_space<vmem>>) offsets(%dma_start3A_263 : memref<16xi32, #tpu.memory_space<vmem>>) semaphore(%arg15 : memref<!tpu.dma_semaphore, #tpu.memory_space<semaphore_mem>>)
      %dma_wait3A_267 = arith.constant 0 : i32
      %dma_wait3A_268 = arith.constant 0 : i32
      %dma_wait3A_269 = tpu.memref_slice %arg6[%dma_wait3A_267, %dma_wait3A_268] : memref<4x256xi32, #tpu.memory_space<vmem>> -> memref<1x16xi32, #tpu.memory_space<vmem>>
      %dma_wait3A_270 = tpu.memref_squeeze %dma_wait3A_269 : memref<1x16xi32, #tpu.memory_space<vmem>> -> memref<16xi32, #tpu.memory_space<vmem>>
      %dma_wait3A_271 = arith.constant 0 : i32
      %dma_wait3A_272 = arith.constant 0 : i32
      %dma_wait3A_273 = tpu.memref_slice %arg4[%dma_wait3A_271, %dma_wait3A_272] : memref<100000x1024xf32, #tpu.memory_space<hbm>> -> memref<100000x1024xf32, #tpu.memory_space<hbm>>
      tpu.wait_indirect_dma semaphore(%arg14 : memref<!tpu.dma_semaphore, #tpu.memory_space<semaphore_mem>>) src(%dma_wait3A_273 : memref<100000x1024xf32, #tpu.memory_space<hbm>>) dst(%arg10 : memref<16x1024xf32, #tpu.memory_space<vmem>>)
      %scan3A_274 = arith.constant 0 : i32
      %scan3A_275 = arith.constant 0 : i32
      %scan3A_276 = arith.constant 1024 : i32
      %scan3A_277 = arith.addi %scan3A_275, %scan3A_276 : i32
      %scan3A_278 = arith.constant 8 : i32
      %scan3A_279 = scf.for %scan3A_369 = %scan3A_275 to %scan3A_277 step %scan3A_278 iter_args(%scan3A_370 = %scan3A_274) -> (i32)  : i32 {
        %shift_right_arithmetic3A = arith.constant 6 : i32
        %shift_right_arithmetic3A_371 = arith.shrsi %scan3A_369, %shift_right_arithmetic3A : i32
        %and3A = arith.constant 63 : i32
        %and3A_372 = arith.andi %scan3A_369, %and3A : i32
        %mul3A_373 = arith.constant 16 : i32
        %mul3A_374 = arith.muli %and3A_372, %mul3A_373 : i32
        %get3A = arith.index_cast %shift_right_arithmetic3A_371 : i32 to index
        %get3A_375 = arith.index_cast %mul3A_374 : i32 to index
        %get3A_376 = tpu.vector_load %arg10[%get3A, %get3A_375] {strides = array<i32>} : memref<16x1024xf32, #tpu.memory_space<vmem>>, vector<1x16xf32>,
        %get3A_377 = vector.shape_cast %get3A_376 : vector<1x16xf32> to vector<16xf32>
        %get3A_378 = arith.index_cast %shift_right_arithmetic3A_371 : i32 to index
        %get3A_379 = arith.index_cast %mul3A_374 : i32 to index
        %get3A_380 = tpu.vector_load %arg8[%get3A_378, %get3A_379] {strides = array<i32>} : memref<16x1024xf32, #tpu.memory_space<vmem>>, vector<1x16xf32>,
        %get3A_381 = vector.shape_cast %get3A_380 : vector<1x16xf32> to vector<16xf32>
        %add3A_382 = arith.addf %get3A_377, %get3A_381 : vector<16xf32>
        %swap3A = arith.index_cast %shift_right_arithmetic3A_371 : i32 to index
        %swap3A_383 = arith.index_cast %mul3A_374 : i32 to index
        %swap3A_384 = tpu.vector_load %arg10[%swap3A, %swap3A_383] {strides = array<i32>} : memref<16x1024xf32, #tpu.memory_space<vmem>>, vector<1x16xf32>,
        %swap3A_385 = vector.shape_cast %swap3A_384 : vector<1x16xf32> to vector<16xf32>
        %swap3A_386 = vector.shape_cast %add3A_382 : vector<16xf32> to vector<1x16xf32>
        tpu.vector_store %arg10[%swap3A, %swap3A_383], %swap3A_386 {strides = array<i32>} : memref<16x1024xf32, #tpu.memory_space<vmem>>, vector<1x16xf32>,
        %scan3A_387 = arith.constant 0 : i32
        %scan3A_388 = arith.constant 1 : i32
        %scan3A_389 = arith.addi %scan3A_369, %scan3A_388 : i32
        %shift_right_arithmetic3A_390 = arith.constant 6 : i32
        %shift_right_arithmetic3A_391 = arith.shrsi %scan3A_389, %shift_right_arithmetic3A_390 : i32
        %and3A_392 = arith.constant 63 : i32
        %and3A_393 = arith.andi %scan3A_389, %and3A_392 : i32
        %mul3A_394 = arith.constant 16 : i32
        %mul3A_395 = arith.muli %and3A_393, %mul3A_394 : i32
        %get3A_396 = arith.index_cast %shift_right_arithmetic3A_391 : i32 to index
        %get3A_397 = arith.index_cast %mul3A_395 : i32 to index
        %get3A_398 = tpu.vector_load %arg10[%get3A_396, %get3A_397] {strides = array<i32>} : memref<16x1024xf32, #tpu.memory_space<vmem>>, vector<1x16xf32>,
        %get3A_399 = vector.shape_cast %get3A_398 : vector<1x16xf32> to vector<16xf32>
        %get3A_400 = arith.index_cast %shift_right_arithmetic3A_391 : i32 to index
        %get3A_401 = arith.index_cast %mul3A_395 : i32 to index
        %get3A_402 = tpu.vector_load %arg8[%get3A_400, %get3A_401] {strides = array<i32>} : memref<16x1024xf32, #tpu.memory_space<vmem>>, vector<1x16xf32>,
        %get3A_403 = vector.shape_cast %get3A_402 : vector<1x16xf32> to vector<16xf32>
        %add3A_404 = arith.addf %get3A_399, %get3A_403 : vector<16xf32>
        %swap3A_405 = arith.index_cast %shift_right_arithmetic3A_391 : i32 to index
        %swap3A_406 = arith.index_cast %mul3A_395 : i32 to index
        %swap3A_407 = tpu.vector_load %arg10[%swap3A_405, %swap3A_406] {strides = array<i32>} : memref<16x1024xf32, #tpu.memory_space<vmem>>, vector<1x16xf32>,
        %swap3A_408 = vector.shape_cast %swap3A_407 : vector<1x16xf32> to vector<16xf32>
        %swap3A_409 = vector.shape_cast %add3A_404 : vector<16xf32> to vector<1x16xf32>
        tpu.vector_store %arg10[%swap3A_405, %swap3A_406], %swap3A_409 {strides = array<i32>} : memref<16x1024xf32, #tpu.memory_space<vmem>>, vector<1x16xf32>,
        %scan3A_410 = arith.constant 0 : i32
        %scan3A_411 = arith.constant 2 : i32
        %scan3A_412 = arith.addi %scan3A_369, %scan3A_411 : i32
        %shift_right_arithmetic3A_413 = arith.constant 6 : i32
        %shift_right_arithmetic3A_414 = arith.shrsi %scan3A_412, %shift_right_arithmetic3A_413 : i32
        %and3A_415 = arith.constant 63 : i32
        %and3A_416 = arith.andi %scan3A_412, %and3A_415 : i32
        %mul3A_417 = arith.constant 16 : i32
        %mul3A_418 = arith.muli %and3A_416, %mul3A_417 : i32
        %get3A_419 = arith.index_cast %shift_right_arithmetic3A_414 : i32 to index
        %get3A_420 = arith.index_cast %mul3A_418 : i32 to index
        %get3A_421 = tpu.vector_load %arg10[%get3A_419, %get3A_420] {strides = array<i32>} : memref<16x1024xf32, #tpu.memory_space<vmem>>, vector<1x16xf32>,
        %get3A_422 = vector.shape_cast %get3A_421 : vector<1x16xf32> to vector<16xf32>
        %get3A_423 = arith.index_cast %shift_right_arithmetic3A_414 : i32 to index
        %get3A_424 = arith.index_cast %mul3A_418 : i32 to index
        %get3A_425 = tpu.vector_load %arg8[%get3A_423, %get3A_424] {strides = array<i32>} : memref<16x1024xf32, #tpu.memory_space<vmem>>, vector<1x16xf32>,
        %get3A_426 = vector.shape_cast %get3A_425 : vector<1x16xf32> to vector<16xf32>
        %add3A_427 = arith.addf %get3A_422, %get3A_426 : vector<16xf32>
        %swap3A_428 = arith.index_cast %shift_right_arithmetic3A_414 : i32 to index
        %swap3A_429 = arith.index_cast %mul3A_418 : i32 to index
        %swap3A_430 = tpu.vector_load %arg10[%swap3A_428, %swap3A_429] {strides = array<i32>} : memref<16x1024xf32, #tpu.memory_space<vmem>>, vector<1x16xf32>,
        %swap3A_431 = vector.shape_cast %swap3A_430 : vector<1x16xf32> to vector<16xf32>
        %swap3A_432 = vector.shape_cast %add3A_427 : vector<16xf32> to vector<1x16xf32>
        tpu.vector_store %arg10[%swap3A_428, %swap3A_429], %swap3A_432 {strides = array<i32>} : memref<16x1024xf32, #tpu.memory_space<vmem>>, vector<1x16xf32>,
        %scan3A_433 = arith.constant 0 : i32
        %scan3A_434 = arith.constant 3 : i32
        %scan3A_435 = arith.addi %scan3A_369, %scan3A_434 : i32
        %shift_right_arithmetic3A_436 = arith.constant 6 : i32
        %shift_right_arithmetic3A_437 = arith.shrsi %scan3A_435, %shift_right_arithmetic3A_436 : i32
        %and3A_438 = arith.constant 63 : i32
        %and3A_439 = arith.andi %scan3A_435, %and3A_438 : i32
        %mul3A_440 = arith.constant 16 : i32
        %mul3A_441 = arith.muli %and3A_439, %mul3A_440 : i32
        %get3A_442 = arith.index_cast %shift_right_arithmetic3A_437 : i32 to index
        %get3A_443 = arith.index_cast %mul3A_441 : i32 to index
        %get3A_444 = tpu.vector_load %arg10[%get3A_442, %get3A_443] {strides = array<i32>} : memref<16x1024xf32, #tpu.memory_space<vmem>>, vector<1x16xf32>,
        %get3A_445 = vector.shape_cast %get3A_444 : vector<1x16xf32> to vector<16xf32>
        %get3A_446 = arith.index_cast %shift_right_arithmetic3A_437 : i32 to index
        %get3A_447 = arith.index_cast %mul3A_441 : i32 to index
        %get3A_448 = tpu.vector_load %arg8[%get3A_446, %get3A_447] {strides = array<i32>} : memref<16x1024xf32, #tpu.memory_space<vmem>>, vector<1x16xf32>,
        %get3A_449 = vector.shape_cast %get3A_448 : vector<1x16xf32> to vector<16xf32>
        %add3A_450 = arith.addf %get3A_445, %get3A_449 : vector<16xf32>
        %swap3A_451 = arith.index_cast %shift_right_arithmetic3A_437 : i32 to index
        %swap3A_452 = arith.index_cast %mul3A_441 : i32 to index
        %swap3A_453 = tpu.vector_load %arg10[%swap3A_451, %swap3A_452] {strides = array<i32>} : memref<16x1024xf32, #tpu.memory_space<vmem>>, vector<1x16xf32>,
        %swap3A_454 = vector.shape_cast %swap3A_453 : vector<1x16xf32> to vector<16xf32>
        %swap3A_455 = vector.shape_cast %add3A_450 : vector<16xf32> to vector<1x16xf32>
        tpu.vector_store %arg10[%swap3A_451, %swap3A_452], %swap3A_455 {strides = array<i32>} : memref<16x1024xf32, #tpu.memory_space<vmem>>, vector<1x16xf32>,
        %scan3A_456 = arith.constant 0 : i32
        %scan3A_457 = arith.constant 4 : i32
        %scan3A_458 = arith.addi %scan3A_369, %scan3A_457 : i32
        %shift_right_arithmetic3A_459 = arith.constant 6 : i32
        %shift_right_arithmetic3A_460 = arith.shrsi %scan3A_458, %shift_right_arithmetic3A_459 : i32
        %and3A_461 = arith.constant 63 : i32
        %and3A_462 = arith.andi %scan3A_458, %and3A_461 : i32
        %mul3A_463 = arith.constant 16 : i32
        %mul3A_464 = arith.muli %and3A_462, %mul3A_463 : i32
        %get3A_465 = arith.index_cast %shift_right_arithmetic3A_460 : i32 to index
        %get3A_466 = arith.index_cast %mul3A_464 : i32 to index
        %get3A_467 = tpu.vector_load %arg10[%get3A_465, %get3A_466] {strides = array<i32>} : memref<16x1024xf32, #tpu.memory_space<vmem>>, vector<1x16xf32>,
        %get3A_468 = vector.shape_cast %get3A_467 : vector<1x16xf32> to vector<16xf32>
        %get3A_469 = arith.index_cast %shift_right_arithmetic3A_460 : i32 to index
        %get3A_470 = arith.index_cast %mul3A_464 : i32 to index
        %get3A_471 = tpu.vector_load %arg8[%get3A_469, %get3A_470] {strides = array<i32>} : memref<16x1024xf32, #tpu.memory_space<vmem>>, vector<1x16xf32>,
        %get3A_472 = vector.shape_cast %get3A_471 : vector<1x16xf32> to vector<16xf32>
        %add3A_473 = arith.addf %get3A_468, %get3A_472 : vector<16xf32>
        %swap3A_474 = arith.index_cast %shift_right_arithmetic3A_460 : i32 to index
        %swap3A_475 = arith.index_cast %mul3A_464 : i32 to index
        %swap3A_476 = tpu.vector_load %arg10[%swap3A_474, %swap3A_475] {strides = array<i32>} : memref<16x1024xf32, #tpu.memory_space<vmem>>, vector<1x16xf32>,
        %swap3A_477 = vector.shape_cast %swap3A_476 : vector<1x16xf32> to vector<16xf32>
        %swap3A_478 = vector.shape_cast %add3A_473 : vector<16xf32> to vector<1x16xf32>
        tpu.vector_store %arg10[%swap3A_474, %swap3A_475], %swap3A_478 {strides = array<i32>} : memref<16x1024xf32, #tpu.memory_space<vmem>>, vector<1x16xf32>,
        %scan3A_479 = arith.constant 0 : i32
        %scan3A_480 = arith.constant 5 : i32
        %scan3A_481 = arith.addi %scan3A_369, %scan3A_480 : i32
        %shift_right_arithmetic3A_482 = arith.constant 6 : i32
        %shift_right_arithmetic3A_483 = arith.shrsi %scan3A_481, %shift_right_arithmetic3A_482 : i32
        %and3A_484 = arith.constant 63 : i32
        %and3A_485 = arith.andi %scan3A_481, %and3A_484 : i32
        %mul3A_486 = arith.constant 16 : i32
        %mul3A_487 = arith.muli %and3A_485, %mul3A_486 : i32
        %get3A_488 = arith.index_cast %shift_right_arithmetic3A_483 : i32 to index
        %get3A_489 = arith.index_cast %mul3A_487 : i32 to index
        %get3A_490 = tpu.vector_load %arg10[%get3A_488, %get3A_489] {strides = array<i32>} : memref<16x1024xf32, #tpu.memory_space<vmem>>, vector<1x16xf32>,
        %get3A_491 = vector.shape_cast %get3A_490 : vector<1x16xf32> to vector<16xf32>
        %get3A_492 = arith.index_cast %shift_right_arithmetic3A_483 : i32 to index
        %get3A_493 = arith.index_cast %mul3A_487 : i32 to index
        %get3A_494 = tpu.vector_load %arg8[%get3A_492, %get3A_493] {strides = array<i32>} : memref<16x1024xf32, #tpu.memory_space<vmem>>, vector<1x16xf32>,
        %get3A_495 = vector.shape_cast %get3A_494 : vector<1x16xf32> to vector<16xf32>
        %add3A_496 = arith.addf %get3A_491, %get3A_495 : vector<16xf32>
        %swap3A_497 = arith.index_cast %shift_right_arithmetic3A_483 : i32 to index
        %swap3A_498 = arith.index_cast %mul3A_487 : i32 to index
        %swap3A_499 = tpu.vector_load %arg10[%swap3A_497, %swap3A_498] {strides = array<i32>} : memref<16x1024xf32, #tpu.memory_space<vmem>>, vector<1x16xf32>,
        %swap3A_500 = vector.shape_cast %swap3A_499 : vector<1x16xf32> to vector<16xf32>
        %swap3A_501 = vector.shape_cast %add3A_496 : vector<16xf32> to vector<1x16xf32>
        tpu.vector_store %arg10[%swap3A_497, %swap3A_498], %swap3A_501 {strides = array<i32>} : memref<16x1024xf32, #tpu.memory_space<vmem>>, vector<1x16xf32>,
        %scan3A_502 = arith.constant 0 : i32
        %scan3A_503 = arith.constant 6 : i32
        %scan3A_504 = arith.addi %scan3A_369, %scan3A_503 : i32
        %shift_right_arithmetic3A_505 = arith.constant 6 : i32
        %shift_right_arithmetic3A_506 = arith.shrsi %scan3A_504, %shift_right_arithmetic3A_505 : i32
        %and3A_507 = arith.constant 63 : i32
        %and3A_508 = arith.andi %scan3A_504, %and3A_507 : i32
        %mul3A_509 = arith.constant 16 : i32
        %mul3A_510 = arith.muli %and3A_508, %mul3A_509 : i32
        %get3A_511 = arith.index_cast %shift_right_arithmetic3A_506 : i32 to index
        %get3A_512 = arith.index_cast %mul3A_510 : i32 to index
        %get3A_513 = tpu.vector_load %arg10[%get3A_511, %get3A_512] {strides = array<i32>} : memref<16x1024xf32, #tpu.memory_space<vmem>>, vector<1x16xf32>,
        %get3A_514 = vector.shape_cast %get3A_513 : vector<1x16xf32> to vector<16xf32>
        %get3A_515 = arith.index_cast %shift_right_arithmetic3A_506 : i32 to index
        %get3A_516 = arith.index_cast %mul3A_510 : i32 to index
        %get3A_517 = tpu.vector_load %arg8[%get3A_515, %get3A_516] {strides = array<i32>} : memref<16x1024xf32, #tpu.memory_space<vmem>>, vector<1x16xf32>,
        %get3A_518 = vector.shape_cast %get3A_517 : vector<1x16xf32> to vector<16xf32>
        %add3A_519 = arith.addf %get3A_514, %get3A_518 : vector<16xf32>
        %swap3A_520 = arith.index_cast %shift_right_arithmetic3A_506 : i32 to index
        %swap3A_521 = arith.index_cast %mul3A_510 : i32 to index
        %swap3A_522 = tpu.vector_load %arg10[%swap3A_520, %swap3A_521] {strides = array<i32>} : memref<16x1024xf32, #tpu.memory_space<vmem>>, vector<1x16xf32>,
        %swap3A_523 = vector.shape_cast %swap3A_522 : vector<1x16xf32> to vector<16xf32>
        %swap3A_524 = vector.shape_cast %add3A_519 : vector<16xf32> to vector<1x16xf32>
        tpu.vector_store %arg10[%swap3A_520, %swap3A_521], %swap3A_524 {strides = array<i32>} : memref<16x1024xf32, #tpu.memory_space<vmem>>, vector<1x16xf32>,
        %scan3A_525 = arith.constant 0 : i32
        %scan3A_526 = arith.constant 7 : i32
        %scan3A_527 = arith.addi %scan3A_369, %scan3A_526 : i32
        %shift_right_arithmetic3A_528 = arith.constant 6 : i32
        %shift_right_arithmetic3A_529 = arith.shrsi %scan3A_527, %shift_right_arithmetic3A_528 : i32
        %and3A_530 = arith.constant 63 : i32
        %and3A_531 = arith.andi %scan3A_527, %and3A_530 : i32
        %mul3A_532 = arith.constant 16 : i32
        %mul3A_533 = arith.muli %and3A_531, %mul3A_532 : i32
        %get3A_534 = arith.index_cast %shift_right_arithmetic3A_529 : i32 to index
        %get3A_535 = arith.index_cast %mul3A_533 : i32 to index
        %get3A_536 = tpu.vector_load %arg10[%get3A_534, %get3A_535] {strides = array<i32>} : memref<16x1024xf32, #tpu.memory_space<vmem>>, vector<1x16xf32>,
        %get3A_537 = vector.shape_cast %get3A_536 : vector<1x16xf32> to vector<16xf32>
        %get3A_538 = arith.index_cast %shift_right_arithmetic3A_529 : i32 to index
        %get3A_539 = arith.index_cast %mul3A_533 : i32 to index
        %get3A_540 = tpu.vector_load %arg8[%get3A_538, %get3A_539] {strides = array<i32>} : memref<16x1024xf32, #tpu.memory_space<vmem>>, vector<1x16xf32>,
        %get3A_541 = vector.shape_cast %get3A_540 : vector<1x16xf32> to vector<16xf32>
        %add3A_542 = arith.addf %get3A_537, %get3A_541 : vector<16xf32>
        %swap3A_543 = arith.index_cast %shift_right_arithmetic3A_529 : i32 to index
        %swap3A_544 = arith.index_cast %mul3A_533 : i32 to index
        %swap3A_545 = tpu.vector_load %arg10[%swap3A_543, %swap3A_544] {strides = array<i32>} : memref<16x1024xf32, #tpu.memory_space<vmem>>, vector<1x16xf32>,
        %swap3A_546 = vector.shape_cast %swap3A_545 : vector<1x16xf32> to vector<16xf32>
        %swap3A_547 = vector.shape_cast %add3A_542 : vector<16xf32> to vector<1x16xf32>
        tpu.vector_store %arg10[%swap3A_543, %swap3A_544], %swap3A_547 {strides = array<i32>} : memref<16x1024xf32, #tpu.memory_space<vmem>>, vector<1x16xf32>,
        %scan3A_548 = arith.constant 0 : i32
        scf.yield %scan3A_548 : i32
      }
      %scan3A_280 = arith.constant 1024 : i32
      %add3A_281 = arith.constant 8192 : i32
      %add3A_282 = arith.addi %add3A_281, %mul3A_2 : i32
      %mul3A_283 = arith.constant 16 : i32
      %mul3A_284 = arith.muli %add3A_211, %mul3A_283 : i32
      %add3A_285 = arith.addi %add3A_282, %mul3A_284 : i32
      %multiple_of3A_286 = tpu.assume_multiple %add3A_285, 16 : i32
      %dma_start3A_287 = arith.constant 0 : i32
      %dma_start3A_288 = tpu.memref_slice %arg5[%multiple_of3A_286, %dma_start3A_287] : memref<32768x1024xf32, #tpu.memory_space<hbm>> -> memref<16x1024xf32, #tpu.memory_space<hbm>>
      %dma_start3A_289 = arith.constant 0 : i32
      %dma_start3A_290 = tpu.memref_slice %arg5[%multiple_of3A_286, %dma_start3A_289] : memref<32768x1024xf32, #tpu.memory_space<hbm>> -> memref<16x1024xf32, #tpu.memory_space<hbm>>
      tpu.enqueue_dma source(%arg10 : memref<16x1024xf32, #tpu.memory_space<vmem>>) target(%dma_start3A_290 : memref<16x1024xf32, #tpu.memory_space<hbm>>) target_semaphore(%arg18 : memref<!tpu.dma_semaphore, #tpu.memory_space<semaphore_mem>>)
      %dma_wait3A_291 = arith.constant 0 : i32
      %dma_wait3A_292 = tpu.memref_slice %arg5[%mul3A_2, %dma_wait3A_291] : memref<32768x1024xf32, #tpu.memory_space<hbm>> -> memref<16x1024xf32, #tpu.memory_space<hbm>>
      %dma_wait3A_293 = arith.constant 0 : i32
      %dma_wait3A_294 = tpu.memref_slice %arg5[%mul3A_2, %dma_wait3A_293] : memref<32768x1024xf32, #tpu.memory_space<hbm>> -> memref<16x1024xf32, #tpu.memory_space<hbm>>
      tpu.wait_dma2 semaphore(%arg20 : memref<!tpu.dma_semaphore, #tpu.memory_space<semaphore_mem>>) src(%arg12 : memref<16x1024xf32, #tpu.memory_space<vmem>>) dst(%dma_wait3A_294 : memref<16x1024xf32, #tpu.memory_space<hbm>>)
      %mul3A_295 = arith.constant 16 : i32
      %mul3A_296 = arith.muli %add3A_211, %mul3A_295 : i32
      %multiple_of3A_297 = tpu.assume_multiple %mul3A_296, 16 : i32
      %dma_start3A_298 = arith.constant 3 : i32
      %dma_start3A_299 = tpu.memref_slice %arg6[%dma_start3A_298, %multiple_of3A_297] : memref<4x256xi32, #tpu.memory_space<vmem>> -> memref<1x16xi32, #tpu.memory_space<vmem>>
      %dma_start3A_300 = tpu.memref_squeeze %dma_start3A_299 : memref<1x16xi32, #tpu.memory_space<vmem>> -> memref<16xi32, #tpu.memory_space<vmem>>
      %dma_start3A_301 = arith.constant 0 : i32
      %dma_start3A_302 = arith.constant 0 : i32
      %dma_start3A_303 = tpu.memref_slice %arg4[%dma_start3A_301, %dma_start3A_302] : memref<100000x1024xf32, #tpu.memory_space<hbm>> -> memref<100000x1024xf32, #tpu.memory_space<hbm>>
      tpu.enqueue_indirect_dma source(%dma_start3A_303 : memref<100000x1024xf32, #tpu.memory_space<hbm>>) target(%arg12 : memref<16x1024xf32, #tpu.memory_space<vmem>>) offsets(%dma_start3A_300 : memref<16xi32, #tpu.memory_space<vmem>>) semaphore(%arg16 : memref<!tpu.dma_semaphore, #tpu.memory_space<semaphore_mem>>)
      %dma_wait3A_304 = arith.constant 0 : i32
      %dma_wait3A_305 = arith.constant 0 : i32
      %dma_wait3A_306 = tpu.memref_slice %arg6[%dma_wait3A_304, %dma_wait3A_305] : memref<4x256xi32, #tpu.memory_space<vmem>> -> memref<1x16xi32, #tpu.memory_space<vmem>>
      %dma_wait3A_307 = tpu.memref_squeeze %dma_wait3A_306 : memref<1x16xi32, #tpu.memory_space<vmem>> -> memref<16xi32, #tpu.memory_space<vmem>>
      %dma_wait3A_308 = arith.constant 0 : i32
      %dma_wait3A_309 = arith.constant 0 : i32
      %dma_wait3A_310 = tpu.memref_slice %arg4[%dma_wait3A_308, %dma_wait3A_309] : memref<100000x1024xf32, #tpu.memory_space<hbm>> -> memref<100000x1024xf32, #tpu.memory_space<hbm>>
      tpu.wait_indirect_dma semaphore(%arg15 : memref<!tpu.dma_semaphore, #tpu.memory_space<semaphore_mem>>) src(%dma_wait3A_310 : memref<100000x1024xf32, #tpu.memory_space<hbm>>) dst(%arg11 : memref<16x1024xf32, #tpu.memory_space<vmem>>)
      %scan3A_311 = arith.constant 0 : i32
      %scan3A_312 = arith.constant 0 : i32
      %scan3A_313 = arith.constant 1024 : i32
      %scan3A_314 = arith.addi %scan3A_312, %scan3A_313 : i32
      %scan3A_315 = arith.constant 8 : i32
      %scan3A_316 = scf.for %scan3A_369 = %scan3A_312 to %scan3A_314 step %scan3A_315 iter_args(%scan3A_370 = %scan3A_311) -> (i32)  : i32 {
        %shift_right_arithmetic3A = arith.constant 6 : i32
        %shift_right_arithmetic3A_371 = arith.shrsi %scan3A_369, %shift_right_arithmetic3A : i32
        %and3A = arith.constant 63 : i32
        %and3A_372 = arith.andi %scan3A_369, %and3A : i32
        %mul3A_373 = arith.constant 16 : i32
        %mul3A_374 = arith.muli %and3A_372, %mul3A_373 : i32
        %get3A = arith.index_cast %shift_right_arithmetic3A_371 : i32 to index
        %get3A_375 = arith.index_cast %mul3A_374 : i32 to index
        %get3A_376 = tpu.vector_load %arg11[%get3A, %get3A_375] {strides = array<i32>} : memref<16x1024xf32, #tpu.memory_space<vmem>>, vector<1x16xf32>,
        %get3A_377 = vector.shape_cast %get3A_376 : vector<1x16xf32> to vector<16xf32>
        %get3A_378 = arith.index_cast %shift_right_arithmetic3A_371 : i32 to index
        %get3A_379 = arith.index_cast %mul3A_374 : i32 to index
        %get3A_380 = tpu.vector_load %arg8[%get3A_378, %get3A_379] {strides = array<i32>} : memref<16x1024xf32, #tpu.memory_space<vmem>>, vector<1x16xf32>,
        %get3A_381 = vector.shape_cast %get3A_380 : vector<1x16xf32> to vector<16xf32>
        %add3A_382 = arith.addf %get3A_377, %get3A_381 : vector<16xf32>
        %swap3A = arith.index_cast %shift_right_arithmetic3A_371 : i32 to index
        %swap3A_383 = arith.index_cast %mul3A_374 : i32 to index
        %swap3A_384 = tpu.vector_load %arg11[%swap3A, %swap3A_383] {strides = array<i32>} : memref<16x1024xf32, #tpu.memory_space<vmem>>, vector<1x16xf32>,
        %swap3A_385 = vector.shape_cast %swap3A_384 : vector<1x16xf32> to vector<16xf32>
        %swap3A_386 = vector.shape_cast %add3A_382 : vector<16xf32> to vector<1x16xf32>
        tpu.vector_store %arg11[%swap3A, %swap3A_383], %swap3A_386 {strides = array<i32>} : memref<16x1024xf32, #tpu.memory_space<vmem>>, vector<1x16xf32>,
        %scan3A_387 = arith.constant 0 : i32
        %scan3A_388 = arith.constant 1 : i32
        %scan3A_389 = arith.addi %scan3A_369, %scan3A_388 : i32
        %shift_right_arithmetic3A_390 = arith.constant 6 : i32
        %shift_right_arithmetic3A_391 = arith.shrsi %scan3A_389, %shift_right_arithmetic3A_390 : i32
        %and3A_392 = arith.constant 63 : i32
        %and3A_393 = arith.andi %scan3A_389, %and3A_392 : i32
        %mul3A_394 = arith.constant 16 : i32
        %mul3A_395 = arith.muli %and3A_393, %mul3A_394 : i32
        %get3A_396 = arith.index_cast %shift_right_arithmetic3A_391 : i32 to index
        %get3A_397 = arith.index_cast %mul3A_395 : i32 to index
        %get3A_398 = tpu.vector_load %arg11[%get3A_396, %get3A_397] {strides = array<i32>} : memref<16x1024xf32, #tpu.memory_space<vmem>>, vector<1x16xf32>,
        %get3A_399 = vector.shape_cast %get3A_398 : vector<1x16xf32> to vector<16xf32>
        %get3A_400 = arith.index_cast %shift_right_arithmetic3A_391 : i32 to index
        %get3A_401 = arith.index_cast %mul3A_395 : i32 to index
        %get3A_402 = tpu.vector_load %arg8[%get3A_400, %get3A_401] {strides = array<i32>} : memref<16x1024xf32, #tpu.memory_space<vmem>>, vector<1x16xf32>,
        %get3A_403 = vector.shape_cast %get3A_402 : vector<1x16xf32> to vector<16xf32>
        %add3A_404 = arith.addf %get3A_399, %get3A_403 : vector<16xf32>
        %swap3A_405 = arith.index_cast %shift_right_arithmetic3A_391 : i32 to index
        %swap3A_406 = arith.index_cast %mul3A_395 : i32 to index
        %swap3A_407 = tpu.vector_load %arg11[%swap3A_405, %swap3A_406] {strides = array<i32>} : memref<16x1024xf32, #tpu.memory_space<vmem>>, vector<1x16xf32>,
        %swap3A_408 = vector.shape_cast %swap3A_407 : vector<1x16xf32> to vector<16xf32>
        %swap3A_409 = vector.shape_cast %add3A_404 : vector<16xf32> to vector<1x16xf32>
        tpu.vector_store %arg11[%swap3A_405, %swap3A_406], %swap3A_409 {strides = array<i32>} : memref<16x1024xf32, #tpu.memory_space<vmem>>, vector<1x16xf32>,
        %scan3A_410 = arith.constant 0 : i32
        %scan3A_411 = arith.constant 2 : i32
        %scan3A_412 = arith.addi %scan3A_369, %scan3A_411 : i32
        %shift_right_arithmetic3A_413 = arith.constant 6 : i32
        %shift_right_arithmetic3A_414 = arith.shrsi %scan3A_412, %shift_right_arithmetic3A_413 : i32
        %and3A_415 = arith.constant 63 : i32
        %and3A_416 = arith.andi %scan3A_412, %and3A_415 : i32
        %mul3A_417 = arith.constant 16 : i32
        %mul3A_418 = arith.muli %and3A_416, %mul3A_417 : i32
        %get3A_419 = arith.index_cast %shift_right_arithmetic3A_414 : i32 to index
        %get3A_420 = arith.index_cast %mul3A_418 : i32 to index
        %get3A_421 = tpu.vector_load %arg11[%get3A_419, %get3A_420] {strides = array<i32>} : memref<16x1024xf32, #tpu.memory_space<vmem>>, vector<1x16xf32>,
        %get3A_422 = vector.shape_cast %get3A_421 : vector<1x16xf32> to vector<16xf32>
        %get3A_423 = arith.index_cast %shift_right_arithmetic3A_414 : i32 to index
        %get3A_424 = arith.index_cast %mul3A_418 : i32 to index
        %get3A_425 = tpu.vector_load %arg8[%get3A_423, %get3A_424] {strides = array<i32>} : memref<16x1024xf32, #tpu.memory_space<vmem>>, vector<1x16xf32>,
        %get3A_426 = vector.shape_cast %get3A_425 : vector<1x16xf32> to vector<16xf32>
        %add3A_427 = arith.addf %get3A_422, %get3A_426 : vector<16xf32>
        %swap3A_428 = arith.index_cast %shift_right_arithmetic3A_414 : i32 to index
        %swap3A_429 = arith.index_cast %mul3A_418 : i32 to index
        %swap3A_430 = tpu.vector_load %arg11[%swap3A_428, %swap3A_429] {strides = array<i32>} : memref<16x1024xf32, #tpu.memory_space<vmem>>, vector<1x16xf32>,
        %swap3A_431 = vector.shape_cast %swap3A_430 : vector<1x16xf32> to vector<16xf32>
        %swap3A_432 = vector.shape_cast %add3A_427 : vector<16xf32> to vector<1x16xf32>
        tpu.vector_store %arg11[%swap3A_428, %swap3A_429], %swap3A_432 {strides = array<i32>} : memref<16x1024xf32, #tpu.memory_space<vmem>>, vector<1x16xf32>,
        %scan3A_433 = arith.constant 0 : i32
        %scan3A_434 = arith.constant 3 : i32
        %scan3A_435 = arith.addi %scan3A_369, %scan3A_434 : i32
        %shift_right_arithmetic3A_436 = arith.constant 6 : i32
        %shift_right_arithmetic3A_437 = arith.shrsi %scan3A_435, %shift_right_arithmetic3A_436 : i32
        %and3A_438 = arith.constant 63 : i32
        %and3A_439 = arith.andi %scan3A_435, %and3A_438 : i32
        %mul3A_440 = arith.constant 16 : i32
        %mul3A_441 = arith.muli %and3A_439, %mul3A_440 : i32
        %get3A_442 = arith.index_cast %shift_right_arithmetic3A_437 : i32 to index
        %get3A_443 = arith.index_cast %mul3A_441 : i32 to index
        %get3A_444 = tpu.vector_load %arg11[%get3A_442, %get3A_443] {strides = array<i32>} : memref<16x1024xf32, #tpu.memory_space<vmem>>, vector<1x16xf32>,
        %get3A_445 = vector.shape_cast %get3A_444 : vector<1x16xf32> to vector<16xf32>
        %get3A_446 = arith.index_cast %shift_right_arithmetic3A_437 : i32 to index
        %get3A_447 = arith.index_cast %mul3A_441 : i32 to index
        %get3A_448 = tpu.vector_load %arg8[%get3A_446, %get3A_447] {strides = array<i32>} : memref<16x1024xf32, #tpu.memory_space<vmem>>, vector<1x16xf32>,
        %get3A_449 = vector.shape_cast %get3A_448 : vector<1x16xf32> to vector<16xf32>
        %add3A_450 = arith.addf %get3A_445, %get3A_449 : vector<16xf32>
        %swap3A_451 = arith.index_cast %shift_right_arithmetic3A_437 : i32 to index
        %swap3A_452 = arith.index_cast %mul3A_441 : i32 to index
        %swap3A_453 = tpu.vector_load %arg11[%swap3A_451, %swap3A_452] {strides = array<i32>} : memref<16x1024xf32, #tpu.memory_space<vmem>>, vector<1x16xf32>,
        %swap3A_454 = vector.shape_cast %swap3A_453 : vector<1x16xf32> to vector<16xf32>
        %swap3A_455 = vector.shape_cast %add3A_450 : vector<16xf32> to vector<1x16xf32>
        tpu.vector_store %arg11[%swap3A_451, %swap3A_452], %swap3A_455 {strides = array<i32>} : memref<16x1024xf32, #tpu.memory_space<vmem>>, vector<1x16xf32>,
        %scan3A_456 = arith.constant 0 : i32
        %scan3A_457 = arith.constant 4 : i32
        %scan3A_458 = arith.addi %scan3A_369, %scan3A_457 : i32
        %shift_right_arithmetic3A_459 = arith.constant 6 : i32
        %shift_right_arithmetic3A_460 = arith.shrsi %scan3A_458, %shift_right_arithmetic3A_459 : i32
        %and3A_461 = arith.constant 63 : i32
        %and3A_462 = arith.andi %scan3A_458, %and3A_461 : i32
        %mul3A_463 = arith.constant 16 : i32
        %mul3A_464 = arith.muli %and3A_462, %mul3A_463 : i32
        %get3A_465 = arith.index_cast %shift_right_arithmetic3A_460 : i32 to index
        %get3A_466 = arith.index_cast %mul3A_464 : i32 to index
        %get3A_467 = tpu.vector_load %arg11[%get3A_465, %get3A_466] {strides = array<i32>} : memref<16x1024xf32, #tpu.memory_space<vmem>>, vector<1x16xf32>,
        %get3A_468 = vector.shape_cast %get3A_467 : vector<1x16xf32> to vector<16xf32>
        %get3A_469 = arith.index_cast %shift_right_arithmetic3A_460 : i32 to index
        %get3A_470 = arith.index_cast %mul3A_464 : i32 to index
        %get3A_471 = tpu.vector_load %arg8[%get3A_469, %get3A_470] {strides = array<i32>} : memref<16x1024xf32, #tpu.memory_space<vmem>>, vector<1x16xf32>,
        %get3A_472 = vector.shape_cast %get3A_471 : vector<1x16xf32> to vector<16xf32>
        %add3A_473 = arith.addf %get3A_468, %get3A_472 : vector<16xf32>
        %swap3A_474 = arith.index_cast %shift_right_arithmetic3A_460 : i32 to index
        %swap3A_475 = arith.index_cast %mul3A_464 : i32 to index
        %swap3A_476 = tpu.vector_load %arg11[%swap3A_474, %swap3A_475] {strides = array<i32>} : memref<16x1024xf32, #tpu.memory_space<vmem>>, vector<1x16xf32>,
        %swap3A_477 = vector.shape_cast %swap3A_476 : vector<1x16xf32> to vector<16xf32>
        %swap3A_478 = vector.shape_cast %add3A_473 : vector<16xf32> to vector<1x16xf32>
        tpu.vector_store %arg11[%swap3A_474, %swap3A_475], %swap3A_478 {strides = array<i32>} : memref<16x1024xf32, #tpu.memory_space<vmem>>, vector<1x16xf32>,
        %scan3A_479 = arith.constant 0 : i32
        %scan3A_480 = arith.constant 5 : i32
        %scan3A_481 = arith.addi %scan3A_369, %scan3A_480 : i32
        %shift_right_arithmetic3A_482 = arith.constant 6 : i32
        %shift_right_arithmetic3A_483 = arith.shrsi %scan3A_481, %shift_right_arithmetic3A_482 : i32
        %and3A_484 = arith.constant 63 : i32
        %and3A_485 = arith.andi %scan3A_481, %and3A_484 : i32
        %mul3A_486 = arith.constant 16 : i32
        %mul3A_487 = arith.muli %and3A_485, %mul3A_486 : i32
        %get3A_488 = arith.index_cast %shift_right_arithmetic3A_483 : i32 to index
        %get3A_489 = arith.index_cast %mul3A_487 : i32 to index
        %get3A_490 = tpu.vector_load %arg11[%get3A_488, %get3A_489] {strides = array<i32>} : memref<16x1024xf32, #tpu.memory_space<vmem>>, vector<1x16xf32>,
        %get3A_491 = vector.shape_cast %get3A_490 : vector<1x16xf32> to vector<16xf32>
        %get3A_492 = arith.index_cast %shift_right_arithmetic3A_483 : i32 to index
        %get3A_493 = arith.index_cast %mul3A_487 : i32 to index
        %get3A_494 = tpu.vector_load %arg8[%get3A_492, %get3A_493] {strides = array<i32>} : memref<16x1024xf32, #tpu.memory_space<vmem>>, vector<1x16xf32>,
        %get3A_495 = vector.shape_cast %get3A_494 : vector<1x16xf32> to vector<16xf32>
        %add3A_496 = arith.addf %get3A_491, %get3A_495 : vector<16xf32>
        %swap3A_497 = arith.index_cast %shift_right_arithmetic3A_483 : i32 to index
        %swap3A_498 = arith.index_cast %mul3A_487 : i32 to index
        %swap3A_499 = tpu.vector_load %arg11[%swap3A_497, %swap3A_498] {strides = array<i32>} : memref<16x1024xf32, #tpu.memory_space<vmem>>, vector<1x16xf32>,
        %swap3A_500 = vector.shape_cast %swap3A_499 : vector<1x16xf32> to vector<16xf32>
        %swap3A_501 = vector.shape_cast %add3A_496 : vector<16xf32> to vector<1x16xf32>
        tpu.vector_store %arg11[%swap3A_497, %swap3A_498], %swap3A_501 {strides = array<i32>} : memref<16x1024xf32, #tpu.memory_space<vmem>>, vector<1x16xf32>,
        %scan3A_502 = arith.constant 0 : i32
        %scan3A_503 = arith.constant 6 : i32
        %scan3A_504 = arith.addi %scan3A_369, %scan3A_503 : i32
        %shift_right_arithmetic3A_505 = arith.constant 6 : i32
        %shift_right_arithmetic3A_506 = arith.shrsi %scan3A_504, %shift_right_arithmetic3A_505 : i32
        %and3A_507 = arith.constant 63 : i32
        %and3A_508 = arith.andi %scan3A_504, %and3A_507 : i32
        %mul3A_509 = arith.constant 16 : i32
        %mul3A_510 = arith.muli %and3A_508, %mul3A_509 : i32
        %get3A_511 = arith.index_cast %shift_right_arithmetic3A_506 : i32 to index
        %get3A_512 = arith.index_cast %mul3A_510 : i32 to index
        %get3A_513 = tpu.vector_load %arg11[%get3A_511, %get3A_512] {strides = array<i32>} : memref<16x1024xf32, #tpu.memory_space<vmem>>, vector<1x16xf32>,
        %get3A_514 = vector.shape_cast %get3A_513 : vector<1x16xf32> to vector<16xf32>
        %get3A_515 = arith.index_cast %shift_right_arithmetic3A_506 : i32 to index
        %get3A_516 = arith.index_cast %mul3A_510 : i32 to index
        %get3A_517 = tpu.vector_load %arg8[%get3A_515, %get3A_516] {strides = array<i32>} : memref<16x1024xf32, #tpu.memory_space<vmem>>, vector<1x16xf32>,
        %get3A_518 = vector.shape_cast %get3A_517 : vector<1x16xf32> to vector<16xf32>
        %add3A_519 = arith.addf %get3A_514, %get3A_518 : vector<16xf32>
        %swap3A_520 = arith.index_cast %shift_right_arithmetic3A_506 : i32 to index
        %swap3A_521 = arith.index_cast %mul3A_510 : i32 to index
        %swap3A_522 = tpu.vector_load %arg11[%swap3A_520, %swap3A_521] {strides = array<i32>} : memref<16x1024xf32, #tpu.memory_space<vmem>>, vector<1x16xf32>,
        %swap3A_523 = vector.shape_cast %swap3A_522 : vector<1x16xf32> to vector<16xf32>
        %swap3A_524 = vector.shape_cast %add3A_519 : vector<16xf32> to vector<1x16xf32>
        tpu.vector_store %arg11[%swap3A_520, %swap3A_521], %swap3A_524 {strides = array<i32>} : memref<16x1024xf32, #tpu.memory_space<vmem>>, vector<1x16xf32>,
        %scan3A_525 = arith.constant 0 : i32
        %scan3A_526 = arith.constant 7 : i32
        %scan3A_527 = arith.addi %scan3A_369, %scan3A_526 : i32
        %shift_right_arithmetic3A_528 = arith.constant 6 : i32
        %shift_right_arithmetic3A_529 = arith.shrsi %scan3A_527, %shift_right_arithmetic3A_528 : i32
        %and3A_530 = arith.constant 63 : i32
        %and3A_531 = arith.andi %scan3A_527, %and3A_530 : i32
        %mul3A_532 = arith.constant 16 : i32
        %mul3A_533 = arith.muli %and3A_531, %mul3A_532 : i32
        %get3A_534 = arith.index_cast %shift_right_arithmetic3A_529 : i32 to index
        %get3A_535 = arith.index_cast %mul3A_533 : i32 to index
        %get3A_536 = tpu.vector_load %arg11[%get3A_534, %get3A_535] {strides = array<i32>} : memref<16x1024xf32, #tpu.memory_space<vmem>>, vector<1x16xf32>,
        %get3A_537 = vector.shape_cast %get3A_536 : vector<1x16xf32> to vector<16xf32>
        %get3A_538 = arith.index_cast %shift_right_arithmetic3A_529 : i32 to index
        %get3A_539 = arith.index_cast %mul3A_533 : i32 to index
        %get3A_540 = tpu.vector_load %arg8[%get3A_538, %get3A_539] {strides = array<i32>} : memref<16x1024xf32, #tpu.memory_space<vmem>>, vector<1x16xf32>,
        %get3A_541 = vector.shape_cast %get3A_540 : vector<1x16xf32> to vector<16xf32>
        %add3A_542 = arith.addf %get3A_537, %get3A_541 : vector<16xf32>
        %swap3A_543 = arith.index_cast %shift_right_arithmetic3A_529 : i32 to index
        %swap3A_544 = arith.index_cast %mul3A_533 : i32 to index
        %swap3A_545 = tpu.vector_load %arg11[%swap3A_543, %swap3A_544] {strides = array<i32>} : memref<16x1024xf32, #tpu.memory_space<vmem>>, vector<1x16xf32>,
        %swap3A_546 = vector.shape_cast %swap3A_545 : vector<1x16xf32> to vector<16xf32>
        %swap3A_547 = vector.shape_cast %add3A_542 : vector<16xf32> to vector<1x16xf32>
        tpu.vector_store %arg11[%swap3A_543, %swap3A_544], %swap3A_547 {strides = array<i32>} : memref<16x1024xf32, #tpu.memory_space<vmem>>, vector<1x16xf32>,
        %scan3A_548 = arith.constant 0 : i32
        scf.yield %scan3A_548 : i32
      }
      %scan3A_317 = arith.constant 1024 : i32
      %add3A_318 = arith.constant 16384 : i32
      %add3A_319 = arith.addi %add3A_318, %mul3A_2 : i32
      %mul3A_320 = arith.constant 16 : i32
      %mul3A_321 = arith.muli %add3A_211, %mul3A_320 : i32
      %add3A_322 = arith.addi %add3A_319, %mul3A_321 : i32
      %multiple_of3A_323 = tpu.assume_multiple %add3A_322, 16 : i32
      %dma_start3A_324 = arith.constant 0 : i32
      %dma_start3A_325 = tpu.memref_slice %arg5[%multiple_of3A_323, %dma_start3A_324] : memref<32768x1024xf32, #tpu.memory_space<hbm>> -> memref<16x1024xf32, #tpu.memory_space<hbm>>
      %dma_start3A_326 = arith.constant 0 : i32
      %dma_start3A_327 = tpu.memref_slice %arg5[%multiple_of3A_323, %dma_start3A_326] : memref<32768x1024xf32, #tpu.memory_space<hbm>> -> memref<16x1024xf32, #tpu.memory_space<hbm>>
      tpu.enqueue_dma source(%arg11 : memref<16x1024xf32, #tpu.memory_space<vmem>>) target(%dma_start3A_327 : memref<16x1024xf32, #tpu.memory_space<hbm>>) target_semaphore(%arg19 : memref<!tpu.dma_semaphore, #tpu.memory_space<semaphore_mem>>)
      %dma_wait3A_328 = arith.constant 0 : i32
      %dma_wait3A_329 = tpu.memref_slice %arg5[%mul3A_2, %dma_wait3A_328] : memref<32768x1024xf32, #tpu.memory_space<hbm>> -> memref<16x1024xf32, #tpu.memory_space<hbm>>
      %dma_wait3A_330 = arith.constant 0 : i32
      %dma_wait3A_331 = tpu.memref_slice %arg5[%mul3A_2, %dma_wait3A_330] : memref<32768x1024xf32, #tpu.memory_space<hbm>> -> memref<16x1024xf32, #tpu.memory_space<hbm>>
      tpu.wait_dma2 semaphore(%arg17 : memref<!tpu.dma_semaphore, #tpu.memory_space<semaphore_mem>>) src(%arg9 : memref<16x1024xf32, #tpu.memory_space<vmem>>) dst(%dma_wait3A_331 : memref<16x1024xf32, #tpu.memory_space<hbm>>)
      %lt3A_332 = arith.constant 15 : i32
      %lt3A_333 = arith.cmpi slt, %add3A_211, %lt3A_332 : i32
      %convert_element_type3A_334 = arith.extui %lt3A_333 : i1 to i32
      %cond3A_335 = arith.constant 0 : i32
      %cond3A_336 = arith.cmpi ne, %convert_element_type3A_334, %cond3A_335 : i32
      scf.if %cond3A_336 {
        %add3A_369 = arith.constant 1 : i32
        %add3A_370 = arith.addi %add3A_211, %add3A_369 : i32
        %mul3A_371 = arith.constant 16 : i32
        %mul3A_372 = arith.muli %add3A_370, %mul3A_371 : i32
        %multiple_of3A_373 = tpu.assume_multiple %mul3A_372, 16 : i32
        %dma_start3A_374 = arith.constant 0 : i32
        %dma_start3A_375 = tpu.memref_slice %arg6[%dma_start3A_374, %multiple_of3A_373] : memref<4x256xi32, #tpu.memory_space<vmem>> -> memref<1x16xi32, #tpu.memory_space<vmem>>
        %dma_start3A_376 = tpu.memref_squeeze %dma_start3A_375 : memref<1x16xi32, #tpu.memory_space<vmem>> -> memref<16xi32, #tpu.memory_space<vmem>>
        %dma_start3A_377 = arith.constant 0 : i32
        %dma_start3A_378 = arith.constant 0 : i32
        %dma_start3A_379 = tpu.memref_slice %arg4[%dma_start3A_377, %dma_start3A_378] : memref<100000x1024xf32, #tpu.memory_space<hbm>> -> memref<100000x1024xf32, #tpu.memory_space<hbm>>
        tpu.enqueue_indirect_dma source(%dma_start3A_379 : memref<100000x1024xf32, #tpu.memory_space<hbm>>) target(%arg9 : memref<16x1024xf32, #tpu.memory_space<vmem>>) offsets(%dma_start3A_376 : memref<16xi32, #tpu.memory_space<vmem>>) semaphore(%arg13 : memref<!tpu.dma_semaphore, #tpu.memory_space<semaphore_mem>>)
      } else {
      }
      %dma_wait3A_337 = arith.constant 0 : i32
      %dma_wait3A_338 = arith.constant 0 : i32
      %dma_wait3A_339 = tpu.memref_slice %arg6[%dma_wait3A_337, %dma_wait3A_338] : memref<4x256xi32, #tpu.memory_space<vmem>> -> memref<1x16xi32, #tpu.memory_space<vmem>>
      %dma_wait3A_340 = tpu.memref_squeeze %dma_wait3A_339 : memref<1x16xi32, #tpu.memory_space<vmem>> -> memref<16xi32, #tpu.memory_space<vmem>>
      %dma_wait3A_341 = arith.constant 0 : i32
      %dma_wait3A_342 = arith.constant 0 : i32
      %dma_wait3A_343 = tpu.memref_slice %arg4[%dma_wait3A_341, %dma_wait3A_342] : memref<100000x1024xf32, #tpu.memory_space<hbm>> -> memref<100000x1024xf32, #tpu.memory_space<hbm>>
      tpu.wait_indirect_dma semaphore(%arg16 : memref<!tpu.dma_semaphore, #tpu.memory_space<semaphore_mem>>) src(%dma_wait3A_343 : memref<100000x1024xf32, #tpu.memory_space<hbm>>) dst(%arg12 : memref<16x1024xf32, #tpu.memory_space<vmem>>)
      %scan3A_344 = arith.constant 0 : i32
      %scan3A_345 = arith.constant 0 : i32
      %scan3A_346 = arith.constant 1024 : i32
      %scan3A_347 = arith.addi %scan3A_345, %scan3A_346 : i32
      %scan3A_348 = arith.constant 8 : i32
      %scan3A_349 = scf.for %scan3A_369 = %scan3A_345 to %scan3A_347 step %scan3A_348 iter_args(%scan3A_370 = %scan3A_344) -> (i32)  : i32 {
        %shift_right_arithmetic3A = arith.constant 6 : i32
        %shift_right_arithmetic3A_371 = arith.shrsi %scan3A_369, %shift_right_arithmetic3A : i32
        %and3A = arith.constant 63 : i32
        %and3A_372 = arith.andi %scan3A_369, %and3A : i32
        %mul3A_373 = arith.constant 16 : i32
        %mul3A_374 = arith.muli %and3A_372, %mul3A_373 : i32
        %get3A = arith.index_cast %shift_right_arithmetic3A_371 : i32 to index
        %get3A_375 = arith.index_cast %mul3A_374 : i32 to index
        %get3A_376 = tpu.vector_load %arg12[%get3A, %get3A_375] {strides = array<i32>} : memref<16x1024xf32, #tpu.memory_space<vmem>>, vector<1x16xf32>,
        %get3A_377 = vector.shape_cast %get3A_376 : vector<1x16xf32> to vector<16xf32>
        %get3A_378 = arith.index_cast %shift_right_arithmetic3A_371 : i32 to index
        %get3A_379 = arith.index_cast %mul3A_374 : i32 to index
        %get3A_380 = tpu.vector_load %arg8[%get3A_378, %get3A_379] {strides = array<i32>} : memref<16x1024xf32, #tpu.memory_space<vmem>>, vector<1x16xf32>,
        %get3A_381 = vector.shape_cast %get3A_380 : vector<1x16xf32> to vector<16xf32>
        %add3A_382 = arith.addf %get3A_377, %get3A_381 : vector<16xf32>
        %swap3A = arith.index_cast %shift_right_arithmetic3A_371 : i32 to index
        %swap3A_383 = arith.index_cast %mul3A_374 : i32 to index
        %swap3A_384 = tpu.vector_load %arg12[%swap3A, %swap3A_383] {strides = array<i32>} : memref<16x1024xf32, #tpu.memory_space<vmem>>, vector<1x16xf32>,
        %swap3A_385 = vector.shape_cast %swap3A_384 : vector<1x16xf32> to vector<16xf32>
        %swap3A_386 = vector.shape_cast %add3A_382 : vector<16xf32> to vector<1x16xf32>
        tpu.vector_store %arg12[%swap3A, %swap3A_383], %swap3A_386 {strides = array<i32>} : memref<16x1024xf32, #tpu.memory_space<vmem>>, vector<1x16xf32>,
        %scan3A_387 = arith.constant 0 : i32
        %scan3A_388 = arith.constant 1 : i32
        %scan3A_389 = arith.addi %scan3A_369, %scan3A_388 : i32
        %shift_right_arithmetic3A_390 = arith.constant 6 : i32
        %shift_right_arithmetic3A_391 = arith.shrsi %scan3A_389, %shift_right_arithmetic3A_390 : i32
        %and3A_392 = arith.constant 63 : i32
        %and3A_393 = arith.andi %scan3A_389, %and3A_392 : i32
        %mul3A_394 = arith.constant 16 : i32
        %mul3A_395 = arith.muli %and3A_393, %mul3A_394 : i32
        %get3A_396 = arith.index_cast %shift_right_arithmetic3A_391 : i32 to index
        %get3A_397 = arith.index_cast %mul3A_395 : i32 to index
        %get3A_398 = tpu.vector_load %arg12[%get3A_396, %get3A_397] {strides = array<i32>} : memref<16x1024xf32, #tpu.memory_space<vmem>>, vector<1x16xf32>,
        %get3A_399 = vector.shape_cast %get3A_398 : vector<1x16xf32> to vector<16xf32>
        %get3A_400 = arith.index_cast %shift_right_arithmetic3A_391 : i32 to index
        %get3A_401 = arith.index_cast %mul3A_395 : i32 to index
        %get3A_402 = tpu.vector_load %arg8[%get3A_400, %get3A_401] {strides = array<i32>} : memref<16x1024xf32, #tpu.memory_space<vmem>>, vector<1x16xf32>,
        %get3A_403 = vector.shape_cast %get3A_402 : vector<1x16xf32> to vector<16xf32>
        %add3A_404 = arith.addf %get3A_399, %get3A_403 : vector<16xf32>
        %swap3A_405 = arith.index_cast %shift_right_arithmetic3A_391 : i32 to index
        %swap3A_406 = arith.index_cast %mul3A_395 : i32 to index
        %swap3A_407 = tpu.vector_load %arg12[%swap3A_405, %swap3A_406] {strides = array<i32>} : memref<16x1024xf32, #tpu.memory_space<vmem>>, vector<1x16xf32>,
        %swap3A_408 = vector.shape_cast %swap3A_407 : vector<1x16xf32> to vector<16xf32>
        %swap3A_409 = vector.shape_cast %add3A_404 : vector<16xf32> to vector<1x16xf32>
        tpu.vector_store %arg12[%swap3A_405, %swap3A_406], %swap3A_409 {strides = array<i32>} : memref<16x1024xf32, #tpu.memory_space<vmem>>, vector<1x16xf32>,
        %scan3A_410 = arith.constant 0 : i32
        %scan3A_411 = arith.constant 2 : i32
        %scan3A_412 = arith.addi %scan3A_369, %scan3A_411 : i32
        %shift_right_arithmetic3A_413 = arith.constant 6 : i32
        %shift_right_arithmetic3A_414 = arith.shrsi %scan3A_412, %shift_right_arithmetic3A_413 : i32
        %and3A_415 = arith.constant 63 : i32
        %and3A_416 = arith.andi %scan3A_412, %and3A_415 : i32
        %mul3A_417 = arith.constant 16 : i32
        %mul3A_418 = arith.muli %and3A_416, %mul3A_417 : i32
        %get3A_419 = arith.index_cast %shift_right_arithmetic3A_414 : i32 to index
        %get3A_420 = arith.index_cast %mul3A_418 : i32 to index
        %get3A_421 = tpu.vector_load %arg12[%get3A_419, %get3A_420] {strides = array<i32>} : memref<16x1024xf32, #tpu.memory_space<vmem>>, vector<1x16xf32>,
        %get3A_422 = vector.shape_cast %get3A_421 : vector<1x16xf32> to vector<16xf32>
        %get3A_423 = arith.index_cast %shift_right_arithmetic3A_414 : i32 to index
        %get3A_424 = arith.index_cast %mul3A_418 : i32 to index
        %get3A_425 = tpu.vector_load %arg8[%get3A_423, %get3A_424] {strides = array<i32>} : memref<16x1024xf32, #tpu.memory_space<vmem>>, vector<1x16xf32>,
        %get3A_426 = vector.shape_cast %get3A_425 : vector<1x16xf32> to vector<16xf32>
        %add3A_427 = arith.addf %get3A_422, %get3A_426 : vector<16xf32>
        %swap3A_428 = arith.index_cast %shift_right_arithmetic3A_414 : i32 to index
        %swap3A_429 = arith.index_cast %mul3A_418 : i32 to index
        %swap3A_430 = tpu.vector_load %arg12[%swap3A_428, %swap3A_429] {strides = array<i32>} : memref<16x1024xf32, #tpu.memory_space<vmem>>, vector<1x16xf32>,
        %swap3A_431 = vector.shape_cast %swap3A_430 : vector<1x16xf32> to vector<16xf32>
        %swap3A_432 = vector.shape_cast %add3A_427 : vector<16xf32> to vector<1x16xf32>
        tpu.vector_store %arg12[%swap3A_428, %swap3A_429], %swap3A_432 {strides = array<i32>} : memref<16x1024xf32, #tpu.memory_space<vmem>>, vector<1x16xf32>,
        %scan3A_433 = arith.constant 0 : i32
        %scan3A_434 = arith.constant 3 : i32
        %scan3A_435 = arith.addi %scan3A_369, %scan3A_434 : i32
        %shift_right_arithmetic3A_436 = arith.constant 6 : i32
        %shift_right_arithmetic3A_437 = arith.shrsi %scan3A_435, %shift_right_arithmetic3A_436 : i32
        %and3A_438 = arith.constant 63 : i32
        %and3A_439 = arith.andi %scan3A_435, %and3A_438 : i32
        %mul3A_440 = arith.constant 16 : i32
        %mul3A_441 = arith.muli %and3A_439, %mul3A_440 : i32
        %get3A_442 = arith.index_cast %shift_right_arithmetic3A_437 : i32 to index
        %get3A_443 = arith.index_cast %mul3A_441 : i32 to index
        %get3A_444 = tpu.vector_load %arg12[%get3A_442, %get3A_443] {strides = array<i32>} : memref<16x1024xf32, #tpu.memory_space<vmem>>, vector<1x16xf32>,
        %get3A_445 = vector.shape_cast %get3A_444 : vector<1x16xf32> to vector<16xf32>
        %get3A_446 = arith.index_cast %shift_right_arithmetic3A_437 : i32 to index
        %get3A_447 = arith.index_cast %mul3A_441 : i32 to index
        %get3A_448 = tpu.vector_load %arg8[%get3A_446, %get3A_447] {strides = array<i32>} : memref<16x1024xf32, #tpu.memory_space<vmem>>, vector<1x16xf32>,
        %get3A_449 = vector.shape_cast %get3A_448 : vector<1x16xf32> to vector<16xf32>
        %add3A_450 = arith.addf %get3A_445, %get3A_449 : vector<16xf32>
        %swap3A_451 = arith.index_cast %shift_right_arithmetic3A_437 : i32 to index
        %swap3A_452 = arith.index_cast %mul3A_441 : i32 to index
        %swap3A_453 = tpu.vector_load %arg12[%swap3A_451, %swap3A_452] {strides = array<i32>} : memref<16x1024xf32, #tpu.memory_space<vmem>>, vector<1x16xf32>,
        %swap3A_454 = vector.shape_cast %swap3A_453 : vector<1x16xf32> to vector<16xf32>
        %swap3A_455 = vector.shape_cast %add3A_450 : vector<16xf32> to vector<1x16xf32>
        tpu.vector_store %arg12[%swap3A_451, %swap3A_452], %swap3A_455 {strides = array<i32>} : memref<16x1024xf32, #tpu.memory_space<vmem>>, vector<1x16xf32>,
        %scan3A_456 = arith.constant 0 : i32
        %scan3A_457 = arith.constant 4 : i32
        %scan3A_458 = arith.addi %scan3A_369, %scan3A_457 : i32
        %shift_right_arithmetic3A_459 = arith.constant 6 : i32
        %shift_right_arithmetic3A_460 = arith.shrsi %scan3A_458, %shift_right_arithmetic3A_459 : i32
        %and3A_461 = arith.constant 63 : i32
        %and3A_462 = arith.andi %scan3A_458, %and3A_461 : i32
        %mul3A_463 = arith.constant 16 : i32
        %mul3A_464 = arith.muli %and3A_462, %mul3A_463 : i32
        %get3A_465 = arith.index_cast %shift_right_arithmetic3A_460 : i32 to index
        %get3A_466 = arith.index_cast %mul3A_464 : i32 to index
        %get3A_467 = tpu.vector_load %arg12[%get3A_465, %get3A_466] {strides = array<i32>} : memref<16x1024xf32, #tpu.memory_space<vmem>>, vector<1x16xf32>,
        %get3A_468 = vector.shape_cast %get3A_467 : vector<1x16xf32> to vector<16xf32>
        %get3A_469 = arith.index_cast %shift_right_arithmetic3A_460 : i32 to index
        %get3A_470 = arith.index_cast %mul3A_464 : i32 to index
        %get3A_471 = tpu.vector_load %arg8[%get3A_469, %get3A_470] {strides = array<i32>} : memref<16x1024xf32, #tpu.memory_space<vmem>>, vector<1x16xf32>,
        %get3A_472 = vector.shape_cast %get3A_471 : vector<1x16xf32> to vector<16xf32>
        %add3A_473 = arith.addf %get3A_468, %get3A_472 : vector<16xf32>
        %swap3A_474 = arith.index_cast %shift_right_arithmetic3A_460 : i32 to index
        %swap3A_475 = arith.index_cast %mul3A_464 : i32 to index
        %swap3A_476 = tpu.vector_load %arg12[%swap3A_474, %swap3A_475] {strides = array<i32>} : memref<16x1024xf32, #tpu.memory_space<vmem>>, vector<1x16xf32>,
        %swap3A_477 = vector.shape_cast %swap3A_476 : vector<1x16xf32> to vector<16xf32>
        %swap3A_478 = vector.shape_cast %add3A_473 : vector<16xf32> to vector<1x16xf32>
        tpu.vector_store %arg12[%swap3A_474, %swap3A_475], %swap3A_478 {strides = array<i32>} : memref<16x1024xf32, #tpu.memory_space<vmem>>, vector<1x16xf32>,
        %scan3A_479 = arith.constant 0 : i32
        %scan3A_480 = arith.constant 5 : i32
        %scan3A_481 = arith.addi %scan3A_369, %scan3A_480 : i32
        %shift_right_arithmetic3A_482 = arith.constant 6 : i32
        %shift_right_arithmetic3A_483 = arith.shrsi %scan3A_481, %shift_right_arithmetic3A_482 : i32
        %and3A_484 = arith.constant 63 : i32
        %and3A_485 = arith.andi %scan3A_481, %and3A_484 : i32
        %mul3A_486 = arith.constant 16 : i32
        %mul3A_487 = arith.muli %and3A_485, %mul3A_486 : i32
        %get3A_488 = arith.index_cast %shift_right_arithmetic3A_483 : i32 to index
        %get3A_489 = arith.index_cast %mul3A_487 : i32 to index
        %get3A_490 = tpu.vector_load %arg12[%get3A_488, %get3A_489] {strides = array<i32>} : memref<16x1024xf32, #tpu.memory_space<vmem>>, vector<1x16xf32>,
        %get3A_491 = vector.shape_cast %get3A_490 : vector<1x16xf32> to vector<16xf32>
        %get3A_492 = arith.index_cast %shift_right_arithmetic3A_483 : i32 to index
        %get3A_493 = arith.index_cast %mul3A_487 : i32 to index
        %get3A_494 = tpu.vector_load %arg8[%get3A_492, %get3A_493] {strides = array<i32>} : memref<16x1024xf32, #tpu.memory_space<vmem>>, vector<1x16xf32>,
        %get3A_495 = vector.shape_cast %get3A_494 : vector<1x16xf32> to vector<16xf32>
        %add3A_496 = arith.addf %get3A_491, %get3A_495 : vector<16xf32>
        %swap3A_497 = arith.index_cast %shift_right_arithmetic3A_483 : i32 to index
        %swap3A_498 = arith.index_cast %mul3A_487 : i32 to index
        %swap3A_499 = tpu.vector_load %arg12[%swap3A_497, %swap3A_498] {strides = array<i32>} : memref<16x1024xf32, #tpu.memory_space<vmem>>, vector<1x16xf32>,
        %swap3A_500 = vector.shape_cast %swap3A_499 : vector<1x16xf32> to vector<16xf32>
        %swap3A_501 = vector.shape_cast %add3A_496 : vector<16xf32> to vector<1x16xf32>
        tpu.vector_store %arg12[%swap3A_497, %swap3A_498], %swap3A_501 {strides = array<i32>} : memref<16x1024xf32, #tpu.memory_space<vmem>>, vector<1x16xf32>,
        %scan3A_502 = arith.constant 0 : i32
        %scan3A_503 = arith.constant 6 : i32
        %scan3A_504 = arith.addi %scan3A_369, %scan3A_503 : i32
        %shift_right_arithmetic3A_505 = arith.constant 6 : i32
        %shift_right_arithmetic3A_506 = arith.shrsi %scan3A_504, %shift_right_arithmetic3A_505 : i32
        %and3A_507 = arith.constant 63 : i32
        %and3A_508 = arith.andi %scan3A_504, %and3A_507 : i32
        %mul3A_509 = arith.constant 16 : i32
        %mul3A_510 = arith.muli %and3A_508, %mul3A_509 : i32
        %get3A_511 = arith.index_cast %shift_right_arithmetic3A_506 : i32 to index
        %get3A_512 = arith.index_cast %mul3A_510 : i32 to index
        %get3A_513 = tpu.vector_load %arg12[%get3A_511, %get3A_512] {strides = array<i32>} : memref<16x1024xf32, #tpu.memory_space<vmem>>, vector<1x16xf32>,
        %get3A_514 = vector.shape_cast %get3A_513 : vector<1x16xf32> to vector<16xf32>
        %get3A_515 = arith.index_cast %shift_right_arithmetic3A_506 : i32 to index
        %get3A_516 = arith.index_cast %mul3A_510 : i32 to index
        %get3A_517 = tpu.vector_load %arg8[%get3A_515, %get3A_516] {strides = array<i32>} : memref<16x1024xf32, #tpu.memory_space<vmem>>, vector<1x16xf32>,
        %get3A_518 = vector.shape_cast %get3A_517 : vector<1x16xf32> to vector<16xf32>
        %add3A_519 = arith.addf %get3A_514, %get3A_518 : vector<16xf32>
        %swap3A_520 = arith.index_cast %shift_right_arithmetic3A_506 : i32 to index
        %swap3A_521 = arith.index_cast %mul3A_510 : i32 to index
        %swap3A_522 = tpu.vector_load %arg12[%swap3A_520, %swap3A_521] {strides = array<i32>} : memref<16x1024xf32, #tpu.memory_space<vmem>>, vector<1x16xf32>,
        %swap3A_523 = vector.shape_cast %swap3A_522 : vector<1x16xf32> to vector<16xf32>
        %swap3A_524 = vector.shape_cast %add3A_519 : vector<16xf32> to vector<1x16xf32>
        tpu.vector_store %arg12[%swap3A_520, %swap3A_521], %swap3A_524 {strides = array<i32>} : memref<16x1024xf32, #tpu.memory_space<vmem>>, vector<1x16xf32>,
        %scan3A_525 = arith.constant 0 : i32
        %scan3A_526 = arith.constant 7 : i32
        %scan3A_527 = arith.addi %scan3A_369, %scan3A_526 : i32
        %shift_right_arithmetic3A_528 = arith.constant 6 : i32
        %shift_right_arithmetic3A_529 = arith.shrsi %scan3A_527, %shift_right_arithmetic3A_528 : i32
        %and3A_530 = arith.constant 63 : i32
        %and3A_531 = arith.andi %scan3A_527, %and3A_530 : i32
        %mul3A_532 = arith.constant 16 : i32
        %mul3A_533 = arith.muli %and3A_531, %mul3A_532 : i32
        %get3A_534 = arith.index_cast %shift_right_arithmetic3A_529 : i32 to index
        %get3A_535 = arith.index_cast %mul3A_533 : i32 to index
        %get3A_536 = tpu.vector_load %arg12[%get3A_534, %get3A_535] {strides = array<i32>} : memref<16x1024xf32, #tpu.memory_space<vmem>>, vector<1x16xf32>,
        %get3A_537 = vector.shape_cast %get3A_536 : vector<1x16xf32> to vector<16xf32>
        %get3A_538 = arith.index_cast %shift_right_arithmetic3A_529 : i32 to index
        %get3A_539 = arith.index_cast %mul3A_533 : i32 to index
        %get3A_540 = tpu.vector_load %arg8[%get3A_538, %get3A_539] {strides = array<i32>} : memref<16x1024xf32, #tpu.memory_space<vmem>>, vector<1x16xf32>,
        %get3A_541 = vector.shape_cast %get3A_540 : vector<1x16xf32> to vector<16xf32>
        %add3A_542 = arith.addf %get3A_537, %get3A_541 : vector<16xf32>
        %swap3A_543 = arith.index_cast %shift_right_arithmetic3A_529 : i32 to index
        %swap3A_544 = arith.index_cast %mul3A_533 : i32 to index
        %swap3A_545 = tpu.vector_load %arg12[%swap3A_543, %swap3A_544] {strides = array<i32>} : memref<16x1024xf32, #tpu.memory_space<vmem>>, vector<1x16xf32>,
        %swap3A_546 = vector.shape_cast %swap3A_545 : vector<1x16xf32> to vector<16xf32>
        %swap3A_547 = vector.shape_cast %add3A_542 : vector<16xf32> to vector<1x16xf32>
        tpu.vector_store %arg12[%swap3A_543, %swap3A_544], %swap3A_547 {strides = array<i32>} : memref<16x1024xf32, #tpu.memory_space<vmem>>, vector<1x16xf32>,
        %scan3A_548 = arith.constant 0 : i32
        scf.yield %scan3A_548 : i32
      }
      %scan3A_350 = arith.constant 1024 : i32
      %add3A_351 = arith.constant 24576 : i32
      %add3A_352 = arith.addi %add3A_351, %mul3A_2 : i32
      %mul3A_353 = arith.constant 16 : i32
      %mul3A_354 = arith.muli %add3A_211, %mul3A_353 : i32
      %add3A_355 = arith.addi %add3A_352, %mul3A_354 : i32
      %multiple_of3A_356 = tpu.assume_multiple %add3A_355, 16 : i32
      %dma_start3A_357 = arith.constant 0 : i32
      %dma_start3A_358 = tpu.memref_slice %arg5[%multiple_of3A_356, %dma_start3A_357] : memref<32768x1024xf32, #tpu.memory_space<hbm>> -> memref<16x1024xf32, #tpu.memory_space<hbm>>
      %dma_start3A_359 = arith.constant 0 : i32
      %dma_start3A_360 = tpu.memref_slice %arg5[%multiple_of3A_356, %dma_start3A_359] : memref<32768x1024xf32, #tpu.memory_space<hbm>> -> memref<16x1024xf32, #tpu.memory_space<hbm>>
      tpu.enqueue_dma source(%arg12 : memref<16x1024xf32, #tpu.memory_space<vmem>>) target(%dma_start3A_360 : memref<16x1024xf32, #tpu.memory_space<hbm>>) target_semaphore(%arg20 : memref<!tpu.dma_semaphore, #tpu.memory_space<semaphore_mem>>)
      %add3A_361 = arith.constant 2 : i32
      %add3A_362 = arith.addi %add3A_211, %add3A_361 : i32
      %lt3A_363 = arith.constant 16 : i32
      %lt3A_364 = arith.cmpi slt, %add3A_362, %lt3A_363 : i32
      %convert_element_type3A_365 = arith.extui %lt3A_364 : i1 to i32
      %cond3A_366 = arith.constant 0 : i32
      %cond3A_367 = arith.cmpi ne, %convert_element_type3A_365, %cond3A_366 : i32
      scf.if %cond3A_367 {
        %add3A_369 = arith.constant 2 : i32
        %add3A_370 = arith.addi %add3A_211, %add3A_369 : i32
        %mul3A_371 = arith.constant 16 : i32
        %mul3A_372 = arith.muli %add3A_370, %mul3A_371 : i32
        %add3A_373 = arith.addi %mul3A_2, %mul3A_372 : i32
        %multiple_of3A_374 = tpu.assume_multiple %add3A_373, 16 : i32
        %dma_start3A_375 = arith.constant 0 : i32
        %dma_start3A_376 = tpu.memref_slice %arg2[%multiple_of3A_374, %dma_start3A_375] : memref<8192x1024xf32, #tpu.memory_space<hbm>> -> memref<16x1024xf32, #tpu.memory_space<hbm>>
        %dma_start3A_377 = arith.constant 0 : i32
        %dma_start3A_378 = tpu.memref_slice %arg2[%multiple_of3A_374, %dma_start3A_377] : memref<8192x1024xf32, #tpu.memory_space<hbm>> -> memref<16x1024xf32, #tpu.memory_space<hbm>>
        tpu.enqueue_dma source(%dma_start3A_378 : memref<16x1024xf32, #tpu.memory_space<hbm>>) target(%arg8 : memref<16x1024xf32, #tpu.memory_space<vmem>>) target_semaphore(%arg22 : memref<!tpu.dma_semaphore, #tpu.memory_space<semaphore_mem>>)
      } else {
      }
      %scan3A_368 = arith.constant 0 : i32
      scf.yield %scan3A_368 : i32
    }
    %scan3A_29 = arith.constant 8 : i32
    %dma_wait3A = arith.constant 0 : i32
    %dma_wait3A_30 = tpu.memref_slice %arg5[%mul3A_2, %dma_wait3A] : memref<32768x1024xf32, #tpu.memory_space<hbm>> -> memref<16x1024xf32, #tpu.memory_space<hbm>>
    %dma_wait3A_31 = arith.constant 0 : i32
    %dma_wait3A_32 = tpu.memref_slice %arg5[%mul3A_2, %dma_wait3A_31] : memref<32768x1024xf32, #tpu.memory_space<hbm>> -> memref<16x1024xf32, #tpu.memory_space<hbm>>
    tpu.wait_dma2 semaphore(%arg18 : memref<!tpu.dma_semaphore, #tpu.memory_space<semaphore_mem>>) src(%arg10 : memref<16x1024xf32, #tpu.memory_space<vmem>>) dst(%dma_wait3A_32 : memref<16x1024xf32, #tpu.memory_space<hbm>>)
    %dma_wait3A_33 = arith.constant 0 : i32
    %dma_wait3A_34 = tpu.memref_slice %arg5[%mul3A_2, %dma_wait3A_33] : memref<32768x1024xf32, #tpu.memory_space<hbm>> -> memref<16x1024xf32, #tpu.memory_space<hbm>>
    %dma_wait3A_35 = arith.constant 0 : i32
    %dma_wait3A_36 = tpu.memref_slice %arg5[%mul3A_2, %dma_wait3A_35] : memref<32768x1024xf32, #tpu.memory_space<hbm>> -> memref<16x1024xf32, #tpu.memory_space<hbm>>
    tpu.wait_dma2 semaphore(%arg19 : memref<!tpu.dma_semaphore, #tpu.memory_space<semaphore_mem>>) src(%arg11 : memref<16x1024xf32, #tpu.memory_space<vmem>>) dst(%dma_wait3A_36 : memref<16x1024xf32, #tpu.memory_space<hbm>>)
    %dma_wait3A_37 = arith.constant 0 : i32
    %dma_wait3A_38 = tpu.memref_slice %arg5[%mul3A_2, %dma_wait3A_37] : memref<32768x1024xf32, #tpu.memory_space<hbm>> -> memref<16x1024xf32, #tpu.memory_space<hbm>>
    %dma_wait3A_39 = arith.constant 0 : i32
    %dma_wait3A_40 = tpu.memref_slice %arg5[%mul3A_2, %dma_wait3A_39] : memref<32768x1024xf32, #tpu.memory_space<hbm>> -> memref<16x1024xf32, #tpu.memory_space<hbm>>
    tpu.wait_dma2 semaphore(%arg20 : memref<!tpu.dma_semaphore, #tpu.memory_space<semaphore_mem>>) src(%arg12 : memref<16x1024xf32, #tpu.memory_space<vmem>>) dst(%dma_wait3A_40 : memref<16x1024xf32, #tpu.memory_space<hbm>>)
    return
  }
}

module attributes {stable_mosaic.version = 14 : i64} {
  func.func @_pos_body(%arg0: i32, %arg1: memref<2048x1024xf32, #tpu.memory_space<vmem>>, %arg2: memref<64x1024xf32, #tpu.memory_space<vmem>>, %arg3: memref<64x1024xf32, #tpu.memory_space<vmem>>, %arg4: memref<128x1024xf32, #tpu.memory_space<vmem>>, %arg5: memref<128x1024xf32, #tpu.memory_space<vmem>>) attributes {dimension_semantics = [#tpu.dimension_semantics<arbitrary>], iteration_bounds = array<i64: 4>, scalar_prefetch = 0 : i64, scratch_operands = 4 : i64, tpu.core_type = #tpu.core_type<tc>, window_params = [{transform_indices = @transform_0, window_bounds = array<i64: 2048, 1024>}]} {
    %eq3A = arith.constant 0 : i32
    %eq3A_0 = arith.cmpi eq, %arg0, %eq3A : i32
    %convert_element_type3A = arith.extui %eq3A_0 : i1 to i32
    %cond3A = arith.constant 0 : i32
    %cond3A_1 = arith.cmpi ne, %convert_element_type3A, %cond3A : i32
    scf.if %cond3A_1 {
      %iota3A = tpu.iota {dimensions = array<i32: 0>} : vector<64x1024xi32>
      %convert_element_type3A_25 = arith.sitofp %iota3A : vector<64x1024xi32> to vector<64x1024xf32>
      %iota3A_26 = tpu.iota {dimensions = array<i32: 1>} : vector<64x1024xi32>
      %shift_right_arithmetic3A = arith.constant 1 : i32
      %shift_right_arithmetic3A_27 = vector.broadcast %shift_right_arithmetic3A : i32 to vector<64x1024xi32>
      %shift_right_arithmetic3A_28 = arith.shrsi %iota3A_26, %shift_right_arithmetic3A_27 : vector<64x1024xi32>
      %shift_left3A = arith.constant 1 : i32
      %shift_left3A_29 = vector.broadcast %shift_left3A : i32 to vector<64x1024xi32>
      %shift_left3A_30 = arith.shli %shift_right_arithmetic3A_28, %shift_left3A_29 : vector<64x1024xi32>
      %convert_element_type3A_31 = arith.sitofp %shift_left3A_30 : vector<64x1024xi32> to vector<64x1024xf32>
      %mul3A_32 = arith.constant 0.00899447314 : f32
      %mul3A_33 = vector.broadcast %mul3A_32 : f32 to vector<64x1024xf32>
      %mul3A_34 = arith.mulf %convert_element_type3A_31, %mul3A_33 : vector<64x1024xf32>
      %exp3A = math.exp %mul3A_34 : vector<64x1024xf32>
      %div3A = arith.divf %convert_element_type3A_25, %exp3A : vector<64x1024xf32>
      %sin3A = math.sin %div3A : vector<64x1024xf32>
      %swap3A_35 = arith.constant 0 : index
      %swap3A_36 = arith.constant 0 : index
      %swap3A_37 = vector.load %arg2[%swap3A_35, %swap3A_36] : memref<64x1024xf32, #tpu.memory_space<vmem>>, vector<64x1024xf32>
      tpu.vector_store %arg2[%swap3A_35, %swap3A_36], %sin3A {strides = array<i32>} : memref<64x1024xf32, #tpu.memory_space<vmem>>, vector<64x1024xf32>,
      %cos3A = math.cos %div3A : vector<64x1024xf32>
      %swap3A_38 = arith.constant 0 : index
      %swap3A_39 = arith.constant 0 : index
      %swap3A_40 = vector.load %arg3[%swap3A_38, %swap3A_39] : memref<64x1024xf32, #tpu.memory_space<vmem>>, vector<64x1024xf32>
      tpu.vector_store %arg3[%swap3A_38, %swap3A_39], %cos3A {strides = array<i32>} : memref<64x1024xf32, #tpu.memory_space<vmem>>, vector<64x1024xf32>,
      %iota3A_41 = tpu.iota {dimensions = array<i32: 0>} : vector<128x1024xi32>
      %mul3A_42 = arith.constant 64 : i32
      %mul3A_43 = vector.broadcast %mul3A_42 : i32 to vector<128x1024xi32>
      %mul3A_44 = arith.muli %iota3A_41, %mul3A_43 : vector<128x1024xi32>
      %convert_element_type3A_45 = arith.sitofp %mul3A_44 : vector<128x1024xi32> to vector<128x1024xf32>
      %iota3A_46 = tpu.iota {dimensions = array<i32: 1>} : vector<128x1024xi32>
      %shift_right_arithmetic3A_47 = arith.constant 1 : i32
      %shift_right_arithmetic3A_48 = vector.broadcast %shift_right_arithmetic3A_47 : i32 to vector<128x1024xi32>
      %shift_right_arithmetic3A_49 = arith.shrsi %iota3A_46, %shift_right_arithmetic3A_48 : vector<128x1024xi32>
      %shift_left3A_50 = arith.constant 1 : i32
      %shift_left3A_51 = vector.broadcast %shift_left3A_50 : i32 to vector<128x1024xi32>
      %shift_left3A_52 = arith.shli %shift_right_arithmetic3A_49, %shift_left3A_51 : vector<128x1024xi32>
      %convert_element_type3A_53 = arith.sitofp %shift_left3A_52 : vector<128x1024xi32> to vector<128x1024xf32>
      %mul3A_54 = arith.constant 0.00899447314 : f32
      %mul3A_55 = vector.broadcast %mul3A_54 : f32 to vector<128x1024xf32>
      %mul3A_56 = arith.mulf %convert_element_type3A_53, %mul3A_55 : vector<128x1024xf32>
      %exp3A_57 = math.exp %mul3A_56 : vector<128x1024xf32>
      %div3A_58 = arith.divf %convert_element_type3A_45, %exp3A_57 : vector<128x1024xf32>
      %sin3A_59 = math.sin %div3A_58 : vector<128x1024xf32>
      %cos3A_60 = math.cos %div3A_58 : vector<128x1024xf32>
      %iota3A_61 = tpu.iota {dimensions = array<i32: 1>} : vector<128x1024xi32>
      %and3A = arith.constant 1 : i32
      %and3A_62 = vector.broadcast %and3A : i32 to vector<128x1024xi32>
      %and3A_63 = arith.andi %iota3A_61, %and3A_62 : vector<128x1024xi32>
      %eq3A_64 = arith.constant 0 : i32
      %eq3A_65 = vector.broadcast %eq3A_64 : i32 to vector<128x1024xi32>
      %eq3A_66 = arith.cmpi eq, %and3A_63, %eq3A_65 : vector<128x1024xi32>
      %select_n3A = arith.select %eq3A_66, %sin3A_59, %cos3A_60 : vector<128x1024xi1>, vector<128x1024xf32>
      %swap3A_67 = arith.constant 0 : index
      %swap3A_68 = arith.constant 0 : index
      %swap3A_69 = vector.load %arg4[%swap3A_67, %swap3A_68] : memref<128x1024xf32, #tpu.memory_space<vmem>>, vector<128x1024xf32>
      tpu.vector_store %arg4[%swap3A_67, %swap3A_68], %select_n3A {strides = array<i32>} : memref<128x1024xf32, #tpu.memory_space<vmem>>, vector<128x1024xf32>,
      %neg3A = arith.constant 0.000000e+00 : f32
      %neg3A_70 = vector.broadcast %neg3A : f32 to vector<128x1024xf32>
      %neg3A_71 = arith.subf %neg3A_70, %sin3A_59 : vector<128x1024xf32>
      %select_n3A_72 = arith.select %eq3A_66, %cos3A_60, %neg3A_71 : vector<128x1024xi1>, vector<128x1024xf32>
      %swap3A_73 = arith.constant 0 : index
      %swap3A_74 = arith.constant 0 : index
      %swap3A_75 = vector.load %arg5[%swap3A_73, %swap3A_74] : memref<128x1024xf32, #tpu.memory_space<vmem>>, vector<128x1024xf32>
      tpu.vector_store %arg5[%swap3A_73, %swap3A_74], %select_n3A_72 {strides = array<i32>} : memref<128x1024xf32, #tpu.memory_space<vmem>>, vector<128x1024xf32>,
    } else {
    }
    %mul3A = arith.constant 32 : i32
    %mul3A_2 = arith.muli %arg0, %mul3A : i32
    %get3A = arith.index_cast %mul3A_2 : i32 to index
    %get3A_3 = arith.constant 0 : index
    %get3A_4 = vector.load %arg4[%get3A, %get3A_3] : memref<128x1024xf32, #tpu.memory_space<vmem>>, vector<32x1024xf32>
    %broadcast_in_dim3A = vector.shape_cast %get3A_4 : vector<32x1024xf32> to vector<32x1x1024xf32>
    %get3A_5 = arith.index_cast %mul3A_2 : i32 to index
    %get3A_6 = arith.constant 0 : index
    %get3A_7 = vector.load %arg5[%get3A_5, %get3A_6] : memref<128x1024xf32, #tpu.memory_space<vmem>>, vector<32x1024xf32>
    %broadcast_in_dim3A_8 = vector.shape_cast %get3A_7 : vector<32x1024xf32> to vector<32x1x1024xf32>
    %get3A_9 = arith.constant 0 : index
    %get3A_10 = arith.constant 0 : index
    %get3A_11 = vector.load %arg2[%get3A_9, %get3A_10] : memref<64x1024xf32, #tpu.memory_space<vmem>>, vector<64x1024xf32>
    %broadcast_in_dim3A_12 = vector.shape_cast %get3A_11 : vector<64x1024xf32> to vector<1x64x1024xf32>
    %get3A_13 = arith.constant 0 : index
    %get3A_14 = arith.constant 0 : index
    %get3A_15 = vector.load %arg3[%get3A_13, %get3A_14] : memref<64x1024xf32, #tpu.memory_space<vmem>>, vector<64x1024xf32>
    %broadcast_in_dim3A_16 = vector.shape_cast %get3A_15 : vector<64x1024xf32> to vector<1x64x1024xf32>
    %mul3A_17 = vector.broadcast %broadcast_in_dim3A : vector<32x1x1024xf32> to vector<32x64x1024xf32>
    %mul3A_18 = vector.broadcast %broadcast_in_dim3A_16 : vector<1x64x1024xf32> to vector<32x64x1024xf32>
    %mul3A_19 = arith.mulf %mul3A_17, %mul3A_18 : vector<32x64x1024xf32>
    %mul3A_20 = vector.broadcast %broadcast_in_dim3A_8 : vector<32x1x1024xf32> to vector<32x64x1024xf32>
    %mul3A_21 = vector.broadcast %broadcast_in_dim3A_12 : vector<1x64x1024xf32> to vector<32x64x1024xf32>
    %mul3A_22 = arith.mulf %mul3A_20, %mul3A_21 : vector<32x64x1024xf32>
    %add3A = arith.addf %mul3A_19, %mul3A_22 : vector<32x64x1024xf32>
    %reshape3A = vector.shape_cast %add3A : vector<32x64x1024xf32> to vector<2048x1024xf32>
    %swap3A = arith.constant 0 : index
    %swap3A_23 = arith.constant 0 : index
    %swap3A_24 = vector.load %arg1[%swap3A, %swap3A_23] : memref<2048x1024xf32, #tpu.memory_space<vmem>>, vector<2048x1024xf32>
    tpu.vector_store %arg1[%swap3A, %swap3A_23], %reshape3A {strides = array<i32>} : memref<2048x1024xf32, #tpu.memory_space<vmem>>, vector<2048x1024xf32>,
    return
  }
  func.func @transform_0(%arg0: i32) -> (i32, i32) {
    %c0_i32 = arith.constant 0 : i32
    %c0_i32_0 = arith.constant 0 : i32
    return %arg0, %c0_i32 : i32, i32
  }
}

</mosaic_0001>

<sc_bundles>
// kernel: kernel.4.cloned.1.call-start
scs
__scs_entry_jumppad:
0x0: {  	(pc) =	sbr.rel $0x88, $3  }
0x1: {  	(tag) =	ssettag $0x0;
	lr =	simm.s32 $0x1  }
0x2: {  	[smem:$0x3F9F] =	sst lr;
	_ =	strace $0xD0000000  }
0x3: {  	_ = 	snop  }
0x4: {  	_ = 	snop  }
0x5: {  	_ = 	snop  }
0x6: {  	_ = 	snop  }
0x7: {  	_ = 	snop  }
__scs_overlays_trampoline_lowered:
0x8: {  	[smem:$0x3FAE] =	sst s0  }
0x9: {  	[smem:$0x3FAF] =	sst s1  }
0xa: {  	[smem:$0x3FB0] =	sst s2  }
0xb: {  	[smem:$0x3FB1] =	sst s3  }
0xc: {  	[smem:$0x3FB2] =	sst s4  }
0xd: {  	[smem:$0x3FB3] =	sst s5  }
0xe: {  	[smem:$0x3FB4] =	sst s6  }
0xf: {  	[smem:$0x3FB5] =	sst s7  }
0x10: {  	[smem:$0x3FB6] =	sst s8  }
0x11: {  	[smem:$0x3FB7] =	sst s9;
	s0 =	simm.s32 @!p0 $0x0  }
0x12: {  	s1 =	sld [smem:$0x3F9D];
	s0 =	simm.s32 @p0 $0x1  }
0x13: {  	[smem:$0x3FB8] =	sst s0;
	s0 =	simm.s32 @!p1 $0x0  }
0x14: {  	s2 =	sld [smem:$0x3F9C];
	s0 =	simm.s32 @p1 $0x1  }
0x15: {  	[smem:$0x3FB9] =	sst s0;
	s0 =	simm.s32 @!p2 $0x0  }
0x16: {  	s3 =	sld [smem:$0x3FDB];
	s0 =	simm.s32 @p2 $0x1  }
0x17: {  	s4 =	simm.s32 $0x1BF5;
	[smem:$0x3FBB] =	sst s0  }
0x18: {  	s0 =	sld [smem:$0x3F9E];
	_ =	swait.ge [sflag:s4], $0x0  }
0x19: {  	s7 =	sld [smem:$0x3F9F]  }
0x1a: {  	s8 =	sadd.s32 $0xFFFFE003, lr  }
0x1b: {  	s9 =	sadd.s32 $0xFFFFFEF7, lr;
	s5 =	simm.s32 $0xFFFFFFFF;
	p2 =	slt.u32 s8, $0xFFFFF086  }
0x1c: {  	p1 =	slt.u32 s9, $0xF7A;
	s5 =	simm.s32 @!p2 $0x0  }
0x1d: {  	s5 =	simm.s32 @p1 $0x1;
	p0 =	seq.s32 s7, s2  }
0x1e: {  	s7 =	smul.u32 @!p0 $0xF7A, s2;
	p2 =	seq.s32 @!p0 s5, $0x0  }
0x1f: {  	s9 =	smul.u32 $0xF7A, s1;
	s8 =	simm.s32 @!p0 $0x1BF5;
	p2 =	por !p2, p0  }
0x20: {  	[sflag:s8] =	ssyncset.s32 @!p0 $0xFFFFF086;
	s6 =	sadd.s32 @!p0 s3, s7;
	s7 =	simm.s32 @!p0 $0x108  }
0x21: {  	s3 =	sadd.s32 s3, s9;
	s6 =	sadd.s32 @!p0 $0x88, s6;
	s7 =	simm.s32 @p2 $0x1082  }
0x22: {  	[simem:s7], [sflag:s8] =	dma.local @!p0 [hbm:s6], $0xF7A  }
0x23: {  	s9 =	sor.u32 $0xD0000000, s2;
	s6 =	simm.s32 $0x108;
	_ =	swait.ge @!p0 [sflag:s8], $0x0  }
0x24: {  	s3 =	sadd.s32 $0x88, s3;
	s6 =	simm.s32 @!p1 $0x1082;
	[sflag:s4] =	ssyncset.s32 $0xFFFFF086  }
0x25: {  	[simem:s6], [sflag:s4] =	dma.local [hbm:s3], $0xF7A  }
0x26: {  	[smem:$0x3F9F] =	sst s1;
	(tag) =	ssettag s2;
	_ =	strace s9  }
0x27: {  	s1 =	sld [smem:$0x3FAF]  }
0x28: {  	s2 =	sld [smem:$0x3FB0]  }
0x29: {  	s4 =	sld [smem:$0x3FB2]  }
0x2a: {  	p0 =	seq.s32 s5, $0x0;
	s5 =	sld [smem:$0x3FB3]  }
0x2b: {  	s6 =	sld [smem:$0x3FB4]  }
0x2c: {  	s7 =	sld [smem:$0x3FB5]  }
0x2d: {  	s3 =	simm.s32 $0x108;
	s8 =	sld [smem:$0x3FB6]  }
0x2e: {  	s3 =	simm.s32 @!p0 $0x1082;
	s9 =	sld [smem:$0x3FB7]  }
0x2f: {  	lr =	sadd.s32 s0, s3;
	s0 =	sld [smem:$0x3FAE]  }
0x30: {  	s3 =	sld [smem:$0x3FB1]  }
0x31: {  	[smem:$0x3FBA] =	sst s10  }
0x32: {  	s10 =	sld [smem:$0x3FB8];
	_ =	sdelay $0x3  }
0x33: {  	p0 =	seq.s32 s10, $0x1;
	s10 =	sld [smem:$0x3FBA];
	_ =	sdelay $0x3  }
0x34: {  	[smem:$0x3FBA] =	sst s10  }
0x35: {  	s10 =	sld [smem:$0x3FB9];
	_ =	sdelay $0x3  }
0x36: {  	p1 =	seq.s32 s10, $0x1;
	s10 =	sld [smem:$0x3FBA];
	_ =	sdelay $0x3  }
0x37: {  	[smem:$0x3FBA] =	sst s10  }
0x38: {  	s10 =	sld [smem:$0x3FBB]  }
0x39: {  	_ = 	snop;
	(pc) =	sbr.ind lr, $3  }
0x3a: {  	_ = 	snop  }
0x3b: {  	_ = 	snop  }
0x3c: {  	p2 =	seq.s32 s10, $0x1;
	s10 =	sld [smem:$0x3FBA]  }
0x3d: {  	_ =	shalt  }
0x3e: {  	_ =	shalt  }
0x3f: {  	_ =	shalt  }
0x40: {  	_ =	shalt  }
0x41: {  	_ =	shalt  }
0x42: {  	_ =	shalt  }
0x43: {  	_ =	shalt  }
0x44: {  	_ =	shalt  }
0x45: {  	_ =	shalt  }
0x46: {  	_ =	shalt  }
0x47: {  	_ =	shalt  }
0x48: {  	_ =	shalt  }
0x49: {  	_ =	shalt  }
0x4a: {  	_ =	shalt  }
0x4b: {  	_ =	shalt  }
0x4c: {  	_ =	shalt  }
0x4d: {  	_ =	shalt  }
0x4e: {  	_ =	shalt  }
0x4f: {  	_ =	shalt  }
0x50: {  	_ =	shalt  }
0x51: {  	_ =	shalt  }
0x52: {  	_ =	shalt  }
0x53: {  	_ =	shalt  }
0x54: {  	_ =	shalt  }
0x55: {  	_ =	shalt  }
0x56: {  	_ =	shalt  }
0x57: {  	_ =	shalt  }
0x58: {  	_ =	shalt  }
0x59: {  	_ =	shalt  }
0x5a: {  	_ =	shalt  }
0x5b: {  	_ =	shalt  }
0x5c: {  	_ =	shalt  }
0x5d: {  	_ =	shalt  }
0x5e: {  	_ =	shalt  }
0x5f: {  	_ =	shalt  }
0x60: {  	_ =	shalt  }
0x61: {  	_ =	shalt  }
0x62: {  	_ =	shalt  }
0x63: {  	_ =	shalt  }
0x64: {  	_ =	shalt  }
0x65: {  	_ =	shalt  }
0x66: {  	_ =	shalt  }
0x67: {  	_ =	shalt  }
0x68: {  	_ =	shalt  }
0x69: {  	_ =	shalt  }
0x6a: {  	_ =	shalt  }
0x6b: {  	_ =	shalt  }
0x6c: {  	_ =	shalt  }
0x6d: {  	_ =	shalt  }
0x6e: {  	_ =	shalt  }
0x6f: {  	_ =	shalt  }
0x70: {  	_ =	shalt  }
0x71: {  	_ =	shalt  }
0x72: {  	_ =	shalt  }
0x73: {  	_ =	shalt  }
0x74: {  	_ =	shalt  }
0x75: {  	_ =	shalt  }
0x76: {  	_ =	shalt  }
0x77: {  	_ =	shalt  }
0x78: {  	_ =	shalt  }
0x79: {  	_ =	shalt  }
0x7a: {  	_ =	shalt  }
0x7b: {  	_ =	shalt  }
0x7c: {  	_ =	shalt  }
0x7d: {  	_ =	shalt  }
0x7e: {  	_ =	shalt  }
0x7f: {  	_ =	shalt  }
0x80: {  	_ =	shalt  }
0x81: {  	_ =	shalt  }
0x82: {  	_ =	shalt  }
0x83: {  	_ =	shalt  }
0x84: {  	_ =	shalt  }
0x85: {  	_ =	shalt  }
0x86: {  	_ =	shalt  }
0x87: {  	_ =	shalt  }
.Lfunc_end0:
.L_simem_size_0:
called_computation_lowered:
.L_overlay_start_0:
0x88: {  	s2 =	sld [smem:$0x3FD9]  }
0x89: {  	s3 =	sld [smem:$0x3FFE];
	_ =	sdelay $0x1  }
0x8a: {  	s1 =	srdreg.scid  }
0x8b: {  	s0 =	sand.u32 $0x1, s1  }
0x8c: {  	s17 =	sshll.u32 s0, $0xA;
	s2 =	sadd.s32 s3, s2  }
0x8d: {  	s2 =	sadd.s32 s2, s17  }
0x8e: {  	[smem:$0x3FC6] =	sst s2  }
0x8f: {  	_ = 	snop  }
0x90: {  	s2 =	sld [smem:$0x3FC9]  }
0x91: {  	s18 =	sld [smem:$0x3FC8]  }
0x92: {  	s4 =	sld [smem:$0x3FD0];
	(tm) =	ssettm $0x1  }
0x93: {  	s5 =	sld [smem:$0x3FFB];
	_ =	sdelay $0x3  }
0x94: {  	_ =	strace s5  }
0x95: {  	s5 =	sld [smem:$0x3FFC];
	_ =	sdelay $0x3  }
0x96: {  	_ =	strace s5  }
0x97: {  	s5 =	sld [smem:$0x3FFD];
	_ =	sdelay $0x3  }
0x98: {  	_ =	strace s5  }
0x99: {  	_ =	strace $0x8FFFFFFF  }
0x9a: {  	s19 =	sld [smem:$0x3FDB];
	_ =	sdelay $0x1  }
0x9b: {  	s6 =	simm.s32 $_scs_section_size  }
0x9c: {  	s7 =	simm.s32 $_size__tile_overlayer_lowered;
	s8 =	simm.s32 $_tile_overlayer_lowered  }
0x9d: {  	s22 =	simm.s32 $0x1BFF;
	s21 =	sshll.u32 s8, $0x1;
	s5 =	sadd.s32 s6, s19  }
0x9e: {  	s9 =	simm.s32 $0x0;
	s20 =	sshll.u32 s7, $0x1;
	s7 =	sadd.s32 s21, s5  }
0x9f: {  	[timem:s9], [sflag:s22] =	dma.local [hbm:s7], s20  }
0xa0: {  	_ =	swait.ge [sflag:s22], s20  }
0xa1: {  	s6 =	ssub.s32 $0x0, s20;
	[sflag:s22] =	ssyncset.done $0x0  }
0xa2: {  	[sflag:s22] =	ssyncadd.s32 s6;
	_ =	sdelay $0x1  }
0xa3: {  	s23 =	simm.s32 $0x1B8B  }
0xa4: {  	_ =	swait.ge [sflag:s23], $0x1  }
0xa5: {  	[sflag:s23] =	ssyncset.done $0x0  }
0xa6: {  	s25 =	simm.s32 $0x1B8E;
	s24 =	sld [smem:$0x3FFE];
	[sflag:s23] =	ssyncadd.s32 $0xFFFFFFFF  }
0xa7: {  	s26 =	simm.s32 $execute0_lowered;
	[smem:$0x3FD2] =	sst s25  }
0xa8: {  	s7 =	sshll.u32 s26, $0x1;
	_ =	strace $0x80000046;
	[dreg:$0x1] =	wrdreg $0xFFFFFFFF  }
0xa9: {  	s28 =	simm.s32 $_size_execute0_lowered;
	s5 =	sadd.s32 s5, s7;
	[dreg:$0x0] =	wrdreg $0x0  }
0xaa: {  	s7 =	sshll.u32 s28, $0x1;
	[dreg:$0x2] =	wrdreg s5  }
0xab: {  	[dreg:$0x3] =	wrdreg s7  }
0xac: {  	[dreg:$0x4] =	wrdreg $0xC0  }
0xad: {  	_ =	task [dreg:s9], $0x5FFFF  }
0xae: {  	[dreg:$0x1] =	wrdreg $0xFFFFFFFF  }
0xaf: {  	[dreg:$0x0] =	wrdreg $0x60  }
0xb0: {  	[dreg:$0x2] =	wrdreg s24  }
0xb1: {  	[dreg:$0x3] =	wrdreg s2  }
0xb2: {  	[dreg:$0x4] =	wrdreg s18  }
0xb3: {  	[dreg:$0x5] =	wrdreg s4  }
0xb4: {  	[dreg:$0x6] =	wrdreg $0x9  }
0xb5: {  	_ =	task.clear_ibuf [dreg:s9], $0x7FFFF;
	_ =	strace $0x90000046  }
0xb6: {  	s29 =	simm.s32 $0x9;
	_ =	strace $0x80000048  }
0xb7: {  	_ =	swait.ge [sflag:s29], $0x1  }
0xb8: {  	[sflag:s29] =	ssyncadd.s32 $0xFFFFFFFF  }
0xb9: {  	_ =	strace $0x90000048  }
0xba: {  	_ =	sfence  }
0xbb: {  	s30 =	sld [smem:$0x0];
	_ =	sdelay $0x2  }
0xbc: {  	s31 =	sshll.u32 s1, $0xD;
	s1 =	sshrl.u32 s1, $0x2  }
0xbd: {  	s3 =	sand.u32 $0x4000, s31;
	s1 =	sadd.s32 s1, s30  }
0xbe: {  	s0 =	sor.u32 s3, s0;
	s1 =	sshll.u32 s1, $0x11  }
0xbf: {  	s0 =	sor.u32 s1, s0  }
0xc0: {  	s0 =	sadd.s32 $0x8F2B, s0  }
0xc1: {  	[sflag:s0] =	ssyncadd.remote.s32 $0x1  }
0xc2: {  	_ =	sfence.sel $0xFFFF  }
0xc3: {  	[dreg:$0x0] =	wrdreg $0xFFFFFFFF;
	(pc) =	sbr.abs _section_cstart, $3  }
0xc4: {  	[dreg:$0x1] =	wrdreg $0xFFFFFFFF  }
0xc5: {  	_ =	task.clear_ibuf [dreg:s9], $0x2FFFF;
	_ =	strace $0x9FFFFFFF  }
0xc6: {  	(tm) =	ssettm $0x7FFFFFFF  }
0xc7: {  	_ =	shalt  }
tec
execute0_lowered:
.L_overlay_start_1:
0x0: {  	(tag) =	ssettag $0x1  }
0x1: {  	s0 =	rddreg [dreg:$0x0]  }
0x2: {  	s1 =	rddreg [dreg:$0x1]  }
0x3: {  	s2 =	rddreg [dreg:$0x2]  }
0x4: {  	s3 =	rddreg [dreg:$0x3];
	s4 =	srdreg.scid  }
0x5: {  	s5 =	stileid.u32;
	s29 =	simm.s32 $0xC400;
	s19 =	simm.s32 $0x1  }
0x6: {  	s18 =	simm.s32 $0x10400;
	s12 =	simm.s32 $0x10C00;
	s15 =	simm.s32 $0x2  }
0x7: {  	s30 =	simm.s32 $0x14400;
	s22 =	simm.s32 $0x3;
	s6 =	sand.u32 $0x1, s4  }
0x8: {  	s4 =	simm.s32 $0x0;
	s5 =	sshll.u32 s5, $0x9;
	s9 =	sadd.s32 $0x100, s2  }
0x9: {  	s10 =	sadd.s32 $0x200, s2;
	s11 =	sadd.s32 $0x300, s2;
	s7 =	sshll.u32 s6, $0x8  }
0xa: {  	[smem:$0x7FF] =	sst s4;
	s6 =	ssub.s32 $0x2, s6;
	s28 =	sor.u32 s7, s5  }
0xb: {  	_ =	strace $0x80000047;
	s8 =	sshrl.u32 s6, $0x1;
	s7 =	sshll.u32 s28, $0x7  }
0xc: {  	s6 =	ssub.s32 s6, s8;
	s23 =	sshrl.u32 s28, $0x1;
	s26 =	sor.u32 $0x2000, s28  }
0xd: {  	s0 =	sadd.s32 s7, s0;
	s1 =	sadd.s32 s1, s23;
	[dreg:$0x8] =	wrdreg s26  }
.Ltmp0:
0xe: {  	s31 =	smax.u32 s6, $0x1;
	[dreg:$0x7] =	wrdreg s1;
	(pc) =	sbr.rel .LBB2_1-.Ltmp0, $4  }
0xf: {  	s5 =	simm.s32 $0x0;
	s24 =	sadd.s32 $0x400, s0;
	[dreg:$0xa] =	wrdreg s31  }
0x10: {  	v2 =	vlaneseq.u32;
	s13 =	sor.u32 $0x4000, s28;
	s25 =	sadd.s32 $0xC00, s0;
	[dreg:$0x5] =	wrdreg s24  }
0x11: {  	vm0 =	vmmov $0xffff;
	v1 =	vshrl.u32 v2, $0x3;
	s14 =	sor.u32 $0x6000, s28;
	s0 =	sadd.s32 $0x1C00, s0;
	[dreg:$0x6] =	wrdreg s25  }
0x12: {  	v0 =	vand.u32 $0x7, v2;
	v2 =	vor.u32 $0x8, v2;
	v1 =	vmul.u32 $0x8, v1;
	s23 =	simm.s32 $0x5;
	[dreg:$0x9] =	wrdreg s0;
	s24 =	simm.s32 $0x4  }
.LBB2_20:
0x13: {  	s0 =	simm.s32 $0x6  }
0x14: {  	_ =	swait.ge [sflag:s0], $0x4000  }
0x15: {  	[sflag:s0] =	ssyncset.done $0x0  }
0x16: {  	s26 =	simm.s32 $0x7;
	[sflag:s0] =	ssyncadd.s32 $0xFFFFC000  }
0x17: {  	_ =	swait.ge [sflag:s26], $0x4000  }
0x18: {  	[sflag:s26] =	ssyncset.done $0x0  }
0x19: {  	s1 =	simm.s32 $0x8;
	[sflag:s26] =	ssyncadd.s32 $0xFFFFC000  }
0x1a: {  	_ =	swait.ge [sflag:s1], $0x4000  }
0x1b: {  	s5 =	rddreg [dreg:$0xb]  }
0x1c: {  	s31 =	rddreg [dreg:$0xa];
	s5 =	sadd.s32 $0x1, s5  }
0x1d: {  	p0 =	sne.s32 s5, s31  }
.Ltmp1:
0x1e: {  	_ = 	snop;
	(pc) =	sbr.rel @!p0 .LBB2_21-.Ltmp1, $3  }
0x1f: {  	_ =	sdelay $0x1  }
0x20: {  	[sflag:s1] =	ssyncset.done $0x0  }
0x21: {  	[sflag:s1] =	ssyncadd.s32 $0xFFFFC000  }
.LBB2_1:
0x22: {  	[dreg:$0xb] =	wrdreg s5  }
0x23: {  	s0 =	rddreg [dreg:$0x5];
	s1 =	simm.s32 $0x400  }
0x24: {  	[tilespmem:s1], [sflag:$0x9] =	stream.linear.gather [hbm4b:s0+s4], $0x4000, $0x38;
	[tilespmem:$0x18400] =	vst v63  }
0x25: {  	s25 =	rddreg [dreg:$0x6];
	s26 =	simm.s32 $0x4400  }
0x26: {  	[tilespmem:s26], [sflag:$0xA] =	stream.linear.gather [hbm4b:s25+s4], $0x4000, $0x38;
	[tilespmem:$0x18400] =	vst v63  }
0x27: {  	s5 =	rddreg [dreg:$0x7];
	s6 =	simm.s32 $0xB  }
0x28: {  	[tilespmem:s4], [sflag:$0xB] =	stream.linear.gather [hbm4b:s5+s4], $0x400, $0x38;
	[tilespmem:$0x18400] =	vst v63  }
0x29: {  	_ =	swait.ge [sflag:s6], $0x400  }
0x2a: {  	[sflag:s6] =	ssyncset.done $0x0  }
0x2b: {  	[sflag:s6] =	ssyncadd.s32 $0xFFFFFC00  }
0x2c: {  	v3 =	vld [tilespmem:$0x0];
	_ =	sdelay $0x4  }
0x2d: {  	v4 =	vshll.u32 v3, $0x3  }
0x2e: {  	v3 =	vand.u32 $0x7, v3;
	v4 =	vand.u32 $0xFFFFFFC0, v4  }
0x2f: {  	v3 =	vor.u32 v3, v4  }
0x30: {  	v4 =	vperm.xlane v3, v0;
	_ =	sdelay $0x1  }
0x31: {  	v4 =	vadd.s32 v1, v4;
	_ =	sdelay $0x3  }
0x32: {  	s7 =	simm.s32 $0x8400  }
0x33: {  	[tilespmem:s7], [sflag:$0x1] =	stream.indirect_vreg.gather [hbm4b:s2+s4], $0x80, v4, vm0, $0xb8;
	[tilespmem:$0x18400] =	vst v63  }
0x34: {  	s8 =	simm.s32 $0x8C00;
	v3 =	vperm.xlane v3, v2  }
0x35: {  	[tilespmem:s8], [sflag:$0x1] =	stream.indirect_vreg.gather [hbm4b:s9+s4], $0x80, v4, vm0, $0xb8;
	[tilespmem:$0x18400] =	vst v63  }
0x36: {  	s16 =	simm.s32 $0x9400;
	v3 =	vadd.s32 v1, v3  }
0x37: {  	[tilespmem:s16], [sflag:$0x1] =	stream.indirect_vreg.gather [hbm4b:s10+s4], $0x80, v4, vm0, $0xb8;
	[tilespmem:$0x18400] =	vst v63  }
0x38: {  	s17 =	simm.s32 $0x9C00  }
0x39: {  	[tilespmem:s17], [sflag:$0x1] =	stream.indirect_vreg.gather [hbm4b:s11+s4], $0x80, v4, vm0, $0xb8;
	[tilespmem:$0x18400] =	vst v63  }
0x3a: {  	s20 =	simm.s32 $0xA400  }
0x3b: {  	[tilespmem:s20], [sflag:$0x1] =	stream.indirect_vreg.gather [hbm4b:s2+s4], $0x80, v3, vm0, $0xb8;
	[tilespmem:$0x18400] =	vst v63  }
0x3c: {  	s21 =	simm.s32 $0xAC00  }
0x3d: {  	[tilespmem:s21], [sflag:$0x1] =	stream.indirect_vreg.gather [hbm4b:s9+s4], $0x80, v3, vm0, $0xb8;
	[tilespmem:$0x18400] =	vst v63  }
0x3e: {  	s25 =	simm.s32 $0xB400  }
0x3f: {  	[tilespmem:s25], [sflag:$0x1] =	stream.indirect_vreg.gather [hbm4b:s10+s4], $0x80, v3, vm0, $0xb8;
	[tilespmem:$0x18400] =	vst v63  }
0x40: {  	s31 =	simm.s32 $0x0;
	s26 =	simm.s32 $0xBC00  }
0x41: {  	[tilespmem:s26], [sflag:$0x1] =	stream.indirect_vreg.gather [hbm4b:s11+s4], $0x80, v3, vm0, $0xb8;
	[tilespmem:$0x18400] =	vst v63  }
.LBB2_2:
0x42: {  	p0 =	seq.s32 s31, $0x0  }
0x43: {  	s1 =	simm.s32 @!p0 $0x6  }
0x44: {  	s7 =	sshll.u32 s31, $0x5;
	s0 =	sshll.u32 s31, $0x7;
	_ =	swait.ge @!p0 [sflag:s1], $0x4000  }
0x45: {  	s6 =	sand.u32 $0x60, s7;
	s21 =	sand.u32 $0x200, s0;
	[sflag:s1] =	ssyncset.done @!p0 $0x0  }
0x46: {  	[sflag:s1] =	ssyncadd.s32 @!p0 $0xFFFFC000;
	s1 =	sor.u32 s6, s21  }
0x47: {  	v3 =	vld [tilespmem:s1+$0x80];
	_ =	sdelay $0x4  }
0x48: {  	v4 =	vshll.u32 v3, $0x3  }
0x49: {  	v3 =	vand.u32 $0x7, v3;
	v4 =	vand.u32 $0xFFFFFFC0, v4  }
0x4a: {  	v3 =	vor.u32 v3, v4  }
0x4b: {  	v4 =	vperm.xlane v3, v0;
	_ =	sdelay $0x1  }
0x4c: {  	v4 =	vadd.s32 v1, v4;
	_ =	sdelay $0x3  }
0x4d: {  	s16 =	simm.s32 $0x0  }
0x4e: {  	[tilespmem:s29], [sflag:$0x2] =	stream.indirect_vreg.gather [hbm4b:s2+s16], $0x80, v4, vm0, $0xb8;
	[tilespmem:$0x18400] =	vst v63  }
0x4f: {  	s5 =	simm.s32 $0xCC00;
	v3 =	vperm.xlane v3, v2  }
0x50: {  	[tilespmem:s5], [sflag:$0x2] =	stream.indirect_vreg.gather [hbm4b:s9+s16], $0x80, v4, vm0, $0xb8;
	[tilespmem:$0x18400] =	vst v63  }
0x51: {  	s20 =	simm.s32 $0xD400;
	v3 =	vadd.s32 v1, v3  }
0x52: {  	[tilespmem:s20], [sflag:$0x2] =	stream.indirect_vreg.gather [hbm4b:s10+s16], $0x80, v4, vm0, $0xb8;
	[tilespmem:$0x18400] =	vst v63  }
0x53: {  	s25 =	simm.s32 $0xDC00  }
0x54: {  	[tilespmem:s25], [sflag:$0x2] =	stream.indirect_vreg.gather [hbm4b:s11+s16], $0x80, v4, vm0, $0xb8;
	[tilespmem:$0x18400] =	vst v63  }
0x55: {  	s26 =	simm.s32 $0xE400  }
0x56: {  	[tilespmem:s26], [sflag:$0x2] =	stream.indirect_vreg.gather [hbm4b:s2+s16], $0x80, v3, vm0, $0xb8;
	[tilespmem:$0x18400] =	vst v63  }
0x57: {  	s6 =	simm.s32 $0xEC00  }
0x58: {  	[tilespmem:s6], [sflag:$0x2] =	stream.indirect_vreg.gather [hbm4b:s9+s16], $0x80, v3, vm0, $0xb8;
	[tilespmem:$0x18400] =	vst v63  }
0x59: {  	s8 =	simm.s32 $0xF400  }
0x5a: {  	[tilespmem:s8], [sflag:$0x2] =	stream.indirect_vreg.gather [hbm4b:s10+s16], $0x80, v3, vm0, $0xb8;
	[tilespmem:$0x18400] =	vst v63  }
0x5b: {  	s17 =	simm.s32 $0xFC00;
	s20 =	simm.s32 $0x9  }
0x5c: {  	[tilespmem:s17], [sflag:$0x2] =	stream.indirect_vreg.gather [hbm4b:s11+s16], $0x80, v3, vm0, $0xb8;
	[tilespmem:$0x18400] =	vst v63  }
0x5d: {  	_ =	swait.ge [sflag:s20], $0x4000  }
0x5e: {  	s25 =	simm.s32 $0x0;
	[sflag:s20] =	ssyncset.done $0x0  }
0x5f: {  	s6 =	sand.u32 $0x2000, s25;
	[sflag:s20] =	ssyncadd.s32 $0xFFFFC000  }
0x60: {  	s8 =	sand.u32 $0x1C00, s16;
	s17 =	simm.s32 $0x0;
	_ =	swait.ge [sflag:s19], $0x4000  }
0x61: {  	s6 =	sor.u32 s8, s6;
	s26 =	sand.u32 $0x380, s17;
	[sflag:s19] =	ssyncset.done $0x0  }
0x62: {  	s17 =	sor.u32 s26, s6;
	[sflag:s19] =	ssyncadd.s32 $0xFFFFC000  }
0x63: {  	v10 =	vld [tilespmem:s17+$0x400]  }
0x64: {  	v9 =	vld [tilespmem:s17+$0x410]  }
0x65: {  	v8 =	vld [tilespmem:s17+$0x420]  }
0x66: {  	v7 =	vld [tilespmem:s17+$0x430]  }
0x67: {  	v6 =	vld [tilespmem:s17+$0x440]  }
0x68: {  	v5 =	vld [tilespmem:s17+$0x450]  }
0x69: {  	v4 =	vld [tilespmem:s17+$0x460]  }
0x6a: {  	v3 =	vld [tilespmem:s17+$0x470]  }
0x6b: {  	v13 =	vld [tilespmem:s17+$0x8400]  }
0x6c: {  	v12 =	vld [tilespmem:s17+$0x8410]  }
0x6d: {  	s8 =	sshll.u32 s31, $0x1;
	s6 =	simm.s32 $0x0;
	v11 =	vld [tilespmem:s17+$0x8420]  }
.LBB2_3:
0x6e: {  	s6 =	sadd.s32 $0x8, s6;
	v14 =	vld [tilespmem:s17+$0x8430]  }
0x6f: {  	s16 =	sadd.s32 $0x400, s16;
	s20 =	sshll.u32 s6, $0x4;
	p1 =	slt.u32 s6, $0x3F8;
	v15 =	vld [tilespmem:s17+$0x8440]  }
0x70: {  	s25 =	sand.u32 $0x1C00, s16;
	s26 =	sshll.u32 s6, $0x1;
	s20 =	sand.u32 $0x2000, s20;
	v10 =	vadd.f32 v10, v13;
	v13 =	vld [tilespmem:s17+$0x8450]  }
0x71: {  	s20 =	sor.u32 s25, s20;
	s25 =	sand.u32 $0x380, s26;
	v9 =	vadd.f32 v9, v12;
	v12 =	vld [tilespmem:s17+$0x8460]  }
0x72: {  	s20 =	sor.u32 s25, s20;
	[tilespmem:s17+$0x8400] =	vst v10;
	v8 =	vadd.f32 v8, v11;
	v11 =	vld [tilespmem:s17+$0x8470]  }
0x73: {  	v10 =	vld [tilespmem:s20+$0x400];
	[tilespmem:s17+$0x8410] =	vst v9;
	v7 =	vadd.f32 v7, v14  }
0x74: {  	v9 =	vld [tilespmem:s20+$0x410];
	[tilespmem:s17+$0x8420] =	vst v8;
	v6 =	vadd.f32 v6, v15  }
0x75: {  	v8 =	vld [tilespmem:s20+$0x420];
	[tilespmem:s17+$0x8430] =	vst v7;
	v5 =	vadd.f32 v5, v13  }
0x76: {  	v7 =	vld [tilespmem:s20+$0x430];
	[tilespmem:s17+$0x8440] =	vst v6;
	v4 =	vadd.f32 v4, v12  }
0x77: {  	v6 =	vld [tilespmem:s20+$0x440];
	[tilespmem:s17+$0x8450] =	vst v5;
	v3 =	vadd.f32 v3, v11  }
0x78: {  	v5 =	vld [tilespmem:s20+$0x450];
	[tilespmem:s17+$0x8460] =	vst v4  }
.Ltmp2:
0x79: {  	v4 =	vld [tilespmem:s20+$0x460];
	[tilespmem:s17+$0x8470] =	vst v3;
	s17 =	smov.u32 s20;
	(pc) =	sbr.rel @p1 .LBB2_3-.Ltmp2, $4  }
0x7a: {  	v3 =	vld [tilespmem:s17+$0x470]  }
0x7b: {  	v13 =	vld [tilespmem:s17+$0x8400]  }
0x7c: {  	v12 =	vld [tilespmem:s17+$0x8410]  }
0x7d: {  	v11 =	vld [tilespmem:s17+$0x8420]  }
0x7e: {  	v14 =	vld [tilespmem:s17+$0x8430]  }
0x7f: {  	v15 =	vld [tilespmem:s17+$0x8440]  }
0x80: {  	v10 =	vadd.f32 v10, v13;
	v13 =	vld [tilespmem:s17+$0x8450]  }
0x81: {  	v9 =	vadd.f32 v9, v12;
	v12 =	vld [tilespmem:s17+$0x8460]  }
0x82: {  	[tilespmem:s17+$0x8400] =	vst v10;
	v8 =	vadd.f32 v8, v11;
	v10 =	vld [tilespmem:s17+$0x8470]  }
0x83: {  	[tilespmem:s17+$0x8410] =	vst v9;
	v7 =	vadd.f32 v7, v14  }
0x84: {  	v6 =	vadd.f32 v6, v15;
	[tilespmem:s17+$0x8420] =	vst v8  }
0x85: {  	[tilespmem:s17+$0x8430] =	vst v7;
	v5 =	vadd.f32 v5, v13  }
0x86: {  	[tilespmem:s17+$0x8440] =	vst v6;
	v4 =	vadd.f32 v4, v12  }
0x87: {  	s6 =	sadd.s32 s28, s7;
	[tilespmem:s17+$0x8450] =	vst v5;
	v3 =	vadd.f32 v3, v10  }
0x88: {  	s6 =	sshll.u32 s6, $0x7;
	[tilespmem:s17+$0x8460] =	vst v4  }
0x89: {  	s5 =	simm.s32 $0x8400;
	s6 =	sadd.s32 s3, s6;
	[tilespmem:s17+$0x8470] =	vst v3  }
0x8a: {  	[hbm4b:s6+s4] =	stream.linear.scatter [tilespmem:s5], [sflag:$0x5], $0x4000, $0x38;
	[tilespmem:$0x18400] =	vst v63  }
0x8b: {  	s6 =	simm.s32 @!p0 $0x7  }
0x8c: {  	_ =	swait.ge @!p0 [sflag:s6], $0x4000  }
0x8d: {  	[sflag:s6] =	ssyncset.done @!p0 $0x0  }
0x8e: {  	[sflag:s6] =	ssyncadd.s32 @!p0 $0xFFFFC000  }
0x8f: {  	v3 =	vld [tilespmem:s1+$0x100];
	_ =	sdelay $0x4  }
0x90: {  	v4 =	vshll.u32 v3, $0x3  }
0x91: {  	v3 =	vand.u32 $0x7, v3;
	v4 =	vand.u32 $0xFFFFFFC0, v4  }
0x92: {  	v3 =	vor.u32 v3, v4  }
0x93: {  	v4 =	vperm.xlane v3, v0;
	_ =	sdelay $0x1  }
0x94: {  	v4 =	vadd.s32 v1, v4;
	_ =	sdelay $0x3  }
0x95: {  	s6 =	simm.s32 $0x0  }
0x96: {  	[tilespmem:s18], [sflag:$0x3] =	stream.indirect_vreg.gather [hbm4b:s2+s6], $0x80, v4, vm0, $0xb8;
	[tilespmem:$0x18400] =	vst v63  }
0x97: {  	v3 =	vperm.xlane v3, v2  }
0x98: {  	[tilespmem:s12], [sflag:$0x3] =	stream.indirect_vreg.gather [hbm4b:s9+s6], $0x80, v4, vm0, $0xb8;
	[tilespmem:$0x18400] =	vst v63  }
0x99: {  	s25 =	simm.s32 $0x11400;
	v3 =	vadd.s32 v1, v3  }
0x9a: {  	[tilespmem:s25], [sflag:$0x3] =	stream.indirect_vreg.gather [hbm4b:s10+s6], $0x80, v4, vm0, $0xb8;
	[tilespmem:$0x18400] =	vst v63  }
0x9b: {  	s26 =	simm.s32 $0x11C00  }
0x9c: {  	[tilespmem:s26], [sflag:$0x3] =	stream.indirect_vreg.gather [hbm4b:s11+s6], $0x80, v4, vm0, $0xb8;
	[tilespmem:$0x18400] =	vst v63  }
0x9d: {  	s5 =	simm.s32 $0x12400  }
0x9e: {  	[tilespmem:s5], [sflag:$0x3] =	stream.indirect_vreg.gather [hbm4b:s2+s6], $0x80, v3, vm0, $0xb8;
	[tilespmem:$0x18400] =	vst v63  }
0x9f: {  	s12 =	simm.s32 $0x12C00  }
0xa0: {  	[tilespmem:s12], [sflag:$0x3] =	stream.indirect_vreg.gather [hbm4b:s9+s6], $0x80, v3, vm0, $0xb8;
	[tilespmem:$0x18400] =	vst v63  }
0xa1: {  	s16 =	simm.s32 $0x13400;
	s20 =	simm.s32 $0x0  }
0xa2: {  	[tilespmem:s16], [sflag:$0x3] =	stream.indirect_vreg.gather [hbm4b:s10+s6], $0x80, v3, vm0, $0xb8;
	[tilespmem:$0x18400] =	vst v63  }
0xa3: {  	s17 =	simm.s32 $0x13C00;
	s1 =	sand.u32 $0x2000, s20  }
0xa4: {  	[tilespmem:s17], [sflag:$0x3] =	stream.indirect_vreg.gather [hbm4b:s11+s6], $0x80, v3, vm0, $0xb8;
	[tilespmem:$0x18400] =	vst v63  }
0xa5: {  	s25 =	simm.s32 $0x0;
	s16 =	sand.u32 $0x1C00, s6;
	_ =	swait.ge [sflag:s15], $0x4000  }
0xa6: {  	s26 =	sand.u32 $0x380, s25;
	s1 =	sor.u32 s16, s1;
	[sflag:s15] =	ssyncset.done $0x0  }
0xa7: {  	s1 =	sor.u32 s26, s1;
	[sflag:s15] =	ssyncadd.s32 $0xFFFFC000  }
0xa8: {  	v10 =	vld [tilespmem:s1+$0x400]  }
0xa9: {  	v9 =	vld [tilespmem:s1+$0x410]  }
0xaa: {  	v8 =	vld [tilespmem:s1+$0x420]  }
0xab: {  	v7 =	vld [tilespmem:s1+$0x430]  }
0xac: {  	v6 =	vld [tilespmem:s1+$0x440]  }
0xad: {  	v5 =	vld [tilespmem:s1+$0x450]  }
0xae: {  	v4 =	vld [tilespmem:s1+$0x460]  }
0xaf: {  	v3 =	vld [tilespmem:s1+$0x470]  }
0xb0: {  	v13 =	vld [tilespmem:s1+$0xC400]  }
0xb1: {  	v12 =	vld [tilespmem:s1+$0xC410]  }
0xb2: {  	s16 =	simm.s32 $0x0;
	v11 =	vld [tilespmem:s1+$0xC420]  }
.LBB2_5:
0xb3: {  	s16 =	sadd.s32 $0x8, s16;
	v14 =	vld [tilespmem:s1+$0xC430]  }
0xb4: {  	s6 =	sadd.s32 $0x400, s6;
	s17 =	sshll.u32 s16, $0x4;
	p1 =	slt.u32 s16, $0x3F8;
	v15 =	vld [tilespmem:s1+$0xC440]  }
0xb5: {  	s20 =	sand.u32 $0x1C00, s6;
	s25 =	sshll.u32 s16, $0x1;
	s17 =	sand.u32 $0x2000, s17;
	v10 =	vadd.f32 v10, v13;
	v13 =	vld [tilespmem:s1+$0xC450]  }
0xb6: {  	s17 =	sor.u32 s20, s17;
	s20 =	sand.u32 $0x380, s25;
	v9 =	vadd.f32 v9, v12;
	v12 =	vld [tilespmem:s1+$0xC460]  }
0xb7: {  	s17 =	sor.u32 s20, s17;
	[tilespmem:s1+$0xC400] =	vst v10;
	v8 =	vadd.f32 v8, v11;
	v11 =	vld [tilespmem:s1+$0xC470]  }
0xb8: {  	v10 =	vld [tilespmem:s17+$0x400];
	[tilespmem:s1+$0xC410] =	vst v9;
	v7 =	vadd.f32 v7, v14  }
0xb9: {  	v9 =	vld [tilespmem:s17+$0x410];
	[tilespmem:s1+$0xC420] =	vst v8;
	v6 =	vadd.f32 v6, v15  }
0xba: {  	v8 =	vld [tilespmem:s17+$0x420];
	[tilespmem:s1+$0xC430] =	vst v7;
	v5 =	vadd.f32 v5, v13  }
0xbb: {  	v7 =	vld [tilespmem:s17+$0x430];
	[tilespmem:s1+$0xC440] =	vst v6;
	v4 =	vadd.f32 v4, v12  }
0xbc: {  	v6 =	vld [tilespmem:s17+$0x440];
	[tilespmem:s1+$0xC450] =	vst v5;
	v3 =	vadd.f32 v3, v11  }
0xbd: {  	v5 =	vld [tilespmem:s17+$0x450];
	[tilespmem:s1+$0xC460] =	vst v4  }
.Ltmp3:
0xbe: {  	v4 =	vld [tilespmem:s17+$0x460];
	[tilespmem:s1+$0xC470] =	vst v3;
	s1 =	smov.u32 s17;
	(pc) =	sbr.rel @p1 .LBB2_5-.Ltmp3, $4  }
0xbf: {  	v3 =	vld [tilespmem:s1+$0x470]  }
0xc0: {  	v13 =	vld [tilespmem:s1+$0xC400]  }
0xc1: {  	v12 =	vld [tilespmem:s1+$0xC410]  }
0xc2: {  	v11 =	vld [tilespmem:s1+$0xC420]  }
0xc3: {  	v14 =	vld [tilespmem:s1+$0xC430]  }
0xc4: {  	v15 =	vld [tilespmem:s1+$0xC440]  }
0xc5: {  	v10 =	vadd.f32 v10, v13;
	v13 =	vld [tilespmem:s1+$0xC450]  }
0xc6: {  	v9 =	vadd.f32 v9, v12;
	v12 =	vld [tilespmem:s1+$0xC460]  }
0xc7: {  	[tilespmem:s1+$0xC400] =	vst v10;
	v8 =	vadd.f32 v8, v11;
	v10 =	vld [tilespmem:s1+$0xC470]  }
0xc8: {  	[tilespmem:s1+$0xC410] =	vst v9;
	v7 =	vadd.f32 v7, v14  }
0xc9: {  	v6 =	vadd.f32 v6, v15;
	[tilespmem:s1+$0xC420] =	vst v8  }
0xca: {  	[tilespmem:s1+$0xC430] =	vst v7;
	v5 =	vadd.f32 v5, v13  }
0xcb: {  	s5 =	rddreg [dreg:$0x8];
	[tilespmem:s1+$0xC440] =	vst v6;
	v4 =	vadd.f32 v4, v12  }
0xcc: {  	s6 =	sadd.s32 s5, s7;
	[tilespmem:s1+$0xC450] =	vst v5;
	v3 =	vadd.f32 v3, v10  }
0xcd: {  	s6 =	sshll.u32 s6, $0x7;
	[tilespmem:s1+$0xC460] =	vst v4  }
0xce: {  	s17 =	sadd.s32 s3, s6;
	[tilespmem:s1+$0xC470] =	vst v3;
	s1 =	simm.s32 @!p0 $0x8  }
0xcf: {  	[hbm4b:s17+s4] =	stream.linear.scatter [tilespmem:s29], [sflag:$0x6], $0x4000, $0x38;
	[tilespmem:$0x18400] =	vst v63  }
0xd0: {  	_ =	swait.ge @!p0 [sflag:s1], $0x4000  }
0xd1: {  	s20 =	sor.u32 s7, s0;
	[sflag:s1] =	ssyncset.done @!p0 $0x0  }
0xd2: {  	s25 =	sor.u32 $0x180, s20;
	[sflag:s1] =	ssyncadd.s32 @!p0 $0xFFFFC000  }
0xd3: {  	v3 =	vld [tilespmem:s25+$0x0];
	_ =	sdelay $0x4  }
0xd4: {  	v4 =	vshll.u32 v3, $0x3  }
0xd5: {  	v3 =	vand.u32 $0x7, v3;
	v4 =	vand.u32 $0xFFFFFFC0, v4  }
0xd6: {  	v3 =	vor.u32 v3, v4  }
0xd7: {  	v4 =	vperm.xlane v3, v0;
	_ =	sdelay $0x1  }
0xd8: {  	v4 =	vadd.s32 v1, v4;
	_ =	sdelay $0x3  }
0xd9: {  	s6 =	simm.s32 $0x0  }
0xda: {  	[tilespmem:s30], [sflag:$0x4] =	stream.indirect_vreg.gather [hbm4b:s2+s6], $0x80, v4, vm0, $0xb8;
	[tilespmem:$0x18400] =	vst v63  }
0xdb: {  	s26 =	simm.s32 $0x14C00;
	v3 =	vperm.xlane v3, v2  }
0xdc: {  	[tilespmem:s26], [sflag:$0x4] =	stream.indirect_vreg.gather [hbm4b:s9+s6], $0x80, v4, vm0, $0xb8;
	[tilespmem:$0x18400] =	vst v63  }
0xdd: {  	s12 =	smov.u32 s28;
	s28 =	simm.s32 $0x15400;
	v3 =	vadd.s32 v1, v3  }
0xde: {  	[tilespmem:s28], [sflag:$0x4] =	stream.indirect_vreg.gather [hbm4b:s10+s6], $0x80, v4, vm0, $0xb8;
	[tilespmem:$0x18400] =	vst v63  }
0xdf: {  	s5 =	simm.s32 $0x15C00  }
0xe0: {  	[tilespmem:s5], [sflag:$0x4] =	stream.indirect_vreg.gather [hbm4b:s11+s6], $0x80, v4, vm0, $0xb8;
	[tilespmem:$0x18400] =	vst v63  }
0xe1: {  	s16 =	simm.s32 $0x16400  }
0xe2: {  	[tilespmem:s16], [sflag:$0x4] =	stream.indirect_vreg.gather [hbm4b:s2+s6], $0x80, v3, vm0, $0xb8;
	[tilespmem:$0x18400] =	vst v63  }
0xe3: {  	s17 =	simm.s32 $0x16C00  }
0xe4: {  	[tilespmem:s17], [sflag:$0x4] =	stream.indirect_vreg.gather [hbm4b:s9+s6], $0x80, v3, vm0, $0xb8;
	[tilespmem:$0x18400] =	vst v63  }
0xe5: {  	s20 =	simm.s32 $0x17400;
	s26 =	simm.s32 $0x0  }
0xe6: {  	[tilespmem:s20], [sflag:$0x4] =	stream.indirect_vreg.gather [hbm4b:s10+s6], $0x80, v3, vm0, $0xb8;
	[tilespmem:$0x18400] =	vst v63  }
0xe7: {  	s25 =	simm.s32 $0x17C00;
	s1 =	sand.u32 $0x2000, s26  }
0xe8: {  	[tilespmem:s25], [sflag:$0x4] =	stream.indirect_vreg.gather [hbm4b:s11+s6], $0x80, v3, vm0, $0xb8;
	[tilespmem:$0x18400] =	vst v63  }
0xe9: {  	s16 =	sand.u32 $0x1C00, s6;
	s17 =	simm.s32 $0x0;
	_ =	swait.ge [sflag:s22], $0x4000  }
0xea: {  	s1 =	sor.u32 s16, s1;
	s28 =	sand.u32 $0x380, s17;
	[sflag:s22] =	ssyncset.done $0x0  }
0xeb: {  	s1 =	sor.u32 s28, s1;
	[sflag:s22] =	ssyncadd.s32 $0xFFFFC000  }
0xec: {  	v10 =	vld [tilespmem:s1+$0x400]  }
0xed: {  	v9 =	vld [tilespmem:s1+$0x410]  }
0xee: {  	v8 =	vld [tilespmem:s1+$0x420]  }
0xef: {  	v7 =	vld [tilespmem:s1+$0x430]  }
0xf0: {  	v6 =	vld [tilespmem:s1+$0x440]  }
0xf1: {  	v5 =	vld [tilespmem:s1+$0x450]  }
0xf2: {  	v4 =	vld [tilespmem:s1+$0x460]  }
0xf3: {  	v3 =	vld [tilespmem:s1+$0x470]  }
0xf4: {  	v13 =	vld [tilespmem:s1+$0x10400]  }
0xf5: {  	v12 =	vld [tilespmem:s1+$0x10410]  }
0xf6: {  	s16 =	simm.s32 $0x0;
	v11 =	vld [tilespmem:s1+$0x10420]  }
.LBB2_7:
0xf7: {  	s16 =	sadd.s32 $0x8, s16;
	v14 =	vld [tilespmem:s1+$0x10430]  }
0xf8: {  	s6 =	sadd.s32 $0x400, s6;
	s17 =	sshll.u32 s16, $0x4;
	p0 =	slt.u32 s16, $0x3F8;
	v15 =	vld [tilespmem:s1+$0x10440]  }
0xf9: {  	s20 =	sand.u32 $0x1C00, s6;
	s25 =	sshll.u32 s16, $0x1;
	s17 =	sand.u32 $0x2000, s17;
	v10 =	vadd.f32 v10, v13;
	v13 =	vld [tilespmem:s1+$0x10450]  }
0xfa: {  	s17 =	sor.u32 s20, s17;
	s20 =	sand.u32 $0x380, s25;
	v9 =	vadd.f32 v9, v12;
	v12 =	vld [tilespmem:s1+$0x10460]  }
0xfb: {  	s17 =	sor.u32 s20, s17;
	[tilespmem:s1+$0x10400] =	vst v10;
	v8 =	vadd.f32 v8, v11;
	v11 =	vld [tilespmem:s1+$0x10470]  }
0xfc: {  	v10 =	vld [tilespmem:s17+$0x400];
	[tilespmem:s1+$0x10410] =	vst v9;
	v7 =	vadd.f32 v7, v14  }
0xfd: {  	v9 =	vld [tilespmem:s17+$0x410];
	[tilespmem:s1+$0x10420] =	vst v8;
	v6 =	vadd.f32 v6, v15  }
0xfe: {  	v8 =	vld [tilespmem:s17+$0x420];
	[tilespmem:s1+$0x10430] =	vst v7;
	v5 =	vadd.f32 v5, v13  }
0xff: {  	v7 =	vld [tilespmem:s17+$0x430];
	[tilespmem:s1+$0x10440] =	vst v6;
	v4 =	vadd.f32 v4, v12  }
0x100: {  	v6 =	vld [tilespmem:s17+$0x440];
	[tilespmem:s1+$0x10450] =	vst v5;
	v3 =	vadd.f32 v3, v11  }
0x101: {  	v5 =	vld [tilespmem:s17+$0x450];
	[tilespmem:s1+$0x10460] =	vst v4  }
.Ltmp4:
0x102: {  	v4 =	vld [tilespmem:s17+$0x460];
	[tilespmem:s1+$0x10470] =	vst v3;
	s1 =	smov.u32 s17;
	(pc) =	sbr.rel @p0 .LBB2_7-.Ltmp4, $4  }
0x103: {  	v3 =	vld [tilespmem:s1+$0x470]  }
0x104: {  	v13 =	vld [tilespmem:s1+$0x10400]  }
0x105: {  	v12 =	vld [tilespmem:s1+$0x10410]  }
0x106: {  	v11 =	vld [tilespmem:s1+$0x10420]  }
0x107: {  	v14 =	vld [tilespmem:s1+$0x10430]  }
0x108: {  	v15 =	vld [tilespmem:s1+$0x10440]  }
0x109: {  	v10 =	vadd.f32 v10, v13;
	v13 =	vld [tilespmem:s1+$0x10450]  }
0x10a: {  	v9 =	vadd.f32 v9, v12;
	v12 =	vld [tilespmem:s1+$0x10460]  }
0x10b: {  	[tilespmem:s1+$0x10400] =	vst v10;
	v8 =	vadd.f32 v8, v11;
	v10 =	vld [tilespmem:s1+$0x10470]  }
0x10c: {  	[tilespmem:s1+$0x10410] =	vst v9;
	v7 =	vadd.f32 v7, v14  }
0x10d: {  	v6 =	vadd.f32 v6, v15;
	[tilespmem:s1+$0x10420] =	vst v8  }
0x10e: {  	[tilespmem:s1+$0x10430] =	vst v7;
	v5 =	vadd.f32 v5, v13  }
0x10f: {  	[tilespmem:s1+$0x10440] =	vst v6;
	v4 =	vadd.f32 v4, v12  }
0x110: {  	s6 =	sadd.s32 s13, s7;
	[tilespmem:s1+$0x10450] =	vst v5;
	v3 =	vadd.f32 v3, v10  }
0x111: {  	s6 =	sshll.u32 s6, $0x7;
	[tilespmem:s1+$0x10460] =	vst v4  }
0x112: {  	s16 =	simm.s32 $0x0;
	s17 =	sor.u32 $0x1, s8;
	s26 =	sadd.s32 s3, s6;
	[tilespmem:s1+$0x10470] =	vst v3  }
0x113: {  	[hbm4b:s26+s16] =	stream.linear.scatter [tilespmem:s18], [sflag:$0x7], $0x4000, $0x38;
	[tilespmem:$0x18400] =	vst v63  }
0x114: {  	s1 =	sshll.u32 s17, $0x4;
	_ =	swait.ge [sflag:s23], $0x4000  }
0x115: {  	s20 =	sand.u32 $0x70, s1;
	[sflag:s23] =	ssyncset.done $0x0  }
0x116: {  	s21 =	sadd.s32 s20, s21;
	[sflag:s23] =	ssyncadd.s32 $0xFFFFC000  }
0x117: {  	v3 =	vld [tilespmem:s21+$0x0];
	_ =	sdelay $0x4  }
0x118: {  	v4 =	vshll.u32 v3, $0x3  }
0x119: {  	v3 =	vand.u32 $0x7, v3;
	v4 =	vand.u32 $0xFFFFFFC0, v4  }
0x11a: {  	v3 =	vor.u32 v3, v4  }
0x11b: {  	v4 =	vperm.xlane v3, v0;
	_ =	sdelay $0x1  }
0x11c: {  	v4 =	vadd.s32 v1, v4;
	_ =	sdelay $0x3  }
0x11d: {  	s5 =	simm.s32 $0x8400  }
0x11e: {  	[tilespmem:s5], [sflag:$0x1] =	stream.indirect_vreg.gather [hbm4b:s2+s16], $0x80, v4, vm0, $0xb8;
	[tilespmem:$0x18400] =	vst v63  }
0x11f: {  	s28 =	simm.s32 $0x8C00;
	v3 =	vperm.xlane v3, v2  }
0x120: {  	[tilespmem:s28], [sflag:$0x1] =	stream.indirect_vreg.gather [hbm4b:s9+s16], $0x80, v4, vm0, $0xb8;
	[tilespmem:$0x18400] =	vst v63  }
0x121: {  	s6 =	simm.s32 $0x9400;
	v3 =	vadd.s32 v1, v3  }
0x122: {  	[tilespmem:s6], [sflag:$0x1] =	stream.indirect_vreg.gather [hbm4b:s10+s16], $0x80, v4, vm0, $0xb8;
	[tilespmem:$0x18400] =	vst v63  }
0x123: {  	s25 =	simm.s32 $0x9C00  }
0x124: {  	[tilespmem:s25], [sflag:$0x1] =	stream.indirect_vreg.gather [hbm4b:s11+s16], $0x80, v4, vm0, $0xb8;
	[tilespmem:$0x18400] =	vst v63  }
0x125: {  	s26 =	simm.s32 $0xA400  }
0x126: {  	[tilespmem:s26], [sflag:$0x1] =	stream.indirect_vreg.gather [hbm4b:s2+s16], $0x80, v3, vm0, $0xb8;
	[tilespmem:$0x18400] =	vst v63  }
0x127: {  	s28 =	simm.s32 $0xAC00  }
0x128: {  	[tilespmem:s28], [sflag:$0x1] =	stream.indirect_vreg.gather [hbm4b:s9+s16], $0x80, v3, vm0, $0xb8;
	[tilespmem:$0x18400] =	vst v63  }
0x129: {  	s6 =	simm.s32 $0xB400;
	s26 =	simm.s32 $0x0  }
0x12a: {  	[tilespmem:s6], [sflag:$0x1] =	stream.indirect_vreg.gather [hbm4b:s10+s16], $0x80, v3, vm0, $0xb8;
	[tilespmem:$0x18400] =	vst v63  }
0x12b: {  	s25 =	simm.s32 $0xBC00;
	s6 =	sand.u32 $0x2000, s26  }
0x12c: {  	[tilespmem:s25], [sflag:$0x1] =	stream.indirect_vreg.gather [hbm4b:s11+s16], $0x80, v3, vm0, $0xb8;
	[tilespmem:$0x18400] =	vst v63  }
0x12d: {  	s26 =	simm.s32 $0x0;
	s25 =	sand.u32 $0x1C00, s16;
	_ =	swait.ge [sflag:s24], $0x4000  }
0x12e: {  	s28 =	sand.u32 $0x380, s26;
	s6 =	sor.u32 s25, s6;
	[sflag:s24] =	ssyncset.done $0x0  }
0x12f: {  	s6 =	sor.u32 s28, s6;
	[sflag:s24] =	ssyncadd.s32 $0xFFFFC000  }
0x130: {  	v10 =	vld [tilespmem:s6+$0x400]  }
0x131: {  	v9 =	vld [tilespmem:s6+$0x410]  }
0x132: {  	v8 =	vld [tilespmem:s6+$0x420]  }
0x133: {  	v7 =	vld [tilespmem:s6+$0x430]  }
0x134: {  	v6 =	vld [tilespmem:s6+$0x440]  }
0x135: {  	v5 =	vld [tilespmem:s6+$0x450]  }
0x136: {  	v4 =	vld [tilespmem:s6+$0x460]  }
0x137: {  	v3 =	vld [tilespmem:s6+$0x470]  }
0x138: {  	v13 =	vld [tilespmem:s6+$0x14400]  }
0x139: {  	v12 =	vld [tilespmem:s6+$0x14410]  }
0x13a: {  	s25 =	simm.s32 $0x0;
	v11 =	vld [tilespmem:s6+$0x14420]  }
.LBB2_9:
0x13b: {  	s25 =	sadd.s32 $0x8, s25;
	v14 =	vld [tilespmem:s6+$0x14430]  }
0x13c: {  	s16 =	sadd.s32 $0x400, s16;
	s26 =	sshll.u32 s25, $0x4;
	p0 =	slt.u32 s25, $0x3F8;
	v15 =	vld [tilespmem:s6+$0x14440]  }
0x13d: {  	s28 =	sand.u32 $0x1C00, s16;
	s5 =	sshll.u32 s25, $0x1;
	s26 =	sand.u32 $0x2000, s26;
	v10 =	vadd.f32 v10, v13;
	v13 =	vld [tilespmem:s6+$0x14450]  }
0x13e: {  	s5 =	sand.u32 $0x380, s5;
	s26 =	sor.u32 s28, s26;
	v9 =	vadd.f32 v9, v12;
	v12 =	vld [tilespmem:s6+$0x14460]  }
0x13f: {  	s5 =	sor.u32 s5, s26;
	[tilespmem:s6+$0x14400] =	vst v10;
	v8 =	vadd.f32 v8, v11;
	v11 =	vld [tilespmem:s6+$0x14470]  }
0x140: {  	v10 =	vld [tilespmem:s5+$0x400];
	[tilespmem:s6+$0x14410] =	vst v9;
	v7 =	vadd.f32 v7, v14  }
0x141: {  	v9 =	vld [tilespmem:s5+$0x410];
	[tilespmem:s6+$0x14420] =	vst v8;
	v6 =	vadd.f32 v6, v15  }
0x142: {  	v8 =	vld [tilespmem:s5+$0x420];
	[tilespmem:s6+$0x14430] =	vst v7;
	v5 =	vadd.f32 v5, v13  }
0x143: {  	v7 =	vld [tilespmem:s5+$0x430];
	[tilespmem:s6+$0x14440] =	vst v6;
	v4 =	vadd.f32 v4, v12  }
0x144: {  	v6 =	vld [tilespmem:s5+$0x440];
	[tilespmem:s6+$0x14450] =	vst v5;
	v3 =	vadd.f32 v3, v11  }
0x145: {  	v5 =	vld [tilespmem:s5+$0x450];
	[tilespmem:s6+$0x14460] =	vst v4  }
.Ltmp5:
0x146: {  	v4 =	vld [tilespmem:s5+$0x460];
	[tilespmem:s6+$0x14470] =	vst v3;
	s6 =	smov.u32 s5;
	(pc) =	sbr.rel @p0 .LBB2_9-.Ltmp5, $4  }
0x147: {  	v3 =	vld [tilespmem:s6+$0x470]  }
0x148: {  	v13 =	vld [tilespmem:s6+$0x14400]  }
0x149: {  	v12 =	vld [tilespmem:s6+$0x14410]  }
0x14a: {  	v11 =	vld [tilespmem:s6+$0x14420]  }
0x14b: {  	v14 =	vld [tilespmem:s6+$0x14430]  }
0x14c: {  	v15 =	vld [tilespmem:s6+$0x14440]  }
0x14d: {  	v10 =	vadd.f32 v10, v13;
	v13 =	vld [tilespmem:s6+$0x14450]  }
0x14e: {  	v9 =	vadd.f32 v9, v12;
	v12 =	vld [tilespmem:s6+$0x14460]  }
0x14f: {  	[tilespmem:s6+$0x14400] =	vst v10;
	v8 =	vadd.f32 v8, v11;
	v10 =	vld [tilespmem:s6+$0x14470]  }
0x150: {  	[tilespmem:s6+$0x14410] =	vst v9;
	v7 =	vadd.f32 v7, v14  }
0x151: {  	v6 =	vadd.f32 v6, v15;
	[tilespmem:s6+$0x14420] =	vst v8  }
0x152: {  	[tilespmem:s6+$0x14430] =	vst v7;
	v5 =	vadd.f32 v5, v13  }
0x153: {  	[tilespmem:s6+$0x14440] =	vst v6;
	v4 =	vadd.f32 v4, v12  }
0x154: {  	s5 =	sadd.s32 s14, s7;
	[tilespmem:s6+$0x14450] =	vst v5;
	v3 =	vadd.f32 v3, v10  }
0x155: {  	s5 =	sshll.u32 s5, $0x7;
	[tilespmem:s6+$0x14460] =	vst v4  }
0x156: {  	s7 =	sadd.s32 $0x2, s8;
	p0 =	seq.s32 s31, $0x7;
	s5 =	sadd.s32 s3, s5;
	[tilespmem:s6+$0x14470] =	vst v3  }
0x157: {  	[hbm4b:s5+s4] =	stream.linear.scatter [tilespmem:s30], [sflag:$0x8], $0x4000, $0x38;
	[tilespmem:$0x18400] =	vst v63  }
0x158: {  	s26 =	simm.s32 $0x6;
	s6 =	rddreg [dreg:$0x5];
	s5 =	sshll.u32 @!p0 s7, $0xB  }
0x159: {  	s8 =	simm.s32 @!p0 $0x400;
	s5 =	sadd.s32 @!p0 s5, s6;
	s6 =	simm.s32 @!p0 $0x0  }
0x15a: {  	[tilespmem:s8], [sflag:$0x9] =	stream.linear.gather @!p0 [hbm4b:s5+s6], $0x4000, $0x38;
	[tilespmem:$0x18400] =	vst v63  }
0x15b: {  	_ =	swait.ge [sflag:s26], $0x4000  }
0x15c: {  	[sflag:s26] =	ssyncset.done $0x0  }
0x15d: {  	[sflag:s26] =	ssyncadd.s32 $0xFFFFC000  }
0x15e: {  	v3 =	vld [tilespmem:s21+$0x80];
	_ =	sdelay $0x4  }
0x15f: {  	v4 =	vshll.u32 v3, $0x3  }
0x160: {  	v3 =	vand.u32 $0x7, v3;
	v4 =	vand.u32 $0xFFFFFFC0, v4  }
0x161: {  	v3 =	vor.u32 v3, v4  }
0x162: {  	v4 =	vperm.xlane v3, v0;
	_ =	sdelay $0x1  }
0x163: {  	v4 =	vadd.s32 v1, v4;
	_ =	sdelay $0x3  }
0x164: {  	s8 =	simm.s32 $0x0  }
0x165: {  	[tilespmem:s29], [sflag:$0x2] =	stream.indirect_vreg.gather [hbm4b:s2+s8], $0x80, v4, vm0, $0xb8;
	[tilespmem:$0x18400] =	vst v63  }
0x166: {  	s28 =	simm.s32 $0xCC00;
	v3 =	vperm.xlane v3, v2  }
0x167: {  	[tilespmem:s28], [sflag:$0x2] =	stream.indirect_vreg.gather [hbm4b:s9+s8], $0x80, v4, vm0, $0xb8;
	[tilespmem:$0x18400] =	vst v63  }
0x168: {  	s6 =	simm.s32 $0xD400;
	v3 =	vadd.s32 v1, v3  }
0x169: {  	[tilespmem:s6], [sflag:$0x2] =	stream.indirect_vreg.gather [hbm4b:s10+s8], $0x80, v4, vm0, $0xb8;
	[tilespmem:$0x18400] =	vst v63  }
0x16a: {  	s16 =	simm.s32 $0xDC00  }
0x16b: {  	[tilespmem:s16], [sflag:$0x2] =	stream.indirect_vreg.gather [hbm4b:s11+s8], $0x80, v4, vm0, $0xb8;
	[tilespmem:$0x18400] =	vst v63  }
0x16c: {  	s25 =	simm.s32 $0xE400  }
0x16d: {  	[tilespmem:s25], [sflag:$0x2] =	stream.indirect_vreg.gather [hbm4b:s2+s8], $0x80, v3, vm0, $0xb8;
	[tilespmem:$0x18400] =	vst v63  }
0x16e: {  	s26 =	simm.s32 $0xEC00  }
0x16f: {  	[tilespmem:s26], [sflag:$0x2] =	stream.indirect_vreg.gather [hbm4b:s9+s8], $0x80, v3, vm0, $0xb8;
	[tilespmem:$0x18400] =	vst v63  }
0x170: {  	s28 =	simm.s32 $0xF400  }
0x171: {  	[tilespmem:s28], [sflag:$0x2] =	stream.indirect_vreg.gather [hbm4b:s10+s8], $0x80, v3, vm0, $0xb8;
	[tilespmem:$0x18400] =	vst v63  }
0x172: {  	s6 =	simm.s32 $0xFC00;
	s16 =	simm.s32 $0xA  }
0x173: {  	[tilespmem:s6], [sflag:$0x2] =	stream.indirect_vreg.gather [hbm4b:s11+s8], $0x80, v3, vm0, $0xb8;
	[tilespmem:$0x18400] =	vst v63  }
0x174: {  	_ =	swait.ge [sflag:s16], $0x4000  }
0x175: {  	s25 =	simm.s32 $0x0;
	[sflag:s16] =	ssyncset.done $0x0  }
0x176: {  	s5 =	sand.u32 $0x2000, s25;
	[sflag:s16] =	ssyncadd.s32 $0xFFFFC000  }
0x177: {  	s26 =	sand.u32 $0x1C00, s8;
	s16 =	simm.s32 $0x0;
	_ =	swait.ge [sflag:s19], $0x4000  }
0x178: {  	s5 =	sor.u32 s26, s5;
	s28 =	sand.u32 $0x380, s16;
	[sflag:s19] =	ssyncset.done $0x0  }
0x179: {  	s6 =	sor.u32 s28, s5;
	[sflag:s19] =	ssyncadd.s32 $0xFFFFC000  }
0x17a: {  	v10 =	vld [tilespmem:s6+$0x4400]  }
0x17b: {  	v9 =	vld [tilespmem:s6+$0x4410]  }
0x17c: {  	v8 =	vld [tilespmem:s6+$0x4420]  }
0x17d: {  	v7 =	vld [tilespmem:s6+$0x4430]  }
0x17e: {  	v6 =	vld [tilespmem:s6+$0x4440]  }
0x17f: {  	v5 =	vld [tilespmem:s6+$0x4450]  }
0x180: {  	v4 =	vld [tilespmem:s6+$0x4460]  }
0x181: {  	v3 =	vld [tilespmem:s6+$0x4470]  }
0x182: {  	v13 =	vld [tilespmem:s6+$0x8400]  }
0x183: {  	v12 =	vld [tilespmem:s6+$0x8410]  }
0x184: {  	s16 =	simm.s32 $0x0;
	v11 =	vld [tilespmem:s6+$0x8420]  }
.LBB2_11:
0x185: {  	s16 =	sadd.s32 $0x8, s16;
	v14 =	vld [tilespmem:s6+$0x8430]  }
0x186: {  	s8 =	sadd.s32 $0x400, s8;
	s5 =	sshll.u32 s16, $0x4;
	p1 =	slt.u32 s16, $0x3F8;
	v15 =	vld [tilespmem:s6+$0x8440]  }
0x187: {  	s25 =	sand.u32 $0x1C00, s8;
	s26 =	sshll.u32 s16, $0x1;
	s5 =	sand.u32 $0x2000, s5;
	v10 =	vadd.f32 v10, v13;
	v13 =	vld [tilespmem:s6+$0x8450]  }
0x188: {  	s5 =	sor.u32 s25, s5;
	s25 =	sand.u32 $0x380, s26;
	v9 =	vadd.f32 v9, v12;
	v12 =	vld [tilespmem:s6+$0x8460]  }
0x189: {  	s5 =	sor.u32 s25, s5;
	[tilespmem:s6+$0x8400] =	vst v10;
	v8 =	vadd.f32 v8, v11;
	v11 =	vld [tilespmem:s6+$0x8470]  }
0x18a: {  	v10 =	vld [tilespmem:s5+$0x4400];
	[tilespmem:s6+$0x8410] =	vst v9;
	v7 =	vadd.f32 v7, v14  }
0x18b: {  	v9 =	vld [tilespmem:s5+$0x4410];
	[tilespmem:s6+$0x8420] =	vst v8;
	v6 =	vadd.f32 v6, v15  }
0x18c: {  	v8 =	vld [tilespmem:s5+$0x4420];
	[tilespmem:s6+$0x8430] =	vst v7;
	v5 =	vadd.f32 v5, v13  }
0x18d: {  	v7 =	vld [tilespmem:s5+$0x4430];
	[tilespmem:s6+$0x8440] =	vst v6;
	v4 =	vadd.f32 v4, v12  }
0x18e: {  	v6 =	vld [tilespmem:s5+$0x4440];
	[tilespmem:s6+$0x8450] =	vst v5;
	v3 =	vadd.f32 v3, v11  }
0x18f: {  	v5 =	vld [tilespmem:s5+$0x4450];
	[tilespmem:s6+$0x8460] =	vst v4  }
.Ltmp6:
0x190: {  	v4 =	vld [tilespmem:s5+$0x4460];
	[tilespmem:s6+$0x8470] =	vst v3;
	s6 =	smov.u32 s5;
	(pc) =	sbr.rel @p1 .LBB2_11-.Ltmp6, $4  }
0x191: {  	v3 =	vld [tilespmem:s6+$0x4470]  }
0x192: {  	v13 =	vld [tilespmem:s6+$0x8400]  }
0x193: {  	v12 =	vld [tilespmem:s6+$0x8410]  }
0x194: {  	v11 =	vld [tilespmem:s6+$0x8420]  }
0x195: {  	v14 =	vld [tilespmem:s6+$0x8430]  }
0x196: {  	v15 =	vld [tilespmem:s6+$0x8440]  }
0x197: {  	v10 =	vadd.f32 v10, v13;
	v13 =	vld [tilespmem:s6+$0x8450]  }
0x198: {  	v9 =	vadd.f32 v9, v12;
	v12 =	vld [tilespmem:s6+$0x8460]  }
0x199: {  	[tilespmem:s6+$0x8400] =	vst v10;
	v8 =	vadd.f32 v8, v11;
	v10 =	vld [tilespmem:s6+$0x8470]  }
0x19a: {  	[tilespmem:s6+$0x8410] =	vst v9;
	v7 =	vadd.f32 v7, v14  }
0x19b: {  	v6 =	vadd.f32 v6, v15;
	[tilespmem:s6+$0x8420] =	vst v8  }
0x19c: {  	[tilespmem:s6+$0x8430] =	vst v7;
	v5 =	vadd.f32 v5, v13  }
0x19d: {  	[tilespmem:s6+$0x8440] =	vst v6;
	v4 =	vadd.f32 v4, v12  }
0x19e: {  	s5 =	sadd.s32 s12, s1;
	[tilespmem:s6+$0x8450] =	vst v5;
	v3 =	vadd.f32 v3, v10  }
0x19f: {  	s28 =	smov.u32 s12;
	s8 =	simm.s32 $0x0;
	s5 =	sshll.u32 s5, $0x7;
	[tilespmem:s6+$0x8460] =	vst v4  }
0x1a0: {  	s26 =	simm.s32 $0x8400;
	s12 =	simm.s32 $0x7;
	s5 =	sadd.s32 s3, s5;
	[tilespmem:s6+$0x8470] =	vst v3  }
0x1a1: {  	[hbm4b:s5+s8] =	stream.linear.scatter [tilespmem:s26], [sflag:$0x5], $0x4000, $0x38;
	[tilespmem:$0x18400] =	vst v63  }
0x1a2: {  	_ =	swait.ge [sflag:s12], $0x4000  }
0x1a3: {  	[sflag:s12] =	ssyncset.done $0x0  }
0x1a4: {  	[sflag:s12] =	ssyncadd.s32 $0xFFFFC000  }
0x1a5: {  	v3 =	vld [tilespmem:s21+$0x100];
	_ =	sdelay $0x4  }
0x1a6: {  	v4 =	vshll.u32 v3, $0x3  }
0x1a7: {  	v3 =	vand.u32 $0x7, v3;
	v4 =	vand.u32 $0xFFFFFFC0, v4  }
0x1a8: {  	v3 =	vor.u32 v3, v4  }
0x1a9: {  	v4 =	vperm.xlane v3, v0;
	_ =	sdelay $0x1  }
0x1aa: {  	v4 =	vadd.s32 v1, v4;
	_ =	sdelay $0x4  }
0x1ab: {  	[tilespmem:s18], [sflag:$0x3] =	stream.indirect_vreg.gather [hbm4b:s2+s8], $0x80, v4, vm0, $0xb8;
	[tilespmem:$0x18400] =	vst v63  }
0x1ac: {  	s12 =	simm.s32 $0x10C00;
	v3 =	vperm.xlane v3, v2  }
0x1ad: {  	[tilespmem:s12], [sflag:$0x3] =	stream.indirect_vreg.gather [hbm4b:s9+s8], $0x80, v4, vm0, $0xb8;
	[tilespmem:$0x18400] =	vst v63  }
0x1ae: {  	s16 =	simm.s32 $0x11400;
	v3 =	vadd.s32 v1, v3  }
0x1af: {  	[tilespmem:s16], [sflag:$0x3] =	stream.indirect_vreg.gather [hbm4b:s10+s8], $0x80, v4, vm0, $0xb8;
	[tilespmem:$0x18400] =	vst v63  }
0x1b0: {  	s21 =	simm.s32 $0x11C00  }
0x1b1: {  	[tilespmem:s21], [sflag:$0x3] =	stream.indirect_vreg.gather [hbm4b:s11+s8], $0x80, v4, vm0, $0xb8;
	[tilespmem:$0x18400] =	vst v63  }
0x1b2: {  	s25 =	simm.s32 $0x12400  }
0x1b3: {  	[tilespmem:s25], [sflag:$0x3] =	stream.indirect_vreg.gather [hbm4b:s2+s8], $0x80, v3, vm0, $0xb8;
	[tilespmem:$0x18400] =	vst v63  }
0x1b4: {  	s26 =	simm.s32 $0x12C00  }
0x1b5: {  	[tilespmem:s26], [sflag:$0x3] =	stream.indirect_vreg.gather [hbm4b:s9+s8], $0x80, v3, vm0, $0xb8;
	[tilespmem:$0x18400] =	vst v63  }
0x1b6: {  	s6 =	simm.s32 $0x13400;
	s21 =	simm.s32 $0x0  }
0x1b7: {  	[tilespmem:s6], [sflag:$0x3] =	stream.indirect_vreg.gather [hbm4b:s10+s8], $0x80, v3, vm0, $0xb8;
	[tilespmem:$0x18400] =	vst v63  }
0x1b8: {  	s16 =	simm.s32 $0x13C00;
	s5 =	sand.u32 $0x2000, s21  }
0x1b9: {  	[tilespmem:s16], [sflag:$0x3] =	stream.indirect_vreg.gather [hbm4b:s11+s8], $0x80, v3, vm0, $0xb8;
	[tilespmem:$0x18400] =	vst v63  }
0x1ba: {  	s25 =	sand.u32 $0x1C00, s8;
	s16 =	simm.s32 $0x0;
	_ =	swait.ge [sflag:s15], $0x4000  }
0x1bb: {  	s5 =	sor.u32 s25, s5;
	s26 =	sand.u32 $0x380, s16;
	[sflag:s15] =	ssyncset.done $0x0  }
0x1bc: {  	s6 =	sor.u32 s26, s5;
	[sflag:s15] =	ssyncadd.s32 $0xFFFFC000  }
0x1bd: {  	v10 =	vld [tilespmem:s6+$0x4400]  }
0x1be: {  	v9 =	vld [tilespmem:s6+$0x4410]  }
0x1bf: {  	v8 =	vld [tilespmem:s6+$0x4420]  }
0x1c0: {  	v7 =	vld [tilespmem:s6+$0x4430]  }
0x1c1: {  	v6 =	vld [tilespmem:s6+$0x4440]  }
0x1c2: {  	v5 =	vld [tilespmem:s6+$0x4450]  }
0x1c3: {  	v4 =	vld [tilespmem:s6+$0x4460]  }
0x1c4: {  	v3 =	vld [tilespmem:s6+$0x4470]  }
0x1c5: {  	v13 =	vld [tilespmem:s6+$0xC400]  }
0x1c6: {  	v12 =	vld [tilespmem:s6+$0xC410]  }
0x1c7: {  	s16 =	simm.s32 $0x0;
	v11 =	vld [tilespmem:s6+$0xC420]  }
.LBB2_13:
0x1c8: {  	s16 =	sadd.s32 $0x8, s16;
	v14 =	vld [tilespmem:s6+$0xC430]  }
0x1c9: {  	s8 =	sadd.s32 $0x400, s8;
	s5 =	sshll.u32 s16, $0x4;
	p1 =	slt.u32 s16, $0x3F8;
	v15 =	vld [tilespmem:s6+$0xC440]  }
0x1ca: {  	s21 =	sand.u32 $0x1C00, s8;
	s25 =	sshll.u32 s16, $0x1;
	s5 =	sand.u32 $0x2000, s5;
	v10 =	vadd.f32 v10, v13;
	v13 =	vld [tilespmem:s6+$0xC450]  }
0x1cb: {  	s5 =	sor.u32 s21, s5;
	s21 =	sand.u32 $0x380, s25;
	v9 =	vadd.f32 v9, v12;
	v12 =	vld [tilespmem:s6+$0xC460]  }
0x1cc: {  	s5 =	sor.u32 s21, s5;
	[tilespmem:s6+$0xC400] =	vst v10;
	v8 =	vadd.f32 v8, v11;
	v11 =	vld [tilespmem:s6+$0xC470]  }
0x1cd: {  	v10 =	vld [tilespmem:s5+$0x4400];
	[tilespmem:s6+$0xC410] =	vst v9;
	v7 =	vadd.f32 v7, v14  }
0x1ce: {  	v9 =	vld [tilespmem:s5+$0x4410];
	[tilespmem:s6+$0xC420] =	vst v8;
	v6 =	vadd.f32 v6, v15  }
0x1cf: {  	v8 =	vld [tilespmem:s5+$0x4420];
	[tilespmem:s6+$0xC430] =	vst v7;
	v5 =	vadd.f32 v5, v13  }
0x1d0: {  	v7 =	vld [tilespmem:s5+$0x4430];
	[tilespmem:s6+$0xC440] =	vst v6;
	v4 =	vadd.f32 v4, v12  }
0x1d1: {  	v6 =	vld [tilespmem:s5+$0x4440];
	[tilespmem:s6+$0xC450] =	vst v5;
	v3 =	vadd.f32 v3, v11  }
0x1d2: {  	v5 =	vld [tilespmem:s5+$0x4450];
	[tilespmem:s6+$0xC460] =	vst v4  }
.Ltmp7:
0x1d3: {  	v4 =	vld [tilespmem:s5+$0x4460];
	[tilespmem:s6+$0xC470] =	vst v3;
	s6 =	smov.u32 s5;
	(pc) =	sbr.rel @p1 .LBB2_13-.Ltmp7, $4  }
0x1d4: {  	v3 =	vld [tilespmem:s6+$0x4470]  }
0x1d5: {  	v13 =	vld [tilespmem:s6+$0xC400]  }
0x1d6: {  	v12 =	vld [tilespmem:s6+$0xC410]  }
0x1d7: {  	v11 =	vld [tilespmem:s6+$0xC420]  }
0x1d8: {  	v14 =	vld [tilespmem:s6+$0xC430]  }
0x1d9: {  	v15 =	vld [tilespmem:s6+$0xC440]  }
0x1da: {  	v10 =	vadd.f32 v10, v13;
	v13 =	vld [tilespmem:s6+$0xC450]  }
0x1db: {  	v9 =	vadd.f32 v9, v12;
	v12 =	vld [tilespmem:s6+$0xC460]  }
0x1dc: {  	[tilespmem:s6+$0xC400] =	vst v10;
	v8 =	vadd.f32 v8, v11;
	v10 =	vld [tilespmem:s6+$0xC470]  }
0x1dd: {  	[tilespmem:s6+$0xC410] =	vst v9;
	v7 =	vadd.f32 v7, v14  }
0x1de: {  	v6 =	vadd.f32 v6, v15;
	[tilespmem:s6+$0xC420] =	vst v8  }
0x1df: {  	[tilespmem:s6+$0xC430] =	vst v7;
	v5 =	vadd.f32 v5, v13  }
0x1e0: {  	s5 =	rddreg [dreg:$0x8];
	[tilespmem:s6+$0xC440] =	vst v6;
	v4 =	vadd.f32 v4, v12  }
0x1e1: {  	s5 =	sadd.s32 s5, s1;
	[tilespmem:s6+$0xC450] =	vst v5;
	v3 =	vadd.f32 v3, v10  }
0x1e2: {  	s5 =	sshll.u32 s5, $0x7;
	[tilespmem:s6+$0xC460] =	vst v4  }
0x1e3: {  	s8 =	simm.s32 $0x0;
	s16 =	simm.s32 $0x8;
	s5 =	sadd.s32 s3, s5;
	[tilespmem:s6+$0xC470] =	vst v3  }
0x1e4: {  	[hbm4b:s5+s8] =	stream.linear.scatter [tilespmem:s29], [sflag:$0x6], $0x4000, $0x38;
	[tilespmem:$0x18400] =	vst v63  }
0x1e5: {  	_ =	swait.ge [sflag:s16], $0x4000  }
0x1e6: {  	s0 =	sor.u32 s20, s0;
	[sflag:s16] =	ssyncset.done $0x0  }
0x1e7: {  	s0 =	sor.u32 $0x180, s0;
	[sflag:s16] =	ssyncadd.s32 $0xFFFFC000  }
0x1e8: {  	v3 =	vld [tilespmem:s0+$0x0];
	_ =	sdelay $0x4  }
0x1e9: {  	v4 =	vshll.u32 v3, $0x3  }
0x1ea: {  	v3 =	vand.u32 $0x7, v3;
	v4 =	vand.u32 $0xFFFFFFC0, v4  }
0x1eb: {  	v3 =	vor.u32 v3, v4  }
0x1ec: {  	v4 =	vperm.xlane v3, v0;
	_ =	sdelay $0x1  }
0x1ed: {  	v4 =	vadd.s32 v1, v4;
	_ =	sdelay $0x4  }
0x1ee: {  	[tilespmem:s30], [sflag:$0x4] =	stream.indirect_vreg.gather [hbm4b:s2+s8], $0x80, v4, vm0, $0xb8;
	[tilespmem:$0x18400] =	vst v63  }
0x1ef: {  	s20 =	simm.s32 $0x14C00;
	v3 =	vperm.xlane v3, v2  }
0x1f0: {  	[tilespmem:s20], [sflag:$0x4] =	stream.indirect_vreg.gather [hbm4b:s9+s8], $0x80, v4, vm0, $0xb8;
	[tilespmem:$0x18400] =	vst v63  }
0x1f1: {  	s21 =	simm.s32 $0x15400;
	v3 =	vadd.s32 v1, v3  }
0x1f2: {  	[tilespmem:s21], [sflag:$0x4] =	stream.indirect_vreg.gather [hbm4b:s10+s8], $0x80, v4, vm0, $0xb8;
	[tilespmem:$0x18400] =	vst v63  }
0x1f3: {  	s25 =	simm.s32 $0x15C00  }
0x1f4: {  	[tilespmem:s25], [sflag:$0x4] =	stream.indirect_vreg.gather [hbm4b:s11+s8], $0x80, v4, vm0, $0xb8;
	[tilespmem:$0x18400] =	vst v63  }
0x1f5: {  	s26 =	simm.s32 $0x16400  }
0x1f6: {  	[tilespmem:s26], [sflag:$0x4] =	stream.indirect_vreg.gather [hbm4b:s2+s8], $0x80, v3, vm0, $0xb8;
	[tilespmem:$0x18400] =	vst v63  }
0x1f7: {  	s5 =	simm.s32 $0x16C00  }
0x1f8: {  	[tilespmem:s5], [sflag:$0x4] =	stream.indirect_vreg.gather [hbm4b:s9+s8], $0x80, v3, vm0, $0xb8;
	[tilespmem:$0x18400] =	vst v63  }
0x1f9: {  	s6 =	simm.s32 $0x17400;
	s20 =	simm.s32 $0x0  }
0x1fa: {  	[tilespmem:s6], [sflag:$0x4] =	stream.indirect_vreg.gather [hbm4b:s10+s8], $0x80, v3, vm0, $0xb8;
	[tilespmem:$0x18400] =	vst v63  }
0x1fb: {  	s16 =	simm.s32 $0x17C00;
	s0 =	sand.u32 $0x2000, s20  }
0x1fc: {  	[tilespmem:s16], [sflag:$0x4] =	stream.indirect_vreg.gather [hbm4b:s11+s8], $0x80, v3, vm0, $0xb8;
	[tilespmem:$0x18400] =	vst v63  }
0x1fd: {  	s21 =	sand.u32 $0x1C00, s8;
	s25 =	simm.s32 $0x0;
	_ =	swait.ge [sflag:s22], $0x4000  }
0x1fe: {  	s0 =	sor.u32 s21, s0;
	s26 =	sand.u32 $0x380, s25;
	[sflag:s22] =	ssyncset.done $0x0  }
0x1ff: {  	s0 =	sor.u32 s26, s0;
	[sflag:s22] =	ssyncadd.s32 $0xFFFFC000  }
0x200: {  	v10 =	vld [tilespmem:s0+$0x4400]  }
0x201: {  	v9 =	vld [tilespmem:s0+$0x4410]  }
0x202: {  	v8 =	vld [tilespmem:s0+$0x4420]  }
0x203: {  	v7 =	vld [tilespmem:s0+$0x4430]  }
0x204: {  	v6 =	vld [tilespmem:s0+$0x4440]  }
0x205: {  	v5 =	vld [tilespmem:s0+$0x4450]  }
0x206: {  	v4 =	vld [tilespmem:s0+$0x4460]  }
0x207: {  	v3 =	vld [tilespmem:s0+$0x4470]  }
0x208: {  	v13 =	vld [tilespmem:s0+$0x10400]  }
0x209: {  	v12 =	vld [tilespmem:s0+$0x10410]  }
0x20a: {  	s6 =	simm.s32 $0x0;
	v11 =	vld [tilespmem:s0+$0x10420]  }
.LBB2_15:
0x20b: {  	s6 =	sadd.s32 $0x8, s6;
	v14 =	vld [tilespmem:s0+$0x10430]  }
0x20c: {  	s8 =	sadd.s32 $0x400, s8;
	s5 =	sshll.u32 s6, $0x4;
	p1 =	slt.u32 s6, $0x3F8;
	v15 =	vld [tilespmem:s0+$0x10440]  }
0x20d: {  	s16 =	sand.u32 $0x1C00, s8;
	s20 =	sshll.u32 s6, $0x1;
	s5 =	sand.u32 $0x2000, s5;
	v10 =	vadd.f32 v10, v13;
	v13 =	vld [tilespmem:s0+$0x10450]  }
0x20e: {  	s5 =	sor.u32 s16, s5;
	s16 =	sand.u32 $0x380, s20;
	v9 =	vadd.f32 v9, v12;
	v12 =	vld [tilespmem:s0+$0x10460]  }
0x20f: {  	s5 =	sor.u32 s16, s5;
	[tilespmem:s0+$0x10400] =	vst v10;
	v8 =	vadd.f32 v8, v11;
	v11 =	vld [tilespmem:s0+$0x10470]  }
0x210: {  	v10 =	vld [tilespmem:s5+$0x4400];
	[tilespmem:s0+$0x10410] =	vst v9;
	v7 =	vadd.f32 v7, v14  }
0x211: {  	v9 =	vld [tilespmem:s5+$0x4410];
	[tilespmem:s0+$0x10420] =	vst v8;
	v6 =	vadd.f32 v6, v15  }
0x212: {  	v8 =	vld [tilespmem:s5+$0x4420];
	[tilespmem:s0+$0x10430] =	vst v7;
	v5 =	vadd.f32 v5, v13  }
0x213: {  	v7 =	vld [tilespmem:s5+$0x4430];
	[tilespmem:s0+$0x10440] =	vst v6;
	v4 =	vadd.f32 v4, v12  }
0x214: {  	v6 =	vld [tilespmem:s5+$0x4440];
	[tilespmem:s0+$0x10450] =	vst v5;
	v3 =	vadd.f32 v3, v11  }
0x215: {  	v5 =	vld [tilespmem:s5+$0x4450];
	[tilespmem:s0+$0x10460] =	vst v4  }
.Ltmp8:
0x216: {  	v4 =	vld [tilespmem:s5+$0x4460];
	[tilespmem:s0+$0x10470] =	vst v3;
	s0 =	smov.u32 s5;
	(pc) =	sbr.rel @p1 .LBB2_15-.Ltmp8, $4  }
0x217: {  	v3 =	vld [tilespmem:s0+$0x4470]  }
0x218: {  	v13 =	vld [tilespmem:s0+$0x10400]  }
0x219: {  	v12 =	vld [tilespmem:s0+$0x10410]  }
0x21a: {  	v11 =	vld [tilespmem:s0+$0x10420]  }
0x21b: {  	v14 =	vld [tilespmem:s0+$0x10430]  }
0x21c: {  	v15 =	vld [tilespmem:s0+$0x10440]  }
0x21d: {  	v10 =	vadd.f32 v10, v13;
	v13 =	vld [tilespmem:s0+$0x10450]  }
0x21e: {  	v9 =	vadd.f32 v9, v12;
	v12 =	vld [tilespmem:s0+$0x10460]  }
0x21f: {  	[tilespmem:s0+$0x10400] =	vst v10;
	v8 =	vadd.f32 v8, v11;
	v10 =	vld [tilespmem:s0+$0x10470]  }
0x220: {  	[tilespmem:s0+$0x10410] =	vst v9;
	v7 =	vadd.f32 v7, v14  }
0x221: {  	v6 =	vadd.f32 v6, v15;
	[tilespmem:s0+$0x10420] =	vst v8  }
0x222: {  	[tilespmem:s0+$0x10430] =	vst v7;
	v5 =	vadd.f32 v5, v13  }
0x223: {  	[tilespmem:s0+$0x10440] =	vst v6;
	v4 =	vadd.f32 v4, v12  }
0x224: {  	s5 =	sadd.s32 s13, s1;
	[tilespmem:s0+$0x10450] =	vst v5;
	v3 =	vadd.f32 v3, v10  }
0x225: {  	s5 =	sshll.u32 s5, $0x7;
	[tilespmem:s0+$0x10460] =	vst v4  }
0x226: {  	p1 =	sgt.u32 s17, $0xE;
	s16 =	sadd.s32 s3, s5;
	[tilespmem:s0+$0x10470] =	vst v3  }
0x227: {  	[hbm4b:s16+s4] =	stream.linear.scatter [tilespmem:s18], [sflag:$0x7], $0x4000, $0x38;
	[tilespmem:$0x18400] =	vst v63  }
0x228: {  	s5 =	sshll.u32 @!p1 s7, $0x6;
	s0 =	sshll.u32 @!p1 s7, $0x4;
	_ =	swait.ge [sflag:s23], $0x4000  }
0x229: {  	s5 =	sand.u32 @!p1 $0x600, s5;
	s0 =	sand.u32 @!p1 $0x60, s0;
	[sflag:s23] =	ssyncset.done $0x0  }
0x22a: {  	s0 =	sor.u32 @!p1 s0, s5;
	[sflag:s23] =	ssyncadd.s32 $0xFFFFC000  }
0x22b: {  	v3 =	vld @!p1 [tilespmem:s0+$0x0];
	_ =	sdelay $0x4  }
0x22c: {  	v4 =	vshll.u32 @!p1 v3, $0x3  }
0x22d: {  	v5 =	vlaneseq.u32 @!p1;
	v3 =	vand.u32 @!p1 $0x7, v3;
	v4 =	vand.u32 @!p1 $0xFFFFFFC0, v4  }
0x22e: {  	v6 =	vshrl.u32 @!p1 v5, $0x3;
	v3 =	vor.u32 @!p1 v3, v4;
	v4 =	vand.u32 @!p1 $0x7, v5  }
0x22f: {  	v6 =	vmul.u32 @!p1 $0x8, v6;
	v4 =	vperm.xlane @!p1 v3, v4;
	_ =	sdelay $0x1  }
0x230: {  	v4 =	vadd.s32 @!p1 v6, v4;
	_ =	sdelay $0x3  }
0x231: {  	vm1 =	vmmov @!p1 $0xffff;
	s5 =	simm.s32 @!p1 $0x8400;
	s0 =	simm.s32 @!p1 $0x0  }
0x232: {  	v5 =	vor.u32 @!p1 $0x8, v5;
	[tilespmem:s5], [sflag:$0x1] =	stream.indirect_vreg.gather @!p1 [hbm4b:s2+s0], $0x80, v4, vm1, $0xb8;
	[tilespmem:$0x18400] =	vst v63  }
0x233: {  	v3 =	vperm.xlane @!p1 v3, v5;
	s5 =	simm.s32 @!p1 $0x8C00  }
0x234: {  	[tilespmem:s5], [sflag:$0x1] =	stream.indirect_vreg.gather @!p1 [hbm4b:s9+s0], $0x80, v4, vm1, $0xb8;
	[tilespmem:$0x18400] =	vst v63  }
0x235: {  	v3 =	vadd.s32 @!p1 v6, v3;
	s5 =	simm.s32 @!p1 $0x9400  }
0x236: {  	[tilespmem:s5], [sflag:$0x1] =	stream.indirect_vreg.gather @!p1 [hbm4b:s10+s0], $0x80, v4, vm1, $0xb8;
	[tilespmem:$0x18400] =	vst v63  }
0x237: {  	s5 =	simm.s32 @!p1 $0x9C00  }
0x238: {  	[tilespmem:s5], [sflag:$0x1] =	stream.indirect_vreg.gather @!p1 [hbm4b:s11+s0], $0x80, v4, vm1, $0xb8;
	[tilespmem:$0x18400] =	vst v63  }
0x239: {  	s5 =	simm.s32 @!p1 $0xA400  }
0x23a: {  	[tilespmem:s5], [sflag:$0x1] =	stream.indirect_vreg.gather @!p1 [hbm4b:s2+s0], $0x80, v3, vm1, $0xb8;
	[tilespmem:$0x18400] =	vst v63  }
0x23b: {  	s5 =	simm.s32 @!p1 $0xAC00  }
0x23c: {  	[tilespmem:s5], [sflag:$0x1] =	stream.indirect_vreg.gather @!p1 [hbm4b:s9+s0], $0x80, v3, vm1, $0xb8;
	[tilespmem:$0x18400] =	vst v63  }
0x23d: {  	s6 =	simm.s32 $0x0;
	s5 =	simm.s32 @!p1 $0xB400  }
0x23e: {  	[tilespmem:s5], [sflag:$0x1] =	stream.indirect_vreg.gather @!p1 [hbm4b:s10+s0], $0x80, v3, vm1, $0xb8;
	[tilespmem:$0x18400] =	vst v63  }
0x23f: {  	s20 =	simm.s32 $0x0;
	s25 =	simm.s32 $0x0;
	s5 =	simm.s32 @!p1 $0xBC00  }
0x240: {  	[tilespmem:s5], [sflag:$0x1] =	stream.indirect_vreg.gather @!p1 [hbm4b:s11+s0], $0x80, v3, vm1, $0xb8;
	[tilespmem:$0x18400] =	vst v63  }
0x241: {  	s21 =	sand.u32 $0x1C00, s6;
	s0 =	sand.u32 $0x2000, s20;
	_ =	swait.ge [sflag:s24], $0x4000  }
0x242: {  	s26 =	sand.u32 $0x380, s25;
	s0 =	sor.u32 s21, s0;
	[sflag:s24] =	ssyncset.done $0x0  }
0x243: {  	s0 =	sor.u32 s26, s0;
	[sflag:s24] =	ssyncadd.s32 $0xFFFFC000  }
0x244: {  	v10 =	vld [tilespmem:s0+$0x4400]  }
0x245: {  	v9 =	vld [tilespmem:s0+$0x4410]  }
0x246: {  	v8 =	vld [tilespmem:s0+$0x4420]  }
0x247: {  	v7 =	vld [tilespmem:s0+$0x4430]  }
0x248: {  	v6 =	vld [tilespmem:s0+$0x4440]  }
0x249: {  	v5 =	vld [tilespmem:s0+$0x4450]  }
0x24a: {  	v4 =	vld [tilespmem:s0+$0x4460]  }
0x24b: {  	v3 =	vld [tilespmem:s0+$0x4470]  }
0x24c: {  	v13 =	vld [tilespmem:s0+$0x14400]  }
0x24d: {  	v12 =	vld [tilespmem:s0+$0x14410]  }
0x24e: {  	s7 =	simm.s32 $0x0;
	v11 =	vld [tilespmem:s0+$0x14420]  }
.LBB2_17:
0x24f: {  	s7 =	sadd.s32 $0x8, s7;
	v14 =	vld [tilespmem:s0+$0x14430]  }
0x250: {  	s6 =	sadd.s32 $0x400, s6;
	s5 =	sshll.u32 s7, $0x4;
	p1 =	slt.u32 s7, $0x3F8;
	v15 =	vld [tilespmem:s0+$0x14440]  }
0x251: {  	s8 =	sand.u32 $0x1C00, s6;
	s16 =	sshll.u32 s7, $0x1;
	s5 =	sand.u32 $0x2000, s5;
	v10 =	vadd.f32 v10, v13;
	v13 =	vld [tilespmem:s0+$0x14450]  }
0x252: {  	s5 =	sor.u32 s8, s5;
	s8 =	sand.u32 $0x380, s16;
	v9 =	vadd.f32 v9, v12;
	v12 =	vld [tilespmem:s0+$0x14460]  }
0x253: {  	s5 =	sor.u32 s8, s5;
	[tilespmem:s0+$0x14400] =	vst v10;
	v8 =	vadd.f32 v8, v11;
	v11 =	vld [tilespmem:s0+$0x14470]  }
0x254: {  	v10 =	vld [tilespmem:s5+$0x4400];
	[tilespmem:s0+$0x14410] =	vst v9;
	v7 =	vadd.f32 v7, v14  }
0x255: {  	v9 =	vld [tilespmem:s5+$0x4410];
	[tilespmem:s0+$0x14420] =	vst v8;
	v6 =	vadd.f32 v6, v15  }
0x256: {  	v8 =	vld [tilespmem:s5+$0x4420];
	[tilespmem:s0+$0x14430] =	vst v7;
	v5 =	vadd.f32 v5, v13  }
0x257: {  	v7 =	vld [tilespmem:s5+$0x4430];
	[tilespmem:s0+$0x14440] =	vst v6;
	v4 =	vadd.f32 v4, v12  }
0x258: {  	v6 =	vld [tilespmem:s5+$0x4440];
	[tilespmem:s0+$0x14450] =	vst v5;
	v3 =	vadd.f32 v3, v11  }
0x259: {  	v5 =	vld [tilespmem:s5+$0x4450];
	[tilespmem:s0+$0x14460] =	vst v4  }
.Ltmp9:
0x25a: {  	v4 =	vld [tilespmem:s5+$0x4460];
	[tilespmem:s0+$0x14470] =	vst v3;
	s0 =	smov.u32 s5;
	(pc) =	sbr.rel @p1 .LBB2_17-.Ltmp9, $4  }
0x25b: {  	v3 =	vld [tilespmem:s0+$0x4470]  }
0x25c: {  	v13 =	vld [tilespmem:s0+$0x14400]  }
0x25d: {  	v12 =	vld [tilespmem:s0+$0x14410]  }
0x25e: {  	v11 =	vld [tilespmem:s0+$0x14420]  }
0x25f: {  	v14 =	vld [tilespmem:s0+$0x14430]  }
0x260: {  	v15 =	vld [tilespmem:s0+$0x14440]  }
0x261: {  	v61 =	vld [tilespmem:s0+$0x14450];
	v10 =	vadd.f32 v10, v13  }
0x262: {  	v62 =	vld [tilespmem:s0+$0x14460];
	v9 =	vadd.f32 v9, v12  }
0x263: {  	v63 =	vld [tilespmem:s0+$0x14470];
	[tilespmem:s0+$0x14400] =	vst v10;
	v8 =	vadd.f32 v8, v11  }
0x264: {  	[tilespmem:s0+$0x14410] =	vst v9;
	v7 =	vadd.f32 v7, v14  }
0x265: {  	v6 =	vadd.f32 v6, v15;
	[tilespmem:s0+$0x14420] =	vst v8  }
0x266: {  	v5 =	vadd.f32 v5, v61;
	[tilespmem:s0+$0x14430] =	vst v7  }
.Ltmp10:
0x267: {  	v4 =	vadd.f32 v4, v62;
	[tilespmem:s0+$0x14440] =	vst v6;
	(pc) =	sbr.rel @p0 .LBB2_20-.Ltmp10, $4  }
0x268: {  	s1 =	sadd.s32 s14, s1;
	v3 =	vadd.f32 v3, v63;
	[tilespmem:s0+$0x14450] =	vst v5  }
0x269: {  	s1 =	sshll.u32 s1, $0x7;
	[tilespmem:s0+$0x14460] =	vst v4  }
0x26a: {  	s26 =	sadd.s32 s3, s1;
	[tilespmem:s0+$0x14470] =	vst v3  }
0x26b: {  	[hbm4b:s26+s4] =	stream.linear.scatter [tilespmem:s30], [sflag:$0x8], $0x4000, $0x38;
	[tilespmem:$0x18400] =	vst v63  }
.Ltmp11:
0x26c: {  	(pc) =	sbr.rel .LBB2_2-.Ltmp11, $4  }
0x26d: {  	_ = 	snop  }
0x26e: {  	s0 =	sshll.u32 s31, $0xC;
	s1 =	rddreg [dreg:$0x9]  }
0x26f: {  	s26 =	simm.s32 $0x4400;
	s31 =	sadd.s32 $0x1, s31;
	s0 =	sadd.s32 s0, s1  }
0x270: {  	[tilespmem:s26], [sflag:$0xA] =	stream.linear.gather [hbm4b:s0+s4], $0x4000, $0x38;
	[tilespmem:$0x18400] =	vst v63  }
.LBB2_21:
0x271: {  	_ =	sfence.sel $0x180000  }
0x272: {  	[bflag:$0x0] =	sbarrier.arrive $0xFFFF  }
0x273: {  	_ =	strace $0x90000047  }
0x274: {  	s0 =	stileid.u32;
	[bflag:$0x2] =	sbarrier.arrive $0xFFFF  }
0x275: {  	p0 =	sne.s32 s0, $0x0;
	s0 =	rddreg [dreg:$0x4]  }
0x276: {  	s0 =	sadd.s32 @!p0 $0x100000, s0  }
0x277: {  	[sflag:s0] =	ssyncadd.tile.s32 @!p0 $0x1;
	_ =	shalt  }
.Lfunc_end2:
_tile_overlayer_lowered:
.L_overlay_start_2:
0x278: {  	(tag) =	ssettag $0x2  }
0x279: {  	s0 =	rddreg [dreg:$0x0];
	s2 =	stileid.u32  }
0x27a: {  	s1 =	rddreg [dreg:$0x1];
	p0 =	sne.s32 s2, $0x0  }
0x27b: {  	s3 =	rddreg [dreg:$0x2];
	[bflag:$0x3] =	sbarrier.arrive $0xFFFF;
	s2 =	simm.s32 @!p0 $0x1C0B  }
0x27c: {  	[timem:s3], [sflag:s2] =	dma.local @!p0 [hbm:s0], s1  }
0x27d: {  	s0 =	simm.s32 @!p0 $0xB  }
0x27e: {  	_ =	swait.ge @!p0 [sflag:s0], s1  }
0x27f: {  	s1 =	ssub.s32 @!p0 $0x0, s1;
	[sflag:s0] =	ssyncset.done @!p0 $0x0  }
0x280: {  	[sflag:s0] =	ssyncadd.s32 @!p0 s1  }
0x281: {  	[bflag:$0x3] =	sbarrier.arrive $0xFFFF  }
0x282: {  	_ =	shalt  }

</sc_bundles>
